<compile_context>
chip_gen: v7x
topology: tpu7x:2x2x1
jax: 0.10.2.dev20260603
libtpu: 0.0.44.dev20260713+nightly
codegen_flags: <defaults>
</compile_context>

<pallas_src>
import functools

import jax
import jax.numpy as jnp
from jax import lax
from jax.experimental import pallas as pl
from jax.experimental.pallas import tpu as pltpu
from jax.experimental.pallas import tpu_sc as plsc

_NB = 4


@functools.partial(jax.jit, static_argnums=(2,))
def _lookup(x, table, nc):
    b, s = x.shape
    v, d = table.shape
    nw = nc * plsc.get_sparse_core_info().num_subcores
    rows_per_w = b // nw
    n_chunks = rows_per_w // _NB
    assert n_chunks % 2 == 0 and n_chunks >= 4
    segs = []
    off = 0
    while off < s:
        ln = min(128, s - off)
        segs.append((off, ln))
        off += ln

    mesh = plsc.VectorSubcoreMesh(core_axis_name="c", subcore_axis_name="s")

    @functools.partial(
        pl.kernel,
        mesh=mesh,
        out_type=jax.ShapeDtypeStruct((b, s, d), jnp.float32),
        compiler_params=pltpu.CompilerParams(
            use_tc_tiling_on_sc=False,
            allow_input_fusion=[True, True],
        ),
        scratch_types=[
            pltpu.VMEM((_NB, s), jnp.int32),
            pltpu.VMEM((_NB, s), jnp.int32),
            pltpu.VMEM((_NB, s, d), jnp.float32),
            pltpu.VMEM((_NB, s, d), jnp.float32),
            pltpu.SemaphoreType.DMA,
            pltpu.SemaphoreType.DMA,
            pltpu.SemaphoreType.DMA,
            pltpu.SemaphoreType.DMA,
            pltpu.SemaphoreType.DMA,
        ],
    )
    def body(x_hbm, table_hbm, out_hbm, idx0, idx1, rows0, rows1,
             sem_l0, sem_l1, sem_w0, sem_w1, sem_g):
        wid = lax.axis_index("s") * nc + lax.axis_index("c")
        base_b = wid * rows_per_w
        idx_b = (idx0, idx1)
        rows_b = (rows0, rows1)
        sem_l = (sem_l0, sem_l1)
        sem_w = (sem_w0, sem_w1)

        def idx_src(c):
            return x_hbm.at[pl.ds(base_b + c * _NB, _NB), :]

        def out_dst(c):
            return out_hbm.at[pl.ds(base_b + c * _NB, _NB)]

        def fire_gathers(bf):
            return [
                pltpu.async_copy(
                    table_hbm.at[idx_b[bf].at[i, pl.ds(o, ln)]],
                    rows_b[bf].at[i, pl.ds(o, ln)],
                    sem_g,
                )
                for i in range(_NB)
                for (o, ln) in segs
            ]

        for bf in range(2):
            pltpu.sync_copy(idx_src(bf), idx_b[bf])
            for cp in fire_gathers(bf):
                cp.wait()
            pltpu.async_copy(idx_src(bf + 2), idx_b[bf], sem_l[bf])
            pltpu.async_copy(rows_b[bf], out_dst(bf), sem_w[bf])

        def steady(it, carry):
            g0 = 2 + 2 * it
            for bf in range(2):
                c = g0 + bf
                pltpu.make_async_copy(idx_src(c), idx_b[bf], sem_l[bf]).wait()
                pltpu.make_async_copy(rows_b[bf], out_dst(c), sem_w[bf]).wait()
                for cp in fire_gathers(bf):
                    cp.wait()
                pltpu.async_copy(idx_src(c + 2), idx_b[bf], sem_l[bf])
                pltpu.async_copy(rows_b[bf], out_dst(c), sem_w[bf])
            return carry

        lax.fori_loop(0, (n_chunks - 4) // 2, steady, 0, unroll=False)

        for bf in range(2):
            c = n_chunks - 2 + bf
            pltpu.make_async_copy(idx_src(c), idx_b[bf], sem_l[bf]).wait()
            pltpu.make_async_copy(rows_b[bf], out_dst(c), sem_w[bf]).wait()
            for cp in fire_gathers(bf):
                cp.wait()
            cp = pltpu.async_copy(rows_b[bf], out_dst(c), sem_w[bf])
            cp.wait()

    return body(x, table)


def kernel(x, table):
    nc = plsc.get_sparse_core_info().num_cores
    return _lookup(x, table, nc)

# --- scband reference (transcript-rebuilt; emitter-appended) ---
"""Pipeline reference for scband-token-embedding-31464930410748 (READ-ONLY COPY).

The authoritative reference and input builder live on the scoring server;
editing this copy changes nothing except your own understanding.
"""

import jax, jax.numpy as jnp
import numpy as np

NUM_TOKENS = 1000000
EMBED_DIM = 64

def setup_inputs(seed: int = 0) -> dict:
    key = jax.random.key(seed)
    k1, k2 = jax.random.split(key)
    x = jax.random.randint(k1, (4096, 200), 0, NUM_TOKENS, dtype=jnp.int64 if jax.config.jax_enable_x64 else jnp.int32).astype(jnp.int32)
    # nn.Embedding default init: N(0, 1)
    table = jax.random.normal(k2, (NUM_TOKENS, EMBED_DIM), dtype=jnp.float32)
    return {"x": x, "table": table}

def reference(x, table):
    # Embedding lookup: (B, S) -> (B, S, D)
    return jnp.take(table, x, axis=0)

if __name__ == "__main__":
    import jax
    _d = setup_inputs()
    print(jax.jit(kernel)(*tuple(_d.values())))

</pallas_src>

<mosaic_0001>
#map = affine_map<(d0, d1) -> (0, 0)>
#map1 = affine_map<(d0, d1) -> (0, 0, 0)>
module attributes {stable_mosaic.version = 14 : i64} {
  func.func @body(%arg0: i32, %arg1: i32, %arg2: memref<4096x200xi32, #tpu.memory_space<hbm>>, %arg3: memref<1000000x64xf32, #tpu.memory_space<hbm>>, %arg4: memref<4096x200x64xf32, #tpu.memory_space<hbm>>, %arg5: memref<4x200xi32, #tpu.memory_space<vmem>>, %arg6: memref<4x200xi32, #tpu.memory_space<vmem>>, %arg7: memref<4x200x64xf32, #tpu.memory_space<vmem>>, %arg8: memref<4x200x64xf32, #tpu.memory_space<vmem>>, %arg9: memref<!tpu.dma_semaphore, #tpu.memory_space<semaphore_mem>>, %arg10: memref<!tpu.dma_semaphore, #tpu.memory_space<semaphore_mem>>, %arg11: memref<!tpu.dma_semaphore, #tpu.memory_space<semaphore_mem>>, %arg12: memref<!tpu.dma_semaphore, #tpu.memory_space<semaphore_mem>>, %arg13: memref<!tpu.dma_semaphore, #tpu.memory_space<semaphore_mem>>) attributes {dimension_semantics = [#tpu.dimension_semantics<core_parallel>, #tpu.dimension_semantics<subcore_parallel>], iteration_bounds = array<i64: 2, 16>, scalar_prefetch = 0 : i64, scratch_operands = 9 : i64, tpu.core_type = #tpu.core_type<sc_vector_subcore>, window_params = [{transform_indices = #map}, {transform_indices = #map}, {transform_indices = #map1}]} {
    %mul3A = arith.constant 2 : i32
    %mul3A_0 = arith.muli %arg1, %mul3A : i32
    %add3A = arith.addi %mul3A_0, %arg0 : i32
    %mul3A_1 = arith.constant 128 : i32
    %mul3A_2 = arith.muli %add3A, %mul3A_1 : i32
    %add3A_3 = arith.constant 0 : i32
    %add3A_4 = arith.addi %mul3A_2, %add3A_3 : i32
    "tpu.region"() ({
      %run_scoped3A = tpu.sem_alloc : memref<!tpu.dma_semaphore, #tpu.memory_space<semaphore_mem>>
      %dma_start3A_862 = arith.constant 0 : i32
      %dma_start3A_863 = tpu.memref_slice %arg2[%add3A_4, %dma_start3A_862] : memref<4096x200xi32, #tpu.memory_space<hbm>> -> memref<4x200xi32, #tpu.memory_space<hbm>>
      %dma_start3A_864 = arith.constant 0 : i32
      %dma_start3A_865 = tpu.memref_slice %arg2[%add3A_4, %dma_start3A_864] : memref<4096x200xi32, #tpu.memory_space<hbm>> -> memref<4x200xi32, #tpu.memory_space<hbm>>
      tpu.enqueue_dma source(%dma_start3A_865 : memref<4x200xi32, #tpu.memory_space<hbm>>) target(%arg5 : memref<4x200xi32, #tpu.memory_space<vmem>>) target_semaphore(%run_scoped3A : memref<!tpu.dma_semaphore, #tpu.memory_space<semaphore_mem>>)
      %dma_wait3A_866 = arith.constant 0 : i32
      %dma_wait3A_867 = tpu.memref_slice %arg2[%add3A_4, %dma_wait3A_866] : memref<4096x200xi32, #tpu.memory_space<hbm>> -> memref<4x200xi32, #tpu.memory_space<hbm>>
      %dma_wait3A_868 = arith.constant 0 : i32
      %dma_wait3A_869 = tpu.memref_slice %arg2[%add3A_4, %dma_wait3A_868] : memref<4096x200xi32, #tpu.memory_space<hbm>> -> memref<4x200xi32, #tpu.memory_space<hbm>>
      tpu.wait_dma2 semaphore(%run_scoped3A : memref<!tpu.dma_semaphore, #tpu.memory_space<semaphore_mem>>) src(%dma_wait3A_869 : memref<4x200xi32, #tpu.memory_space<hbm>>) dst(%arg5 : memref<4x200xi32, #tpu.memory_space<vmem>>)
      tpu.yield
    }) : () -> ()
    %dma_start3A = arith.constant 0 : i32
    %dma_start3A_5 = arith.constant 0 : i32
    %dma_start3A_6 = arith.constant 0 : i32
    %dma_start3A_7 = arith.constant 0 : i32
    %dma_start3A_8 = tpu.memref_slice %arg7[%dma_start3A_5, %dma_start3A_6, %dma_start3A_7] : memref<4x200x64xf32, #tpu.memory_space<vmem>> -> memref<1x128x64xf32, #tpu.memory_space<vmem>>
    %dma_start3A_9 = tpu.memref_squeeze %dma_start3A_8 : memref<1x128x64xf32, #tpu.memory_space<vmem>> -> memref<128x64xf32, #tpu.memory_space<vmem>>
    %dma_start3A_10 = arith.constant 0 : i32
    %dma_start3A_11 = tpu.memref_slice %arg5[%dma_start3A, %dma_start3A_10] : memref<4x200xi32, #tpu.memory_space<vmem>> -> memref<1x128xi32, #tpu.memory_space<vmem>>
    %dma_start3A_12 = tpu.memref_squeeze %dma_start3A_11 : memref<1x128xi32, #tpu.memory_space<vmem>> -> memref<128xi32, #tpu.memory_space<vmem>>
    %dma_start3A_13 = arith.constant 0 : i32
    %dma_start3A_14 = arith.constant 0 : i32
    %dma_start3A_15 = tpu.memref_slice %arg3[%dma_start3A_13, %dma_start3A_14] : memref<1000000x64xf32, #tpu.memory_space<hbm>> -> memref<1000000x64xf32, #tpu.memory_space<hbm>>
    tpu.enqueue_indirect_dma source(%dma_start3A_15 : memref<1000000x64xf32, #tpu.memory_space<hbm>>) target(%dma_start3A_9 : memref<128x64xf32, #tpu.memory_space<vmem>>) offsets(%dma_start3A_12 : memref<128xi32, #tpu.memory_space<vmem>>) semaphore(%arg13 : memref<!tpu.dma_semaphore, #tpu.memory_space<semaphore_mem>>)
    %dma_start3A_16 = arith.constant 0 : i32
    %dma_start3A_17 = arith.constant 0 : i32
    %dma_start3A_18 = arith.constant 128 : i32
    %dma_start3A_19 = arith.constant 0 : i32
    %dma_start3A_20 = tpu.memref_slice %arg7[%dma_start3A_17, %dma_start3A_18, %dma_start3A_19] : memref<4x200x64xf32, #tpu.memory_space<vmem>> -> memref<1x72x64xf32, #tpu.memory_space<vmem>>
    %dma_start3A_21 = tpu.memref_squeeze %dma_start3A_20 : memref<1x72x64xf32, #tpu.memory_space<vmem>> -> memref<72x64xf32, #tpu.memory_space<vmem>>
    %dma_start3A_22 = arith.constant 128 : i32
    %dma_start3A_23 = tpu.memref_slice %arg5[%dma_start3A_16, %dma_start3A_22] : memref<4x200xi32, #tpu.memory_space<vmem>> -> memref<1x72xi32, #tpu.memory_space<vmem>>
    %dma_start3A_24 = tpu.memref_squeeze %dma_start3A_23 : memref<1x72xi32, #tpu.memory_space<vmem>> -> memref<72xi32, #tpu.memory_space<vmem>>
    %dma_start3A_25 = arith.constant 0 : i32
    %dma_start3A_26 = arith.constant 0 : i32
    %dma_start3A_27 = tpu.memref_slice %arg3[%dma_start3A_25, %dma_start3A_26] : memref<1000000x64xf32, #tpu.memory_space<hbm>> -> memref<1000000x64xf32, #tpu.memory_space<hbm>>
    tpu.enqueue_indirect_dma source(%dma_start3A_27 : memref<1000000x64xf32, #tpu.memory_space<hbm>>) target(%dma_start3A_21 : memref<72x64xf32, #tpu.memory_space<vmem>>) offsets(%dma_start3A_24 : memref<72xi32, #tpu.memory_space<vmem>>) semaphore(%arg13 : memref<!tpu.dma_semaphore, #tpu.memory_space<semaphore_mem>>)
    %dma_start3A_28 = arith.constant 1 : i32
    %dma_start3A_29 = arith.constant 1 : i32
    %dma_start3A_30 = arith.constant 0 : i32
    %dma_start3A_31 = arith.constant 0 : i32
    %dma_start3A_32 = tpu.memref_slice %arg7[%dma_start3A_29, %dma_start3A_30, %dma_start3A_31] : memref<4x200x64xf32, #tpu.memory_space<vmem>> -> memref<1x128x64xf32, #tpu.memory_space<vmem>>
    %dma_start3A_33 = tpu.memref_squeeze %dma_start3A_32 : memref<1x128x64xf32, #tpu.memory_space<vmem>> -> memref<128x64xf32, #tpu.memory_space<vmem>>
    %dma_start3A_34 = arith.constant 0 : i32
    %dma_start3A_35 = tpu.memref_slice %arg5[%dma_start3A_28, %dma_start3A_34] : memref<4x200xi32, #tpu.memory_space<vmem>> -> memref<1x128xi32, #tpu.memory_space<vmem>>
    %dma_start3A_36 = tpu.memref_squeeze %dma_start3A_35 : memref<1x128xi32, #tpu.memory_space<vmem>> -> memref<128xi32, #tpu.memory_space<vmem>>
    %dma_start3A_37 = arith.constant 0 : i32
    %dma_start3A_38 = arith.constant 0 : i32
    %dma_start3A_39 = tpu.memref_slice %arg3[%dma_start3A_37, %dma_start3A_38] : memref<1000000x64xf32, #tpu.memory_space<hbm>> -> memref<1000000x64xf32, #tpu.memory_space<hbm>>
    tpu.enqueue_indirect_dma source(%dma_start3A_39 : memref<1000000x64xf32, #tpu.memory_space<hbm>>) target(%dma_start3A_33 : memref<128x64xf32, #tpu.memory_space<vmem>>) offsets(%dma_start3A_36 : memref<128xi32, #tpu.memory_space<vmem>>) semaphore(%arg13 : memref<!tpu.dma_semaphore, #tpu.memory_space<semaphore_mem>>)
    %dma_start3A_40 = arith.constant 1 : i32
    %dma_start3A_41 = arith.constant 1 : i32
    %dma_start3A_42 = arith.constant 128 : i32
    %dma_start3A_43 = arith.constant 0 : i32
    %dma_start3A_44 = tpu.memref_slice %arg7[%dma_start3A_41, %dma_start3A_42, %dma_start3A_43] : memref<4x200x64xf32, #tpu.memory_space<vmem>> -> memref<1x72x64xf32, #tpu.memory_space<vmem>>
    %dma_start3A_45 = tpu.memref_squeeze %dma_start3A_44 : memref<1x72x64xf32, #tpu.memory_space<vmem>> -> memref<72x64xf32, #tpu.memory_space<vmem>>
    %dma_start3A_46 = arith.constant 128 : i32
    %dma_start3A_47 = tpu.memref_slice %arg5[%dma_start3A_40, %dma_start3A_46] : memref<4x200xi32, #tpu.memory_space<vmem>> -> memref<1x72xi32, #tpu.memory_space<vmem>>
    %dma_start3A_48 = tpu.memref_squeeze %dma_start3A_47 : memref<1x72xi32, #tpu.memory_space<vmem>> -> memref<72xi32, #tpu.memory_space<vmem>>
    %dma_start3A_49 = arith.constant 0 : i32
    %dma_start3A_50 = arith.constant 0 : i32
    %dma_start3A_51 = tpu.memref_slice %arg3[%dma_start3A_49, %dma_start3A_50] : memref<1000000x64xf32, #tpu.memory_space<hbm>> -> memref<1000000x64xf32, #tpu.memory_space<hbm>>
    tpu.enqueue_indirect_dma source(%dma_start3A_51 : memref<1000000x64xf32, #tpu.memory_space<hbm>>) target(%dma_start3A_45 : memref<72x64xf32, #tpu.memory_space<vmem>>) offsets(%dma_start3A_48 : memref<72xi32, #tpu.memory_space<vmem>>) semaphore(%arg13 : memref<!tpu.dma_semaphore, #tpu.memory_space<semaphore_mem>>)
    %dma_start3A_52 = arith.constant 2 : i32
    %dma_start3A_53 = arith.constant 2 : i32
    %dma_start3A_54 = arith.constant 0 : i32
    %dma_start3A_55 = arith.constant 0 : i32
    %dma_start3A_56 = tpu.memref_slice %arg7[%dma_start3A_53, %dma_start3A_54, %dma_start3A_55] : memref<4x200x64xf32, #tpu.memory_space<vmem>> -> memref<1x128x64xf32, #tpu.memory_space<vmem>>
    %dma_start3A_57 = tpu.memref_squeeze %dma_start3A_56 : memref<1x128x64xf32, #tpu.memory_space<vmem>> -> memref<128x64xf32, #tpu.memory_space<vmem>>
    %dma_start3A_58 = arith.constant 0 : i32
    %dma_start3A_59 = tpu.memref_slice %arg5[%dma_start3A_52, %dma_start3A_58] : memref<4x200xi32, #tpu.memory_space<vmem>> -> memref<1x128xi32, #tpu.memory_space<vmem>>
    %dma_start3A_60 = tpu.memref_squeeze %dma_start3A_59 : memref<1x128xi32, #tpu.memory_space<vmem>> -> memref<128xi32, #tpu.memory_space<vmem>>
    %dma_start3A_61 = arith.constant 0 : i32
    %dma_start3A_62 = arith.constant 0 : i32
    %dma_start3A_63 = tpu.memref_slice %arg3[%dma_start3A_61, %dma_start3A_62] : memref<1000000x64xf32, #tpu.memory_space<hbm>> -> memref<1000000x64xf32, #tpu.memory_space<hbm>>
    tpu.enqueue_indirect_dma source(%dma_start3A_63 : memref<1000000x64xf32, #tpu.memory_space<hbm>>) target(%dma_start3A_57 : memref<128x64xf32, #tpu.memory_space<vmem>>) offsets(%dma_start3A_60 : memref<128xi32, #tpu.memory_space<vmem>>) semaphore(%arg13 : memref<!tpu.dma_semaphore, #tpu.memory_space<semaphore_mem>>)
    %dma_start3A_64 = arith.constant 2 : i32
    %dma_start3A_65 = arith.constant 2 : i32
    %dma_start3A_66 = arith.constant 128 : i32
    %dma_start3A_67 = arith.constant 0 : i32
    %dma_start3A_68 = tpu.memref_slice %arg7[%dma_start3A_65, %dma_start3A_66, %dma_start3A_67] : memref<4x200x64xf32, #tpu.memory_space<vmem>> -> memref<1x72x64xf32, #tpu.memory_space<vmem>>
    %dma_start3A_69 = tpu.memref_squeeze %dma_start3A_68 : memref<1x72x64xf32, #tpu.memory_space<vmem>> -> memref<72x64xf32, #tpu.memory_space<vmem>>
    %dma_start3A_70 = arith.constant 128 : i32
    %dma_start3A_71 = tpu.memref_slice %arg5[%dma_start3A_64, %dma_start3A_70] : memref<4x200xi32, #tpu.memory_space<vmem>> -> memref<1x72xi32, #tpu.memory_space<vmem>>
    %dma_start3A_72 = tpu.memref_squeeze %dma_start3A_71 : memref<1x72xi32, #tpu.memory_space<vmem>> -> memref<72xi32, #tpu.memory_space<vmem>>
    %dma_start3A_73 = arith.constant 0 : i32
    %dma_start3A_74 = arith.constant 0 : i32
    %dma_start3A_75 = tpu.memref_slice %arg3[%dma_start3A_73, %dma_start3A_74] : memref<1000000x64xf32, #tpu.memory_space<hbm>> -> memref<1000000x64xf32, #tpu.memory_space<hbm>>
    tpu.enqueue_indirect_dma source(%dma_start3A_75 : memref<1000000x64xf32, #tpu.memory_space<hbm>>) target(%dma_start3A_69 : memref<72x64xf32, #tpu.memory_space<vmem>>) offsets(%dma_start3A_72 : memref<72xi32, #tpu.memory_space<vmem>>) semaphore(%arg13 : memref<!tpu.dma_semaphore, #tpu.memory_space<semaphore_mem>>)
    %dma_start3A_76 = arith.constant 3 : i32
    %dma_start3A_77 = arith.constant 3 : i32
    %dma_start3A_78 = arith.constant 0 : i32
    %dma_start3A_79 = arith.constant 0 : i32
    %dma_start3A_80 = tpu.memref_slice %arg7[%dma_start3A_77, %dma_start3A_78, %dma_start3A_79] : memref<4x200x64xf32, #tpu.memory_space<vmem>> -> memref<1x128x64xf32, #tpu.memory_space<vmem>>
    %dma_start3A_81 = tpu.memref_squeeze %dma_start3A_80 : memref<1x128x64xf32, #tpu.memory_space<vmem>> -> memref<128x64xf32, #tpu.memory_space<vmem>>
    %dma_start3A_82 = arith.constant 0 : i32
    %dma_start3A_83 = tpu.memref_slice %arg5[%dma_start3A_76, %dma_start3A_82] : memref<4x200xi32, #tpu.memory_space<vmem>> -> memref<1x128xi32, #tpu.memory_space<vmem>>
    %dma_start3A_84 = tpu.memref_squeeze %dma_start3A_83 : memref<1x128xi32, #tpu.memory_space<vmem>> -> memref<128xi32, #tpu.memory_space<vmem>>
    %dma_start3A_85 = arith.constant 0 : i32
    %dma_start3A_86 = arith.constant 0 : i32
    %dma_start3A_87 = tpu.memref_slice %arg3[%dma_start3A_85, %dma_start3A_86] : memref<1000000x64xf32, #tpu.memory_space<hbm>> -> memref<1000000x64xf32, #tpu.memory_space<hbm>>
    tpu.enqueue_indirect_dma source(%dma_start3A_87 : memref<1000000x64xf32, #tpu.memory_space<hbm>>) target(%dma_start3A_81 : memref<128x64xf32, #tpu.memory_space<vmem>>) offsets(%dma_start3A_84 : memref<128xi32, #tpu.memory_space<vmem>>) semaphore(%arg13 : memref<!tpu.dma_semaphore, #tpu.memory_space<semaphore_mem>>)
    %dma_start3A_88 = arith.constant 3 : i32
    %dma_start3A_89 = arith.constant 3 : i32
    %dma_start3A_90 = arith.constant 128 : i32
    %dma_start3A_91 = arith.constant 0 : i32
    %dma_start3A_92 = tpu.memref_slice %arg7[%dma_start3A_89, %dma_start3A_90, %dma_start3A_91] : memref<4x200x64xf32, #tpu.memory_space<vmem>> -> memref<1x72x64xf32, #tpu.memory_space<vmem>>
    %dma_start3A_93 = tpu.memref_squeeze %dma_start3A_92 : memref<1x72x64xf32, #tpu.memory_space<vmem>> -> memref<72x64xf32, #tpu.memory_space<vmem>>
    %dma_start3A_94 = arith.constant 128 : i32
    %dma_start3A_95 = tpu.memref_slice %arg5[%dma_start3A_88, %dma_start3A_94] : memref<4x200xi32, #tpu.memory_space<vmem>> -> memref<1x72xi32, #tpu.memory_space<vmem>>
    %dma_start3A_96 = tpu.memref_squeeze %dma_start3A_95 : memref<1x72xi32, #tpu.memory_space<vmem>> -> memref<72xi32, #tpu.memory_space<vmem>>
    %dma_start3A_97 = arith.constant 0 : i32
    %dma_start3A_98 = arith.constant 0 : i32
    %dma_start3A_99 = tpu.memref_slice %arg3[%dma_start3A_97, %dma_start3A_98] : memref<1000000x64xf32, #tpu.memory_space<hbm>> -> memref<1000000x64xf32, #tpu.memory_space<hbm>>
    tpu.enqueue_indirect_dma source(%dma_start3A_99 : memref<1000000x64xf32, #tpu.memory_space<hbm>>) target(%dma_start3A_93 : memref<72x64xf32, #tpu.memory_space<vmem>>) offsets(%dma_start3A_96 : memref<72xi32, #tpu.memory_space<vmem>>) semaphore(%arg13 : memref<!tpu.dma_semaphore, #tpu.memory_space<semaphore_mem>>)
    %dma_wait3A = arith.constant 0 : i32
    %dma_wait3A_100 = arith.constant 0 : i32
    %dma_wait3A_101 = arith.constant 0 : i32
    %dma_wait3A_102 = arith.constant 0 : i32
    %dma_wait3A_103 = tpu.memref_slice %arg7[%dma_wait3A_100, %dma_wait3A_101, %dma_wait3A_102] : memref<4x200x64xf32, #tpu.memory_space<vmem>> -> memref<1x128x64xf32, #tpu.memory_space<vmem>>
    %dma_wait3A_104 = tpu.memref_squeeze %dma_wait3A_103 : memref<1x128x64xf32, #tpu.memory_space<vmem>> -> memref<128x64xf32, #tpu.memory_space<vmem>>
    %dma_wait3A_105 = arith.constant 0 : i32
    %dma_wait3A_106 = tpu.memref_slice %arg5[%dma_wait3A, %dma_wait3A_105] : memref<4x200xi32, #tpu.memory_space<vmem>> -> memref<1x128xi32, #tpu.memory_space<vmem>>
    %dma_wait3A_107 = tpu.memref_squeeze %dma_wait3A_106 : memref<1x128xi32, #tpu.memory_space<vmem>> -> memref<128xi32, #tpu.memory_space<vmem>>
    %dma_wait3A_108 = arith.constant 0 : i32
    %dma_wait3A_109 = arith.constant 0 : i32
    %dma_wait3A_110 = tpu.memref_slice %arg3[%dma_wait3A_108, %dma_wait3A_109] : memref<1000000x64xf32, #tpu.memory_space<hbm>> -> memref<1000000x64xf32, #tpu.memory_space<hbm>>
    tpu.wait_indirect_dma semaphore(%arg13 : memref<!tpu.dma_semaphore, #tpu.memory_space<semaphore_mem>>) src(%dma_wait3A_110 : memref<1000000x64xf32, #tpu.memory_space<hbm>>) dst(%dma_wait3A_104 : memref<128x64xf32, #tpu.memory_space<vmem>>)
    %dma_wait3A_111 = arith.constant 0 : i32
    %dma_wait3A_112 = arith.constant 0 : i32
    %dma_wait3A_113 = arith.constant 128 : i32
    %dma_wait3A_114 = arith.constant 0 : i32
    %dma_wait3A_115 = tpu.memref_slice %arg7[%dma_wait3A_112, %dma_wait3A_113, %dma_wait3A_114] : memref<4x200x64xf32, #tpu.memory_space<vmem>> -> memref<1x72x64xf32, #tpu.memory_space<vmem>>
    %dma_wait3A_116 = tpu.memref_squeeze %dma_wait3A_115 : memref<1x72x64xf32, #tpu.memory_space<vmem>> -> memref<72x64xf32, #tpu.memory_space<vmem>>
    %dma_wait3A_117 = arith.constant 128 : i32
    %dma_wait3A_118 = tpu.memref_slice %arg5[%dma_wait3A_111, %dma_wait3A_117] : memref<4x200xi32, #tpu.memory_space<vmem>> -> memref<1x72xi32, #tpu.memory_space<vmem>>
    %dma_wait3A_119 = tpu.memref_squeeze %dma_wait3A_118 : memref<1x72xi32, #tpu.memory_space<vmem>> -> memref<72xi32, #tpu.memory_space<vmem>>
    %dma_wait3A_120 = arith.constant 0 : i32
    %dma_wait3A_121 = arith.constant 0 : i32
    %dma_wait3A_122 = tpu.memref_slice %arg3[%dma_wait3A_120, %dma_wait3A_121] : memref<1000000x64xf32, #tpu.memory_space<hbm>> -> memref<1000000x64xf32, #tpu.memory_space<hbm>>
    tpu.wait_indirect_dma semaphore(%arg13 : memref<!tpu.dma_semaphore, #tpu.memory_space<semaphore_mem>>) src(%dma_wait3A_122 : memref<1000000x64xf32, #tpu.memory_space<hbm>>) dst(%dma_wait3A_116 : memref<72x64xf32, #tpu.memory_space<vmem>>)
    %dma_wait3A_123 = arith.constant 1 : i32
    %dma_wait3A_124 = arith.constant 1 : i32
    %dma_wait3A_125 = arith.constant 0 : i32
    %dma_wait3A_126 = arith.constant 0 : i32
    %dma_wait3A_127 = tpu.memref_slice %arg7[%dma_wait3A_124, %dma_wait3A_125, %dma_wait3A_126] : memref<4x200x64xf32, #tpu.memory_space<vmem>> -> memref<1x128x64xf32, #tpu.memory_space<vmem>>
    %dma_wait3A_128 = tpu.memref_squeeze %dma_wait3A_127 : memref<1x128x64xf32, #tpu.memory_space<vmem>> -> memref<128x64xf32, #tpu.memory_space<vmem>>
    %dma_wait3A_129 = arith.constant 0 : i32
    %dma_wait3A_130 = tpu.memref_slice %arg5[%dma_wait3A_123, %dma_wait3A_129] : memref<4x200xi32, #tpu.memory_space<vmem>> -> memref<1x128xi32, #tpu.memory_space<vmem>>
    %dma_wait3A_131 = tpu.memref_squeeze %dma_wait3A_130 : memref<1x128xi32, #tpu.memory_space<vmem>> -> memref<128xi32, #tpu.memory_space<vmem>>
    %dma_wait3A_132 = arith.constant 0 : i32
    %dma_wait3A_133 = arith.constant 0 : i32
    %dma_wait3A_134 = tpu.memref_slice %arg3[%dma_wait3A_132, %dma_wait3A_133] : memref<1000000x64xf32, #tpu.memory_space<hbm>> -> memref<1000000x64xf32, #tpu.memory_space<hbm>>
    tpu.wait_indirect_dma semaphore(%arg13 : memref<!tpu.dma_semaphore, #tpu.memory_space<semaphore_mem>>) src(%dma_wait3A_134 : memref<1000000x64xf32, #tpu.memory_space<hbm>>) dst(%dma_wait3A_128 : memref<128x64xf32, #tpu.memory_space<vmem>>)
    %dma_wait3A_135 = arith.constant 1 : i32
    %dma_wait3A_136 = arith.constant 1 : i32
    %dma_wait3A_137 = arith.constant 128 : i32
    %dma_wait3A_138 = arith.constant 0 : i32
    %dma_wait3A_139 = tpu.memref_slice %arg7[%dma_wait3A_136, %dma_wait3A_137, %dma_wait3A_138] : memref<4x200x64xf32, #tpu.memory_space<vmem>> -> memref<1x72x64xf32, #tpu.memory_space<vmem>>
    %dma_wait3A_140 = tpu.memref_squeeze %dma_wait3A_139 : memref<1x72x64xf32, #tpu.memory_space<vmem>> -> memref<72x64xf32, #tpu.memory_space<vmem>>
    %dma_wait3A_141 = arith.constant 128 : i32
    %dma_wait3A_142 = tpu.memref_slice %arg5[%dma_wait3A_135, %dma_wait3A_141] : memref<4x200xi32, #tpu.memory_space<vmem>> -> memref<1x72xi32, #tpu.memory_space<vmem>>
    %dma_wait3A_143 = tpu.memref_squeeze %dma_wait3A_142 : memref<1x72xi32, #tpu.memory_space<vmem>> -> memref<72xi32, #tpu.memory_space<vmem>>
    %dma_wait3A_144 = arith.constant 0 : i32
    %dma_wait3A_145 = arith.constant 0 : i32
    %dma_wait3A_146 = tpu.memref_slice %arg3[%dma_wait3A_144, %dma_wait3A_145] : memref<1000000x64xf32, #tpu.memory_space<hbm>> -> memref<1000000x64xf32, #tpu.memory_space<hbm>>
    tpu.wait_indirect_dma semaphore(%arg13 : memref<!tpu.dma_semaphore, #tpu.memory_space<semaphore_mem>>) src(%dma_wait3A_146 : memref<1000000x64xf32, #tpu.memory_space<hbm>>) dst(%dma_wait3A_140 : memref<72x64xf32, #tpu.memory_space<vmem>>)
    %dma_wait3A_147 = arith.constant 2 : i32
    %dma_wait3A_148 = arith.constant 2 : i32
    %dma_wait3A_149 = arith.constant 0 : i32
    %dma_wait3A_150 = arith.constant 0 : i32
    %dma_wait3A_151 = tpu.memref_slice %arg7[%dma_wait3A_148, %dma_wait3A_149, %dma_wait3A_150] : memref<4x200x64xf32, #tpu.memory_space<vmem>> -> memref<1x128x64xf32, #tpu.memory_space<vmem>>
    %dma_wait3A_152 = tpu.memref_squeeze %dma_wait3A_151 : memref<1x128x64xf32, #tpu.memory_space<vmem>> -> memref<128x64xf32, #tpu.memory_space<vmem>>
    %dma_wait3A_153 = arith.constant 0 : i32
    %dma_wait3A_154 = tpu.memref_slice %arg5[%dma_wait3A_147, %dma_wait3A_153] : memref<4x200xi32, #tpu.memory_space<vmem>> -> memref<1x128xi32, #tpu.memory_space<vmem>>
    %dma_wait3A_155 = tpu.memref_squeeze %dma_wait3A_154 : memref<1x128xi32, #tpu.memory_space<vmem>> -> memref<128xi32, #tpu.memory_space<vmem>>
    %dma_wait3A_156 = arith.constant 0 : i32
    %dma_wait3A_157 = arith.constant 0 : i32
    %dma_wait3A_158 = tpu.memref_slice %arg3[%dma_wait3A_156, %dma_wait3A_157] : memref<1000000x64xf32, #tpu.memory_space<hbm>> -> memref<1000000x64xf32, #tpu.memory_space<hbm>>
    tpu.wait_indirect_dma semaphore(%arg13 : memref<!tpu.dma_semaphore, #tpu.memory_space<semaphore_mem>>) src(%dma_wait3A_158 : memref<1000000x64xf32, #tpu.memory_space<hbm>>) dst(%dma_wait3A_152 : memref<128x64xf32, #tpu.memory_space<vmem>>)
    %dma_wait3A_159 = arith.constant 2 : i32
    %dma_wait3A_160 = arith.constant 2 : i32
    %dma_wait3A_161 = arith.constant 128 : i32
    %dma_wait3A_162 = arith.constant 0 : i32
    %dma_wait3A_163 = tpu.memref_slice %arg7[%dma_wait3A_160, %dma_wait3A_161, %dma_wait3A_162] : memref<4x200x64xf32, #tpu.memory_space<vmem>> -> memref<1x72x64xf32, #tpu.memory_space<vmem>>
    %dma_wait3A_164 = tpu.memref_squeeze %dma_wait3A_163 : memref<1x72x64xf32, #tpu.memory_space<vmem>> -> memref<72x64xf32, #tpu.memory_space<vmem>>
    %dma_wait3A_165 = arith.constant 128 : i32
    %dma_wait3A_166 = tpu.memref_slice %arg5[%dma_wait3A_159, %dma_wait3A_165] : memref<4x200xi32, #tpu.memory_space<vmem>> -> memref<1x72xi32, #tpu.memory_space<vmem>>
    %dma_wait3A_167 = tpu.memref_squeeze %dma_wait3A_166 : memref<1x72xi32, #tpu.memory_space<vmem>> -> memref<72xi32, #tpu.memory_space<vmem>>
    %dma_wait3A_168 = arith.constant 0 : i32
    %dma_wait3A_169 = arith.constant 0 : i32
    %dma_wait3A_170 = tpu.memref_slice %arg3[%dma_wait3A_168, %dma_wait3A_169] : memref<1000000x64xf32, #tpu.memory_space<hbm>> -> memref<1000000x64xf32, #tpu.memory_space<hbm>>
    tpu.wait_indirect_dma semaphore(%arg13 : memref<!tpu.dma_semaphore, #tpu.memory_space<semaphore_mem>>) src(%dma_wait3A_170 : memref<1000000x64xf32, #tpu.memory_space<hbm>>) dst(%dma_wait3A_164 : memref<72x64xf32, #tpu.memory_space<vmem>>)
    %dma_wait3A_171 = arith.constant 3 : i32
    %dma_wait3A_172 = arith.constant 3 : i32
    %dma_wait3A_173 = arith.constant 0 : i32
    %dma_wait3A_174 = arith.constant 0 : i32
    %dma_wait3A_175 = tpu.memref_slice %arg7[%dma_wait3A_172, %dma_wait3A_173, %dma_wait3A_174] : memref<4x200x64xf32, #tpu.memory_space<vmem>> -> memref<1x128x64xf32, #tpu.memory_space<vmem>>
    %dma_wait3A_176 = tpu.memref_squeeze %dma_wait3A_175 : memref<1x128x64xf32, #tpu.memory_space<vmem>> -> memref<128x64xf32, #tpu.memory_space<vmem>>
    %dma_wait3A_177 = arith.constant 0 : i32
    %dma_wait3A_178 = tpu.memref_slice %arg5[%dma_wait3A_171, %dma_wait3A_177] : memref<4x200xi32, #tpu.memory_space<vmem>> -> memref<1x128xi32, #tpu.memory_space<vmem>>
    %dma_wait3A_179 = tpu.memref_squeeze %dma_wait3A_178 : memref<1x128xi32, #tpu.memory_space<vmem>> -> memref<128xi32, #tpu.memory_space<vmem>>
    %dma_wait3A_180 = arith.constant 0 : i32
    %dma_wait3A_181 = arith.constant 0 : i32
    %dma_wait3A_182 = tpu.memref_slice %arg3[%dma_wait3A_180, %dma_wait3A_181] : memref<1000000x64xf32, #tpu.memory_space<hbm>> -> memref<1000000x64xf32, #tpu.memory_space<hbm>>
    tpu.wait_indirect_dma semaphore(%arg13 : memref<!tpu.dma_semaphore, #tpu.memory_space<semaphore_mem>>) src(%dma_wait3A_182 : memref<1000000x64xf32, #tpu.memory_space<hbm>>) dst(%dma_wait3A_176 : memref<128x64xf32, #tpu.memory_space<vmem>>)
    %dma_wait3A_183 = arith.constant 3 : i32
    %dma_wait3A_184 = arith.constant 3 : i32
    %dma_wait3A_185 = arith.constant 128 : i32
    %dma_wait3A_186 = arith.constant 0 : i32
    %dma_wait3A_187 = tpu.memref_slice %arg7[%dma_wait3A_184, %dma_wait3A_185, %dma_wait3A_186] : memref<4x200x64xf32, #tpu.memory_space<vmem>> -> memref<1x72x64xf32, #tpu.memory_space<vmem>>
    %dma_wait3A_188 = tpu.memref_squeeze %dma_wait3A_187 : memref<1x72x64xf32, #tpu.memory_space<vmem>> -> memref<72x64xf32, #tpu.memory_space<vmem>>
    %dma_wait3A_189 = arith.constant 128 : i32
    %dma_wait3A_190 = tpu.memref_slice %arg5[%dma_wait3A_183, %dma_wait3A_189] : memref<4x200xi32, #tpu.memory_space<vmem>> -> memref<1x72xi32, #tpu.memory_space<vmem>>
    %dma_wait3A_191 = tpu.memref_squeeze %dma_wait3A_190 : memref<1x72xi32, #tpu.memory_space<vmem>> -> memref<72xi32, #tpu.memory_space<vmem>>
    %dma_wait3A_192 = arith.constant 0 : i32
    %dma_wait3A_193 = arith.constant 0 : i32
    %dma_wait3A_194 = tpu.memref_slice %arg3[%dma_wait3A_192, %dma_wait3A_193] : memref<1000000x64xf32, #tpu.memory_space<hbm>> -> memref<1000000x64xf32, #tpu.memory_space<hbm>>
    tpu.wait_indirect_dma semaphore(%arg13 : memref<!tpu.dma_semaphore, #tpu.memory_space<semaphore_mem>>) src(%dma_wait3A_194 : memref<1000000x64xf32, #tpu.memory_space<hbm>>) dst(%dma_wait3A_188 : memref<72x64xf32, #tpu.memory_space<vmem>>)
    %add3A_195 = arith.constant 8 : i32
    %add3A_196 = arith.addi %mul3A_2, %add3A_195 : i32
    %dma_start3A_197 = arith.constant 0 : i32
    %dma_start3A_198 = tpu.memref_slice %arg2[%add3A_196, %dma_start3A_197] : memref<4096x200xi32, #tpu.memory_space<hbm>> -> memref<4x200xi32, #tpu.memory_space<hbm>>
    %dma_start3A_199 = arith.constant 0 : i32
    %dma_start3A_200 = tpu.memref_slice %arg2[%add3A_196, %dma_start3A_199] : memref<4096x200xi32, #tpu.memory_space<hbm>> -> memref<4x200xi32, #tpu.memory_space<hbm>>
    tpu.enqueue_dma source(%dma_start3A_200 : memref<4x200xi32, #tpu.memory_space<hbm>>) target(%arg5 : memref<4x200xi32, #tpu.memory_space<vmem>>) target_semaphore(%arg9 : memref<!tpu.dma_semaphore, #tpu.memory_space<semaphore_mem>>)
    %add3A_201 = arith.constant 0 : i32
    %add3A_202 = arith.addi %mul3A_2, %add3A_201 : i32
    %dma_start3A_203 = arith.constant 0 : i32
    %dma_start3A_204 = arith.constant 0 : i32
    %dma_start3A_205 = tpu.memref_slice %arg4[%add3A_202, %dma_start3A_203, %dma_start3A_204] : memref<4096x200x64xf32, #tpu.memory_space<hbm>> -> memref<4x200x64xf32, #tpu.memory_space<hbm>>
    %dma_start3A_206 = arith.constant 0 : i32
    %dma_start3A_207 = arith.constant 0 : i32
    %dma_start3A_208 = tpu.memref_slice %arg4[%add3A_202, %dma_start3A_206, %dma_start3A_207] : memref<4096x200x64xf32, #tpu.memory_space<hbm>> -> memref<4x200x64xf32, #tpu.memory_space<hbm>>
    tpu.enqueue_dma source(%arg7 : memref<4x200x64xf32, #tpu.memory_space<vmem>>) target(%dma_start3A_208 : memref<4x200x64xf32, #tpu.memory_space<hbm>>) target_semaphore(%arg11 : memref<!tpu.dma_semaphore, #tpu.memory_space<semaphore_mem>>)
    %add3A_209 = arith.constant 4 : i32
    %add3A_210 = arith.addi %mul3A_2, %add3A_209 : i32
    "tpu.region"() ({
      %run_scoped3A = tpu.sem_alloc : memref<!tpu.dma_semaphore, #tpu.memory_space<semaphore_mem>>
      %dma_start3A_862 = arith.constant 0 : i32
      %dma_start3A_863 = tpu.memref_slice %arg2[%add3A_210, %dma_start3A_862] : memref<4096x200xi32, #tpu.memory_space<hbm>> -> memref<4x200xi32, #tpu.memory_space<hbm>>
      %dma_start3A_864 = arith.constant 0 : i32
      %dma_start3A_865 = tpu.memref_slice %arg2[%add3A_210, %dma_start3A_864] : memref<4096x200xi32, #tpu.memory_space<hbm>> -> memref<4x200xi32, #tpu.memory_space<hbm>>
      tpu.enqueue_dma source(%dma_start3A_865 : memref<4x200xi32, #tpu.memory_space<hbm>>) target(%arg6 : memref<4x200xi32, #tpu.memory_space<vmem>>) target_semaphore(%run_scoped3A : memref<!tpu.dma_semaphore, #tpu.memory_space<semaphore_mem>>)
      %dma_wait3A_866 = arith.constant 0 : i32
      %dma_wait3A_867 = tpu.memref_slice %arg2[%add3A_210, %dma_wait3A_866] : memref<4096x200xi32, #tpu.memory_space<hbm>> -> memref<4x200xi32, #tpu.memory_space<hbm>>
      %dma_wait3A_868 = arith.constant 0 : i32
      %dma_wait3A_869 = tpu.memref_slice %arg2[%add3A_210, %dma_wait3A_868] : memref<4096x200xi32, #tpu.memory_space<hbm>> -> memref<4x200xi32, #tpu.memory_space<hbm>>
      tpu.wait_dma2 semaphore(%run_scoped3A : memref<!tpu.dma_semaphore, #tpu.memory_space<semaphore_mem>>) src(%dma_wait3A_869 : memref<4x200xi32, #tpu.memory_space<hbm>>) dst(%arg6 : memref<4x200xi32, #tpu.memory_space<vmem>>)
      tpu.yield
    }) : () -> ()
    %dma_start3A_211 = arith.constant 0 : i32
    %dma_start3A_212 = arith.constant 0 : i32
    %dma_start3A_213 = arith.constant 0 : i32
    %dma_start3A_214 = arith.constant 0 : i32
    %dma_start3A_215 = tpu.memref_slice %arg8[%dma_start3A_212, %dma_start3A_213, %dma_start3A_214] : memref<4x200x64xf32, #tpu.memory_space<vmem>> -> memref<1x128x64xf32, #tpu.memory_space<vmem>>
    %dma_start3A_216 = tpu.memref_squeeze %dma_start3A_215 : memref<1x128x64xf32, #tpu.memory_space<vmem>> -> memref<128x64xf32, #tpu.memory_space<vmem>>
    %dma_start3A_217 = arith.constant 0 : i32
    %dma_start3A_218 = tpu.memref_slice %arg6[%dma_start3A_211, %dma_start3A_217] : memref<4x200xi32, #tpu.memory_space<vmem>> -> memref<1x128xi32, #tpu.memory_space<vmem>>
    %dma_start3A_219 = tpu.memref_squeeze %dma_start3A_218 : memref<1x128xi32, #tpu.memory_space<vmem>> -> memref<128xi32, #tpu.memory_space<vmem>>
    %dma_start3A_220 = arith.constant 0 : i32
    %dma_start3A_221 = arith.constant 0 : i32
    %dma_start3A_222 = tpu.memref_slice %arg3[%dma_start3A_220, %dma_start3A_221] : memref<1000000x64xf32, #tpu.memory_space<hbm>> -> memref<1000000x64xf32, #tpu.memory_space<hbm>>
    tpu.enqueue_indirect_dma source(%dma_start3A_222 : memref<1000000x64xf32, #tpu.memory_space<hbm>>) target(%dma_start3A_216 : memref<128x64xf32, #tpu.memory_space<vmem>>) offsets(%dma_start3A_219 : memref<128xi32, #tpu.memory_space<vmem>>) semaphore(%arg13 : memref<!tpu.dma_semaphore, #tpu.memory_space<semaphore_mem>>)
    %dma_start3A_223 = arith.constant 0 : i32
    %dma_start3A_224 = arith.constant 0 : i32
    %dma_start3A_225 = arith.constant 128 : i32
    %dma_start3A_226 = arith.constant 0 : i32
    %dma_start3A_227 = tpu.memref_slice %arg8[%dma_start3A_224, %dma_start3A_225, %dma_start3A_226] : memref<4x200x64xf32, #tpu.memory_space<vmem>> -> memref<1x72x64xf32, #tpu.memory_space<vmem>>
    %dma_start3A_228 = tpu.memref_squeeze %dma_start3A_227 : memref<1x72x64xf32, #tpu.memory_space<vmem>> -> memref<72x64xf32, #tpu.memory_space<vmem>>
    %dma_start3A_229 = arith.constant 128 : i32
    %dma_start3A_230 = tpu.memref_slice %arg6[%dma_start3A_223, %dma_start3A_229] : memref<4x200xi32, #tpu.memory_space<vmem>> -> memref<1x72xi32, #tpu.memory_space<vmem>>
    %dma_start3A_231 = tpu.memref_squeeze %dma_start3A_230 : memref<1x72xi32, #tpu.memory_space<vmem>> -> memref<72xi32, #tpu.memory_space<vmem>>
    %dma_start3A_232 = arith.constant 0 : i32
    %dma_start3A_233 = arith.constant 0 : i32
    %dma_start3A_234 = tpu.memref_slice %arg3[%dma_start3A_232, %dma_start3A_233] : memref<1000000x64xf32, #tpu.memory_space<hbm>> -> memref<1000000x64xf32, #tpu.memory_space<hbm>>
    tpu.enqueue_indirect_dma source(%dma_start3A_234 : memref<1000000x64xf32, #tpu.memory_space<hbm>>) target(%dma_start3A_228 : memref<72x64xf32, #tpu.memory_space<vmem>>) offsets(%dma_start3A_231 : memref<72xi32, #tpu.memory_space<vmem>>) semaphore(%arg13 : memref<!tpu.dma_semaphore, #tpu.memory_space<semaphore_mem>>)
    %dma_start3A_235 = arith.constant 1 : i32
    %dma_start3A_236 = arith.constant 1 : i32
    %dma_start3A_237 = arith.constant 0 : i32
    %dma_start3A_238 = arith.constant 0 : i32
    %dma_start3A_239 = tpu.memref_slice %arg8[%dma_start3A_236, %dma_start3A_237, %dma_start3A_238] : memref<4x200x64xf32, #tpu.memory_space<vmem>> -> memref<1x128x64xf32, #tpu.memory_space<vmem>>
    %dma_start3A_240 = tpu.memref_squeeze %dma_start3A_239 : memref<1x128x64xf32, #tpu.memory_space<vmem>> -> memref<128x64xf32, #tpu.memory_space<vmem>>
    %dma_start3A_241 = arith.constant 0 : i32
    %dma_start3A_242 = tpu.memref_slice %arg6[%dma_start3A_235, %dma_start3A_241] : memref<4x200xi32, #tpu.memory_space<vmem>> -> memref<1x128xi32, #tpu.memory_space<vmem>>
    %dma_start3A_243 = tpu.memref_squeeze %dma_start3A_242 : memref<1x128xi32, #tpu.memory_space<vmem>> -> memref<128xi32, #tpu.memory_space<vmem>>
    %dma_start3A_244 = arith.constant 0 : i32
    %dma_start3A_245 = arith.constant 0 : i32
    %dma_start3A_246 = tpu.memref_slice %arg3[%dma_start3A_244, %dma_start3A_245] : memref<1000000x64xf32, #tpu.memory_space<hbm>> -> memref<1000000x64xf32, #tpu.memory_space<hbm>>
    tpu.enqueue_indirect_dma source(%dma_start3A_246 : memref<1000000x64xf32, #tpu.memory_space<hbm>>) target(%dma_start3A_240 : memref<128x64xf32, #tpu.memory_space<vmem>>) offsets(%dma_start3A_243 : memref<128xi32, #tpu.memory_space<vmem>>) semaphore(%arg13 : memref<!tpu.dma_semaphore, #tpu.memory_space<semaphore_mem>>)
    %dma_start3A_247 = arith.constant 1 : i32
    %dma_start3A_248 = arith.constant 1 : i32
    %dma_start3A_249 = arith.constant 128 : i32
    %dma_start3A_250 = arith.constant 0 : i32
    %dma_start3A_251 = tpu.memref_slice %arg8[%dma_start3A_248, %dma_start3A_249, %dma_start3A_250] : memref<4x200x64xf32, #tpu.memory_space<vmem>> -> memref<1x72x64xf32, #tpu.memory_space<vmem>>
    %dma_start3A_252 = tpu.memref_squeeze %dma_start3A_251 : memref<1x72x64xf32, #tpu.memory_space<vmem>> -> memref<72x64xf32, #tpu.memory_space<vmem>>
    %dma_start3A_253 = arith.constant 128 : i32
    %dma_start3A_254 = tpu.memref_slice %arg6[%dma_start3A_247, %dma_start3A_253] : memref<4x200xi32, #tpu.memory_space<vmem>> -> memref<1x72xi32, #tpu.memory_space<vmem>>
    %dma_start3A_255 = tpu.memref_squeeze %dma_start3A_254 : memref<1x72xi32, #tpu.memory_space<vmem>> -> memref<72xi32, #tpu.memory_space<vmem>>
    %dma_start3A_256 = arith.constant 0 : i32
    %dma_start3A_257 = arith.constant 0 : i32
    %dma_start3A_258 = tpu.memref_slice %arg3[%dma_start3A_256, %dma_start3A_257] : memref<1000000x64xf32, #tpu.memory_space<hbm>> -> memref<1000000x64xf32, #tpu.memory_space<hbm>>
    tpu.enqueue_indirect_dma source(%dma_start3A_258 : memref<1000000x64xf32, #tpu.memory_space<hbm>>) target(%dma_start3A_252 : memref<72x64xf32, #tpu.memory_space<vmem>>) offsets(%dma_start3A_255 : memref<72xi32, #tpu.memory_space<vmem>>) semaphore(%arg13 : memref<!tpu.dma_semaphore, #tpu.memory_space<semaphore_mem>>)
    %dma_start3A_259 = arith.constant 2 : i32
    %dma_start3A_260 = arith.constant 2 : i32
    %dma_start3A_261 = arith.constant 0 : i32
    %dma_start3A_262 = arith.constant 0 : i32
    %dma_start3A_263 = tpu.memref_slice %arg8[%dma_start3A_260, %dma_start3A_261, %dma_start3A_262] : memref<4x200x64xf32, #tpu.memory_space<vmem>> -> memref<1x128x64xf32, #tpu.memory_space<vmem>>
    %dma_start3A_264 = tpu.memref_squeeze %dma_start3A_263 : memref<1x128x64xf32, #tpu.memory_space<vmem>> -> memref<128x64xf32, #tpu.memory_space<vmem>>
    %dma_start3A_265 = arith.constant 0 : i32
    %dma_start3A_266 = tpu.memref_slice %arg6[%dma_start3A_259, %dma_start3A_265] : memref<4x200xi32, #tpu.memory_space<vmem>> -> memref<1x128xi32, #tpu.memory_space<vmem>>
    %dma_start3A_267 = tpu.memref_squeeze %dma_start3A_266 : memref<1x128xi32, #tpu.memory_space<vmem>> -> memref<128xi32, #tpu.memory_space<vmem>>
    %dma_start3A_268 = arith.constant 0 : i32
    %dma_start3A_269 = arith.constant 0 : i32
    %dma_start3A_270 = tpu.memref_slice %arg3[%dma_start3A_268, %dma_start3A_269] : memref<1000000x64xf32, #tpu.memory_space<hbm>> -> memref<1000000x64xf32, #tpu.memory_space<hbm>>
    tpu.enqueue_indirect_dma source(%dma_start3A_270 : memref<1000000x64xf32, #tpu.memory_space<hbm>>) target(%dma_start3A_264 : memref<128x64xf32, #tpu.memory_space<vmem>>) offsets(%dma_start3A_267 : memref<128xi32, #tpu.memory_space<vmem>>) semaphore(%arg13 : memref<!tpu.dma_semaphore, #tpu.memory_space<semaphore_mem>>)
    %dma_start3A_271 = arith.constant 2 : i32
    %dma_start3A_272 = arith.constant 2 : i32
    %dma_start3A_273 = arith.constant 128 : i32
    %dma_start3A_274 = arith.constant 0 : i32
    %dma_start3A_275 = tpu.memref_slice %arg8[%dma_start3A_272, %dma_start3A_273, %dma_start3A_274] : memref<4x200x64xf32, #tpu.memory_space<vmem>> -> memref<1x72x64xf32, #tpu.memory_space<vmem>>
    %dma_start3A_276 = tpu.memref_squeeze %dma_start3A_275 : memref<1x72x64xf32, #tpu.memory_space<vmem>> -> memref<72x64xf32, #tpu.memory_space<vmem>>
    %dma_start3A_277 = arith.constant 128 : i32
    %dma_start3A_278 = tpu.memref_slice %arg6[%dma_start3A_271, %dma_start3A_277] : memref<4x200xi32, #tpu.memory_space<vmem>> -> memref<1x72xi32, #tpu.memory_space<vmem>>
    %dma_start3A_279 = tpu.memref_squeeze %dma_start3A_278 : memref<1x72xi32, #tpu.memory_space<vmem>> -> memref<72xi32, #tpu.memory_space<vmem>>
    %dma_start3A_280 = arith.constant 0 : i32
    %dma_start3A_281 = arith.constant 0 : i32
    %dma_start3A_282 = tpu.memref_slice %arg3[%dma_start3A_280, %dma_start3A_281] : memref<1000000x64xf32, #tpu.memory_space<hbm>> -> memref<1000000x64xf32, #tpu.memory_space<hbm>>
    tpu.enqueue_indirect_dma source(%dma_start3A_282 : memref<1000000x64xf32, #tpu.memory_space<hbm>>) target(%dma_start3A_276 : memref<72x64xf32, #tpu.memory_space<vmem>>) offsets(%dma_start3A_279 : memref<72xi32, #tpu.memory_space<vmem>>) semaphore(%arg13 : memref<!tpu.dma_semaphore, #tpu.memory_space<semaphore_mem>>)
    %dma_start3A_283 = arith.constant 3 : i32
    %dma_start3A_284 = arith.constant 3 : i32
    %dma_start3A_285 = arith.constant 0 : i32
    %dma_start3A_286 = arith.constant 0 : i32
    %dma_start3A_287 = tpu.memref_slice %arg8[%dma_start3A_284, %dma_start3A_285, %dma_start3A_286] : memref<4x200x64xf32, #tpu.memory_space<vmem>> -> memref<1x128x64xf32, #tpu.memory_space<vmem>>
    %dma_start3A_288 = tpu.memref_squeeze %dma_start3A_287 : memref<1x128x64xf32, #tpu.memory_space<vmem>> -> memref<128x64xf32, #tpu.memory_space<vmem>>
    %dma_start3A_289 = arith.constant 0 : i32
    %dma_start3A_290 = tpu.memref_slice %arg6[%dma_start3A_283, %dma_start3A_289] : memref<4x200xi32, #tpu.memory_space<vmem>> -> memref<1x128xi32, #tpu.memory_space<vmem>>
    %dma_start3A_291 = tpu.memref_squeeze %dma_start3A_290 : memref<1x128xi32, #tpu.memory_space<vmem>> -> memref<128xi32, #tpu.memory_space<vmem>>
    %dma_start3A_292 = arith.constant 0 : i32
    %dma_start3A_293 = arith.constant 0 : i32
    %dma_start3A_294 = tpu.memref_slice %arg3[%dma_start3A_292, %dma_start3A_293] : memref<1000000x64xf32, #tpu.memory_space<hbm>> -> memref<1000000x64xf32, #tpu.memory_space<hbm>>
    tpu.enqueue_indirect_dma source(%dma_start3A_294 : memref<1000000x64xf32, #tpu.memory_space<hbm>>) target(%dma_start3A_288 : memref<128x64xf32, #tpu.memory_space<vmem>>) offsets(%dma_start3A_291 : memref<128xi32, #tpu.memory_space<vmem>>) semaphore(%arg13 : memref<!tpu.dma_semaphore, #tpu.memory_space<semaphore_mem>>)
    %dma_start3A_295 = arith.constant 3 : i32
    %dma_start3A_296 = arith.constant 3 : i32
    %dma_start3A_297 = arith.constant 128 : i32
    %dma_start3A_298 = arith.constant 0 : i32
    %dma_start3A_299 = tpu.memref_slice %arg8[%dma_start3A_296, %dma_start3A_297, %dma_start3A_298] : memref<4x200x64xf32, #tpu.memory_space<vmem>> -> memref<1x72x64xf32, #tpu.memory_space<vmem>>
    %dma_start3A_300 = tpu.memref_squeeze %dma_start3A_299 : memref<1x72x64xf32, #tpu.memory_space<vmem>> -> memref<72x64xf32, #tpu.memory_space<vmem>>
    %dma_start3A_301 = arith.constant 128 : i32
    %dma_start3A_302 = tpu.memref_slice %arg6[%dma_start3A_295, %dma_start3A_301] : memref<4x200xi32, #tpu.memory_space<vmem>> -> memref<1x72xi32, #tpu.memory_space<vmem>>
    %dma_start3A_303 = tpu.memref_squeeze %dma_start3A_302 : memref<1x72xi32, #tpu.memory_space<vmem>> -> memref<72xi32, #tpu.memory_space<vmem>>
    %dma_start3A_304 = arith.constant 0 : i32
    %dma_start3A_305 = arith.constant 0 : i32
    %dma_start3A_306 = tpu.memref_slice %arg3[%dma_start3A_304, %dma_start3A_305] : memref<1000000x64xf32, #tpu.memory_space<hbm>> -> memref<1000000x64xf32, #tpu.memory_space<hbm>>
    tpu.enqueue_indirect_dma source(%dma_start3A_306 : memref<1000000x64xf32, #tpu.memory_space<hbm>>) target(%dma_start3A_300 : memref<72x64xf32, #tpu.memory_space<vmem>>) offsets(%dma_start3A_303 : memref<72xi32, #tpu.memory_space<vmem>>) semaphore(%arg13 : memref<!tpu.dma_semaphore, #tpu.memory_space<semaphore_mem>>)
    %dma_wait3A_307 = arith.constant 0 : i32
    %dma_wait3A_308 = arith.constant 0 : i32
    %dma_wait3A_309 = arith.constant 0 : i32
    %dma_wait3A_310 = arith.constant 0 : i32
    %dma_wait3A_311 = tpu.memref_slice %arg8[%dma_wait3A_308, %dma_wait3A_309, %dma_wait3A_310] : memref<4x200x64xf32, #tpu.memory_space<vmem>> -> memref<1x128x64xf32, #tpu.memory_space<vmem>>
    %dma_wait3A_312 = tpu.memref_squeeze %dma_wait3A_311 : memref<1x128x64xf32, #tpu.memory_space<vmem>> -> memref<128x64xf32, #tpu.memory_space<vmem>>
    %dma_wait3A_313 = arith.constant 0 : i32
    %dma_wait3A_314 = tpu.memref_slice %arg6[%dma_wait3A_307, %dma_wait3A_313] : memref<4x200xi32, #tpu.memory_space<vmem>> -> memref<1x128xi32, #tpu.memory_space<vmem>>
    %dma_wait3A_315 = tpu.memref_squeeze %dma_wait3A_314 : memref<1x128xi32, #tpu.memory_space<vmem>> -> memref<128xi32, #tpu.memory_space<vmem>>
    %dma_wait3A_316 = arith.constant 0 : i32
    %dma_wait3A_317 = arith.constant 0 : i32
    %dma_wait3A_318 = tpu.memref_slice %arg3[%dma_wait3A_316, %dma_wait3A_317] : memref<1000000x64xf32, #tpu.memory_space<hbm>> -> memref<1000000x64xf32, #tpu.memory_space<hbm>>
    tpu.wait_indirect_dma semaphore(%arg13 : memref<!tpu.dma_semaphore, #tpu.memory_space<semaphore_mem>>) src(%dma_wait3A_318 : memref<1000000x64xf32, #tpu.memory_space<hbm>>) dst(%dma_wait3A_312 : memref<128x64xf32, #tpu.memory_space<vmem>>)
    %dma_wait3A_319 = arith.constant 0 : i32
    %dma_wait3A_320 = arith.constant 0 : i32
    %dma_wait3A_321 = arith.constant 128 : i32
    %dma_wait3A_322 = arith.constant 0 : i32
    %dma_wait3A_323 = tpu.memref_slice %arg8[%dma_wait3A_320, %dma_wait3A_321, %dma_wait3A_322] : memref<4x200x64xf32, #tpu.memory_space<vmem>> -> memref<1x72x64xf32, #tpu.memory_space<vmem>>
    %dma_wait3A_324 = tpu.memref_squeeze %dma_wait3A_323 : memref<1x72x64xf32, #tpu.memory_space<vmem>> -> memref<72x64xf32, #tpu.memory_space<vmem>>
    %dma_wait3A_325 = arith.constant 128 : i32
    %dma_wait3A_326 = tpu.memref_slice %arg6[%dma_wait3A_319, %dma_wait3A_325] : memref<4x200xi32, #tpu.memory_space<vmem>> -> memref<1x72xi32, #tpu.memory_space<vmem>>
    %dma_wait3A_327 = tpu.memref_squeeze %dma_wait3A_326 : memref<1x72xi32, #tpu.memory_space<vmem>> -> memref<72xi32, #tpu.memory_space<vmem>>
    %dma_wait3A_328 = arith.constant 0 : i32
    %dma_wait3A_329 = arith.constant 0 : i32
    %dma_wait3A_330 = tpu.memref_slice %arg3[%dma_wait3A_328, %dma_wait3A_329] : memref<1000000x64xf32, #tpu.memory_space<hbm>> -> memref<1000000x64xf32, #tpu.memory_space<hbm>>
    tpu.wait_indirect_dma semaphore(%arg13 : memref<!tpu.dma_semaphore, #tpu.memory_space<semaphore_mem>>) src(%dma_wait3A_330 : memref<1000000x64xf32, #tpu.memory_space<hbm>>) dst(%dma_wait3A_324 : memref<72x64xf32, #tpu.memory_space<vmem>>)
    %dma_wait3A_331 = arith.constant 1 : i32
    %dma_wait3A_332 = arith.constant 1 : i32
    %dma_wait3A_333 = arith.constant 0 : i32
    %dma_wait3A_334 = arith.constant 0 : i32
    %dma_wait3A_335 = tpu.memref_slice %arg8[%dma_wait3A_332, %dma_wait3A_333, %dma_wait3A_334] : memref<4x200x64xf32, #tpu.memory_space<vmem>> -> memref<1x128x64xf32, #tpu.memory_space<vmem>>
    %dma_wait3A_336 = tpu.memref_squeeze %dma_wait3A_335 : memref<1x128x64xf32, #tpu.memory_space<vmem>> -> memref<128x64xf32, #tpu.memory_space<vmem>>
    %dma_wait3A_337 = arith.constant 0 : i32
    %dma_wait3A_338 = tpu.memref_slice %arg6[%dma_wait3A_331, %dma_wait3A_337] : memref<4x200xi32, #tpu.memory_space<vmem>> -> memref<1x128xi32, #tpu.memory_space<vmem>>
    %dma_wait3A_339 = tpu.memref_squeeze %dma_wait3A_338 : memref<1x128xi32, #tpu.memory_space<vmem>> -> memref<128xi32, #tpu.memory_space<vmem>>
    %dma_wait3A_340 = arith.constant 0 : i32
    %dma_wait3A_341 = arith.constant 0 : i32
    %dma_wait3A_342 = tpu.memref_slice %arg3[%dma_wait3A_340, %dma_wait3A_341] : memref<1000000x64xf32, #tpu.memory_space<hbm>> -> memref<1000000x64xf32, #tpu.memory_space<hbm>>
    tpu.wait_indirect_dma semaphore(%arg13 : memref<!tpu.dma_semaphore, #tpu.memory_space<semaphore_mem>>) src(%dma_wait3A_342 : memref<1000000x64xf32, #tpu.memory_space<hbm>>) dst(%dma_wait3A_336 : memref<128x64xf32, #tpu.memory_space<vmem>>)
    %dma_wait3A_343 = arith.constant 1 : i32
    %dma_wait3A_344 = arith.constant 1 : i32
    %dma_wait3A_345 = arith.constant 128 : i32
    %dma_wait3A_346 = arith.constant 0 : i32
    %dma_wait3A_347 = tpu.memref_slice %arg8[%dma_wait3A_344, %dma_wait3A_345, %dma_wait3A_346] : memref<4x200x64xf32, #tpu.memory_space<vmem>> -> memref<1x72x64xf32, #tpu.memory_space<vmem>>
    %dma_wait3A_348 = tpu.memref_squeeze %dma_wait3A_347 : memref<1x72x64xf32, #tpu.memory_space<vmem>> -> memref<72x64xf32, #tpu.memory_space<vmem>>
    %dma_wait3A_349 = arith.constant 128 : i32
    %dma_wait3A_350 = tpu.memref_slice %arg6[%dma_wait3A_343, %dma_wait3A_349] : memref<4x200xi32, #tpu.memory_space<vmem>> -> memref<1x72xi32, #tpu.memory_space<vmem>>
    %dma_wait3A_351 = tpu.memref_squeeze %dma_wait3A_350 : memref<1x72xi32, #tpu.memory_space<vmem>> -> memref<72xi32, #tpu.memory_space<vmem>>
    %dma_wait3A_352 = arith.constant 0 : i32
    %dma_wait3A_353 = arith.constant 0 : i32
    %dma_wait3A_354 = tpu.memref_slice %arg3[%dma_wait3A_352, %dma_wait3A_353] : memref<1000000x64xf32, #tpu.memory_space<hbm>> -> memref<1000000x64xf32, #tpu.memory_space<hbm>>
    tpu.wait_indirect_dma semaphore(%arg13 : memref<!tpu.dma_semaphore, #tpu.memory_space<semaphore_mem>>) src(%dma_wait3A_354 : memref<1000000x64xf32, #tpu.memory_space<hbm>>) dst(%dma_wait3A_348 : memref<72x64xf32, #tpu.memory_space<vmem>>)
    %dma_wait3A_355 = arith.constant 2 : i32
    %dma_wait3A_356 = arith.constant 2 : i32
    %dma_wait3A_357 = arith.constant 0 : i32
    %dma_wait3A_358 = arith.constant 0 : i32
    %dma_wait3A_359 = tpu.memref_slice %arg8[%dma_wait3A_356, %dma_wait3A_357, %dma_wait3A_358] : memref<4x200x64xf32, #tpu.memory_space<vmem>> -> memref<1x128x64xf32, #tpu.memory_space<vmem>>
    %dma_wait3A_360 = tpu.memref_squeeze %dma_wait3A_359 : memref<1x128x64xf32, #tpu.memory_space<vmem>> -> memref<128x64xf32, #tpu.memory_space<vmem>>
    %dma_wait3A_361 = arith.constant 0 : i32
    %dma_wait3A_362 = tpu.memref_slice %arg6[%dma_wait3A_355, %dma_wait3A_361] : memref<4x200xi32, #tpu.memory_space<vmem>> -> memref<1x128xi32, #tpu.memory_space<vmem>>
    %dma_wait3A_363 = tpu.memref_squeeze %dma_wait3A_362 : memref<1x128xi32, #tpu.memory_space<vmem>> -> memref<128xi32, #tpu.memory_space<vmem>>
    %dma_wait3A_364 = arith.constant 0 : i32
    %dma_wait3A_365 = arith.constant 0 : i32
    %dma_wait3A_366 = tpu.memref_slice %arg3[%dma_wait3A_364, %dma_wait3A_365] : memref<1000000x64xf32, #tpu.memory_space<hbm>> -> memref<1000000x64xf32, #tpu.memory_space<hbm>>
    tpu.wait_indirect_dma semaphore(%arg13 : memref<!tpu.dma_semaphore, #tpu.memory_space<semaphore_mem>>) src(%dma_wait3A_366 : memref<1000000x64xf32, #tpu.memory_space<hbm>>) dst(%dma_wait3A_360 : memref<128x64xf32, #tpu.memory_space<vmem>>)
    %dma_wait3A_367 = arith.constant 2 : i32
    %dma_wait3A_368 = arith.constant 2 : i32
    %dma_wait3A_369 = arith.constant 128 : i32
    %dma_wait3A_370 = arith.constant 0 : i32
    %dma_wait3A_371 = tpu.memref_slice %arg8[%dma_wait3A_368, %dma_wait3A_369, %dma_wait3A_370] : memref<4x200x64xf32, #tpu.memory_space<vmem>> -> memref<1x72x64xf32, #tpu.memory_space<vmem>>
    %dma_wait3A_372 = tpu.memref_squeeze %dma_wait3A_371 : memref<1x72x64xf32, #tpu.memory_space<vmem>> -> memref<72x64xf32, #tpu.memory_space<vmem>>
    %dma_wait3A_373 = arith.constant 128 : i32
    %dma_wait3A_374 = tpu.memref_slice %arg6[%dma_wait3A_367, %dma_wait3A_373] : memref<4x200xi32, #tpu.memory_space<vmem>> -> memref<1x72xi32, #tpu.memory_space<vmem>>
    %dma_wait3A_375 = tpu.memref_squeeze %dma_wait3A_374 : memref<1x72xi32, #tpu.memory_space<vmem>> -> memref<72xi32, #tpu.memory_space<vmem>>
    %dma_wait3A_376 = arith.constant 0 : i32
    %dma_wait3A_377 = arith.constant 0 : i32
    %dma_wait3A_378 = tpu.memref_slice %arg3[%dma_wait3A_376, %dma_wait3A_377] : memref<1000000x64xf32, #tpu.memory_space<hbm>> -> memref<1000000x64xf32, #tpu.memory_space<hbm>>
    tpu.wait_indirect_dma semaphore(%arg13 : memref<!tpu.dma_semaphore, #tpu.memory_space<semaphore_mem>>) src(%dma_wait3A_378 : memref<1000000x64xf32, #tpu.memory_space<hbm>>) dst(%dma_wait3A_372 : memref<72x64xf32, #tpu.memory_space<vmem>>)
    %dma_wait3A_379 = arith.constant 3 : i32
    %dma_wait3A_380 = arith.constant 3 : i32
    %dma_wait3A_381 = arith.constant 0 : i32
    %dma_wait3A_382 = arith.constant 0 : i32
    %dma_wait3A_383 = tpu.memref_slice %arg8[%dma_wait3A_380, %dma_wait3A_381, %dma_wait3A_382] : memref<4x200x64xf32, #tpu.memory_space<vmem>> -> memref<1x128x64xf32, #tpu.memory_space<vmem>>
    %dma_wait3A_384 = tpu.memref_squeeze %dma_wait3A_383 : memref<1x128x64xf32, #tpu.memory_space<vmem>> -> memref<128x64xf32, #tpu.memory_space<vmem>>
    %dma_wait3A_385 = arith.constant 0 : i32
    %dma_wait3A_386 = tpu.memref_slice %arg6[%dma_wait3A_379, %dma_wait3A_385] : memref<4x200xi32, #tpu.memory_space<vmem>> -> memref<1x128xi32, #tpu.memory_space<vmem>>
    %dma_wait3A_387 = tpu.memref_squeeze %dma_wait3A_386 : memref<1x128xi32, #tpu.memory_space<vmem>> -> memref<128xi32, #tpu.memory_space<vmem>>
    %dma_wait3A_388 = arith.constant 0 : i32
    %dma_wait3A_389 = arith.constant 0 : i32
    %dma_wait3A_390 = tpu.memref_slice %arg3[%dma_wait3A_388, %dma_wait3A_389] : memref<1000000x64xf32, #tpu.memory_space<hbm>> -> memref<1000000x64xf32, #tpu.memory_space<hbm>>
    tpu.wait_indirect_dma semaphore(%arg13 : memref<!tpu.dma_semaphore, #tpu.memory_space<semaphore_mem>>) src(%dma_wait3A_390 : memref<1000000x64xf32, #tpu.memory_space<hbm>>) dst(%dma_wait3A_384 : memref<128x64xf32, #tpu.memory_space<vmem>>)
    %dma_wait3A_391 = arith.constant 3 : i32
    %dma_wait3A_392 = arith.constant 3 : i32
    %dma_wait3A_393 = arith.constant 128 : i32
    %dma_wait3A_394 = arith.constant 0 : i32
    %dma_wait3A_395 = tpu.memref_slice %arg8[%dma_wait3A_392, %dma_wait3A_393, %dma_wait3A_394] : memref<4x200x64xf32, #tpu.memory_space<vmem>> -> memref<1x72x64xf32, #tpu.memory_space<vmem>>
    %dma_wait3A_396 = tpu.memref_squeeze %dma_wait3A_395 : memref<1x72x64xf32, #tpu.memory_space<vmem>> -> memref<72x64xf32, #tpu.memory_space<vmem>>
    %dma_wait3A_397 = arith.constant 128 : i32
    %dma_wait3A_398 = tpu.memref_slice %arg6[%dma_wait3A_391, %dma_wait3A_397] : memref<4x200xi32, #tpu.memory_space<vmem>> -> memref<1x72xi32, #tpu.memory_space<vmem>>
    %dma_wait3A_399 = tpu.memref_squeeze %dma_wait3A_398 : memref<1x72xi32, #tpu.memory_space<vmem>> -> memref<72xi32, #tpu.memory_space<vmem>>
    %dma_wait3A_400 = arith.constant 0 : i32
    %dma_wait3A_401 = arith.constant 0 : i32
    %dma_wait3A_402 = tpu.memref_slice %arg3[%dma_wait3A_400, %dma_wait3A_401] : memref<1000000x64xf32, #tpu.memory_space<hbm>> -> memref<1000000x64xf32, #tpu.memory_space<hbm>>
    tpu.wait_indirect_dma semaphore(%arg13 : memref<!tpu.dma_semaphore, #tpu.memory_space<semaphore_mem>>) src(%dma_wait3A_402 : memref<1000000x64xf32, #tpu.memory_space<hbm>>) dst(%dma_wait3A_396 : memref<72x64xf32, #tpu.memory_space<vmem>>)
    %add3A_403 = arith.constant 12 : i32
    %add3A_404 = arith.addi %mul3A_2, %add3A_403 : i32
    %dma_start3A_405 = arith.constant 0 : i32
    %dma_start3A_406 = tpu.memref_slice %arg2[%add3A_404, %dma_start3A_405] : memref<4096x200xi32, #tpu.memory_space<hbm>> -> memref<4x200xi32, #tpu.memory_space<hbm>>
    %dma_start3A_407 = arith.constant 0 : i32
    %dma_start3A_408 = tpu.memref_slice %arg2[%add3A_404, %dma_start3A_407] : memref<4096x200xi32, #tpu.memory_space<hbm>> -> memref<4x200xi32, #tpu.memory_space<hbm>>
    tpu.enqueue_dma source(%dma_start3A_408 : memref<4x200xi32, #tpu.memory_space<hbm>>) target(%arg6 : memref<4x200xi32, #tpu.memory_space<vmem>>) target_semaphore(%arg10 : memref<!tpu.dma_semaphore, #tpu.memory_space<semaphore_mem>>)
    %add3A_409 = arith.constant 4 : i32
    %add3A_410 = arith.addi %mul3A_2, %add3A_409 : i32
    %dma_start3A_411 = arith.constant 0 : i32
    %dma_start3A_412 = arith.constant 0 : i32
    %dma_start3A_413 = tpu.memref_slice %arg4[%add3A_410, %dma_start3A_411, %dma_start3A_412] : memref<4096x200x64xf32, #tpu.memory_space<hbm>> -> memref<4x200x64xf32, #tpu.memory_space<hbm>>
    %dma_start3A_414 = arith.constant 0 : i32
    %dma_start3A_415 = arith.constant 0 : i32
    %dma_start3A_416 = tpu.memref_slice %arg4[%add3A_410, %dma_start3A_414, %dma_start3A_415] : memref<4096x200x64xf32, #tpu.memory_space<hbm>> -> memref<4x200x64xf32, #tpu.memory_space<hbm>>
    tpu.enqueue_dma source(%arg8 : memref<4x200x64xf32, #tpu.memory_space<vmem>>) target(%dma_start3A_416 : memref<4x200x64xf32, #tpu.memory_space<hbm>>) target_semaphore(%arg12 : memref<!tpu.dma_semaphore, #tpu.memory_space<semaphore_mem>>)
    %scan3A = arith.constant 0 : i32
    %scan3A_417 = arith.constant 0 : i32
    %scan3A_418 = arith.constant 14 : i32
    %scan3A_419 = arith.addi %scan3A_417, %scan3A_418 : i32
    %scan3A_420 = arith.constant 1 : i32
    scf.for %scan3A_862 = %scan3A_417 to %scan3A_419 step %scan3A_420  : i32 {
      %mul3A_863 = arith.constant 2 : i32
      %mul3A_864 = arith.muli %mul3A_863, %scan3A_862 : i32
      %add3A_865 = arith.constant 2 : i32
      %add3A_866 = arith.addi %add3A_865, %mul3A_864 : i32
      %add3A_867 = arith.constant 0 : i32
      %add3A_868 = arith.addi %add3A_866, %add3A_867 : i32
      %mul3A_869 = arith.constant 4 : i32
      %mul3A_870 = arith.muli %add3A_868, %mul3A_869 : i32
      %add3A_871 = arith.addi %mul3A_2, %mul3A_870 : i32
      %dma_wait3A_872 = arith.constant 0 : i32
      %dma_wait3A_873 = tpu.memref_slice %arg2[%add3A_871, %dma_wait3A_872] : memref<4096x200xi32, #tpu.memory_space<hbm>> -> memref<4x200xi32, #tpu.memory_space<hbm>>
      %dma_wait3A_874 = arith.constant 0 : i32
      %dma_wait3A_875 = tpu.memref_slice %arg2[%add3A_871, %dma_wait3A_874] : memref<4096x200xi32, #tpu.memory_space<hbm>> -> memref<4x200xi32, #tpu.memory_space<hbm>>
      tpu.wait_dma2 semaphore(%arg9 : memref<!tpu.dma_semaphore, #tpu.memory_space<semaphore_mem>>) src(%dma_wait3A_875 : memref<4x200xi32, #tpu.memory_space<hbm>>) dst(%arg5 : memref<4x200xi32, #tpu.memory_space<vmem>>)
      %mul3A_876 = arith.constant 4 : i32
      %mul3A_877 = arith.muli %add3A_868, %mul3A_876 : i32
      %add3A_878 = arith.addi %mul3A_2, %mul3A_877 : i32
      %dma_wait3A_879 = arith.constant 0 : i32
      %dma_wait3A_880 = arith.constant 0 : i32
      %dma_wait3A_881 = tpu.memref_slice %arg4[%add3A_878, %dma_wait3A_879, %dma_wait3A_880] : memref<4096x200x64xf32, #tpu.memory_space<hbm>> -> memref<4x200x64xf32, #tpu.memory_space<hbm>>
      %dma_wait3A_882 = arith.constant 0 : i32
      %dma_wait3A_883 = arith.constant 0 : i32
      %dma_wait3A_884 = tpu.memref_slice %arg4[%add3A_878, %dma_wait3A_882, %dma_wait3A_883] : memref<4096x200x64xf32, #tpu.memory_space<hbm>> -> memref<4x200x64xf32, #tpu.memory_space<hbm>>
      tpu.wait_dma2 semaphore(%arg11 : memref<!tpu.dma_semaphore, #tpu.memory_space<semaphore_mem>>) src(%arg7 : memref<4x200x64xf32, #tpu.memory_space<vmem>>) dst(%dma_wait3A_884 : memref<4x200x64xf32, #tpu.memory_space<hbm>>)
      %dma_start3A_885 = arith.constant 0 : i32
      %dma_start3A_886 = arith.constant 0 : i32
      %dma_start3A_887 = arith.constant 0 : i32
      %dma_start3A_888 = arith.constant 0 : i32
      %dma_start3A_889 = tpu.memref_slice %arg7[%dma_start3A_886, %dma_start3A_887, %dma_start3A_888] : memref<4x200x64xf32, #tpu.memory_space<vmem>> -> memref<1x128x64xf32, #tpu.memory_space<vmem>>
      %dma_start3A_890 = tpu.memref_squeeze %dma_start3A_889 : memref<1x128x64xf32, #tpu.memory_space<vmem>> -> memref<128x64xf32, #tpu.memory_space<vmem>>
      %dma_start3A_891 = arith.constant 0 : i32
      %dma_start3A_892 = tpu.memref_slice %arg5[%dma_start3A_885, %dma_start3A_891] : memref<4x200xi32, #tpu.memory_space<vmem>> -> memref<1x128xi32, #tpu.memory_space<vmem>>
      %dma_start3A_893 = tpu.memref_squeeze %dma_start3A_892 : memref<1x128xi32, #tpu.memory_space<vmem>> -> memref<128xi32, #tpu.memory_space<vmem>>
      %dma_start3A_894 = arith.constant 0 : i32
      %dma_start3A_895 = arith.constant 0 : i32
      %dma_start3A_896 = tpu.memref_slice %arg3[%dma_start3A_894, %dma_start3A_895] : memref<1000000x64xf32, #tpu.memory_space<hbm>> -> memref<1000000x64xf32, #tpu.memory_space<hbm>>
      tpu.enqueue_indirect_dma source(%dma_start3A_896 : memref<1000000x64xf32, #tpu.memory_space<hbm>>) target(%dma_start3A_890 : memref<128x64xf32, #tpu.memory_space<vmem>>) offsets(%dma_start3A_893 : memref<128xi32, #tpu.memory_space<vmem>>) semaphore(%arg13 : memref<!tpu.dma_semaphore, #tpu.memory_space<semaphore_mem>>)
      %dma_start3A_897 = arith.constant 0 : i32
      %dma_start3A_898 = arith.constant 0 : i32
      %dma_start3A_899 = arith.constant 128 : i32
      %dma_start3A_900 = arith.constant 0 : i32
      %dma_start3A_901 = tpu.memref_slice %arg7[%dma_start3A_898, %dma_start3A_899, %dma_start3A_900] : memref<4x200x64xf32, #tpu.memory_space<vmem>> -> memref<1x72x64xf32, #tpu.memory_space<vmem>>
      %dma_start3A_902 = tpu.memref_squeeze %dma_start3A_901 : memref<1x72x64xf32, #tpu.memory_space<vmem>> -> memref<72x64xf32, #tpu.memory_space<vmem>>
      %dma_start3A_903 = arith.constant 128 : i32
      %dma_start3A_904 = tpu.memref_slice %arg5[%dma_start3A_897, %dma_start3A_903] : memref<4x200xi32, #tpu.memory_space<vmem>> -> memref<1x72xi32, #tpu.memory_space<vmem>>
      %dma_start3A_905 = tpu.memref_squeeze %dma_start3A_904 : memref<1x72xi32, #tpu.memory_space<vmem>> -> memref<72xi32, #tpu.memory_space<vmem>>
      %dma_start3A_906 = arith.constant 0 : i32
      %dma_start3A_907 = arith.constant 0 : i32
      %dma_start3A_908 = tpu.memref_slice %arg3[%dma_start3A_906, %dma_start3A_907] : memref<1000000x64xf32, #tpu.memory_space<hbm>> -> memref<1000000x64xf32, #tpu.memory_space<hbm>>
      tpu.enqueue_indirect_dma source(%dma_start3A_908 : memref<1000000x64xf32, #tpu.memory_space<hbm>>) target(%dma_start3A_902 : memref<72x64xf32, #tpu.memory_space<vmem>>) offsets(%dma_start3A_905 : memref<72xi32, #tpu.memory_space<vmem>>) semaphore(%arg13 : memref<!tpu.dma_semaphore, #tpu.memory_space<semaphore_mem>>)
      %dma_start3A_909 = arith.constant 1 : i32
      %dma_start3A_910 = arith.constant 1 : i32
      %dma_start3A_911 = arith.constant 0 : i32
      %dma_start3A_912 = arith.constant 0 : i32
      %dma_start3A_913 = tpu.memref_slice %arg7[%dma_start3A_910, %dma_start3A_911, %dma_start3A_912] : memref<4x200x64xf32, #tpu.memory_space<vmem>> -> memref<1x128x64xf32, #tpu.memory_space<vmem>>
      %dma_start3A_914 = tpu.memref_squeeze %dma_start3A_913 : memref<1x128x64xf32, #tpu.memory_space<vmem>> -> memref<128x64xf32, #tpu.memory_space<vmem>>
      %dma_start3A_915 = arith.constant 0 : i32
      %dma_start3A_916 = tpu.memref_slice %arg5[%dma_start3A_909, %dma_start3A_915] : memref<4x200xi32, #tpu.memory_space<vmem>> -> memref<1x128xi32, #tpu.memory_space<vmem>>
      %dma_start3A_917 = tpu.memref_squeeze %dma_start3A_916 : memref<1x128xi32, #tpu.memory_space<vmem>> -> memref<128xi32, #tpu.memory_space<vmem>>
      %dma_start3A_918 = arith.constant 0 : i32
      %dma_start3A_919 = arith.constant 0 : i32
      %dma_start3A_920 = tpu.memref_slice %arg3[%dma_start3A_918, %dma_start3A_919] : memref<1000000x64xf32, #tpu.memory_space<hbm>> -> memref<1000000x64xf32, #tpu.memory_space<hbm>>
      tpu.enqueue_indirect_dma source(%dma_start3A_920 : memref<1000000x64xf32, #tpu.memory_space<hbm>>) target(%dma_start3A_914 : memref<128x64xf32, #tpu.memory_space<vmem>>) offsets(%dma_start3A_917 : memref<128xi32, #tpu.memory_space<vmem>>) semaphore(%arg13 : memref<!tpu.dma_semaphore, #tpu.memory_space<semaphore_mem>>)
      %dma_start3A_921 = arith.constant 1 : i32
      %dma_start3A_922 = arith.constant 1 : i32
      %dma_start3A_923 = arith.constant 128 : i32
      %dma_start3A_924 = arith.constant 0 : i32
      %dma_start3A_925 = tpu.memref_slice %arg7[%dma_start3A_922, %dma_start3A_923, %dma_start3A_924] : memref<4x200x64xf32, #tpu.memory_space<vmem>> -> memref<1x72x64xf32, #tpu.memory_space<vmem>>
      %dma_start3A_926 = tpu.memref_squeeze %dma_start3A_925 : memref<1x72x64xf32, #tpu.memory_space<vmem>> -> memref<72x64xf32, #tpu.memory_space<vmem>>
      %dma_start3A_927 = arith.constant 128 : i32
      %dma_start3A_928 = tpu.memref_slice %arg5[%dma_start3A_921, %dma_start3A_927] : memref<4x200xi32, #tpu.memory_space<vmem>> -> memref<1x72xi32, #tpu.memory_space<vmem>>
      %dma_start3A_929 = tpu.memref_squeeze %dma_start3A_928 : memref<1x72xi32, #tpu.memory_space<vmem>> -> memref<72xi32, #tpu.memory_space<vmem>>
      %dma_start3A_930 = arith.constant 0 : i32
      %dma_start3A_931 = arith.constant 0 : i32
      %dma_start3A_932 = tpu.memref_slice %arg3[%dma_start3A_930, %dma_start3A_931] : memref<1000000x64xf32, #tpu.memory_space<hbm>> -> memref<1000000x64xf32, #tpu.memory_space<hbm>>
      tpu.enqueue_indirect_dma source(%dma_start3A_932 : memref<1000000x64xf32, #tpu.memory_space<hbm>>) target(%dma_start3A_926 : memref<72x64xf32, #tpu.memory_space<vmem>>) offsets(%dma_start3A_929 : memref<72xi32, #tpu.memory_space<vmem>>) semaphore(%arg13 : memref<!tpu.dma_semaphore, #tpu.memory_space<semaphore_mem>>)
      %dma_start3A_933 = arith.constant 2 : i32
      %dma_start3A_934 = arith.constant 2 : i32
      %dma_start3A_935 = arith.constant 0 : i32
      %dma_start3A_936 = arith.constant 0 : i32
      %dma_start3A_937 = tpu.memref_slice %arg7[%dma_start3A_934, %dma_start3A_935, %dma_start3A_936] : memref<4x200x64xf32, #tpu.memory_space<vmem>> -> memref<1x128x64xf32, #tpu.memory_space<vmem>>
      %dma_start3A_938 = tpu.memref_squeeze %dma_start3A_937 : memref<1x128x64xf32, #tpu.memory_space<vmem>> -> memref<128x64xf32, #tpu.memory_space<vmem>>
      %dma_start3A_939 = arith.constant 0 : i32
      %dma_start3A_940 = tpu.memref_slice %arg5[%dma_start3A_933, %dma_start3A_939] : memref<4x200xi32, #tpu.memory_space<vmem>> -> memref<1x128xi32, #tpu.memory_space<vmem>>
      %dma_start3A_941 = tpu.memref_squeeze %dma_start3A_940 : memref<1x128xi32, #tpu.memory_space<vmem>> -> memref<128xi32, #tpu.memory_space<vmem>>
      %dma_start3A_942 = arith.constant 0 : i32
      %dma_start3A_943 = arith.constant 0 : i32
      %dma_start3A_944 = tpu.memref_slice %arg3[%dma_start3A_942, %dma_start3A_943] : memref<1000000x64xf32, #tpu.memory_space<hbm>> -> memref<1000000x64xf32, #tpu.memory_space<hbm>>
      tpu.enqueue_indirect_dma source(%dma_start3A_944 : memref<1000000x64xf32, #tpu.memory_space<hbm>>) target(%dma_start3A_938 : memref<128x64xf32, #tpu.memory_space<vmem>>) offsets(%dma_start3A_941 : memref<128xi32, #tpu.memory_space<vmem>>) semaphore(%arg13 : memref<!tpu.dma_semaphore, #tpu.memory_space<semaphore_mem>>)
      %dma_start3A_945 = arith.constant 2 : i32
      %dma_start3A_946 = arith.constant 2 : i32
      %dma_start3A_947 = arith.constant 128 : i32
      %dma_start3A_948 = arith.constant 0 : i32
      %dma_start3A_949 = tpu.memref_slice %arg7[%dma_start3A_946, %dma_start3A_947, %dma_start3A_948] : memref<4x200x64xf32, #tpu.memory_space<vmem>> -> memref<1x72x64xf32, #tpu.memory_space<vmem>>
      %dma_start3A_950 = tpu.memref_squeeze %dma_start3A_949 : memref<1x72x64xf32, #tpu.memory_space<vmem>> -> memref<72x64xf32, #tpu.memory_space<vmem>>
      %dma_start3A_951 = arith.constant 128 : i32
      %dma_start3A_952 = tpu.memref_slice %arg5[%dma_start3A_945, %dma_start3A_951] : memref<4x200xi32, #tpu.memory_space<vmem>> -> memref<1x72xi32, #tpu.memory_space<vmem>>
      %dma_start3A_953 = tpu.memref_squeeze %dma_start3A_952 : memref<1x72xi32, #tpu.memory_space<vmem>> -> memref<72xi32, #tpu.memory_space<vmem>>
      %dma_start3A_954 = arith.constant 0 : i32
      %dma_start3A_955 = arith.constant 0 : i32
      %dma_start3A_956 = tpu.memref_slice %arg3[%dma_start3A_954, %dma_start3A_955] : memref<1000000x64xf32, #tpu.memory_space<hbm>> -> memref<1000000x64xf32, #tpu.memory_space<hbm>>
      tpu.enqueue_indirect_dma source(%dma_start3A_956 : memref<1000000x64xf32, #tpu.memory_space<hbm>>) target(%dma_start3A_950 : memref<72x64xf32, #tpu.memory_space<vmem>>) offsets(%dma_start3A_953 : memref<72xi32, #tpu.memory_space<vmem>>) semaphore(%arg13 : memref<!tpu.dma_semaphore, #tpu.memory_space<semaphore_mem>>)
      %dma_start3A_957 = arith.constant 3 : i32
      %dma_start3A_958 = arith.constant 3 : i32
      %dma_start3A_959 = arith.constant 0 : i32
      %dma_start3A_960 = arith.constant 0 : i32
      %dma_start3A_961 = tpu.memref_slice %arg7[%dma_start3A_958, %dma_start3A_959, %dma_start3A_960] : memref<4x200x64xf32, #tpu.memory_space<vmem>> -> memref<1x128x64xf32, #tpu.memory_space<vmem>>
      %dma_start3A_962 = tpu.memref_squeeze %dma_start3A_961 : memref<1x128x64xf32, #tpu.memory_space<vmem>> -> memref<128x64xf32, #tpu.memory_space<vmem>>
      %dma_start3A_963 = arith.constant 0 : i32
      %dma_start3A_964 = tpu.memref_slice %arg5[%dma_start3A_957, %dma_start3A_963] : memref<4x200xi32, #tpu.memory_space<vmem>> -> memref<1x128xi32, #tpu.memory_space<vmem>>
      %dma_start3A_965 = tpu.memref_squeeze %dma_start3A_964 : memref<1x128xi32, #tpu.memory_space<vmem>> -> memref<128xi32, #tpu.memory_space<vmem>>
      %dma_start3A_966 = arith.constant 0 : i32
      %dma_start3A_967 = arith.constant 0 : i32
      %dma_start3A_968 = tpu.memref_slice %arg3[%dma_start3A_966, %dma_start3A_967] : memref<1000000x64xf32, #tpu.memory_space<hbm>> -> memref<1000000x64xf32, #tpu.memory_space<hbm>>
      tpu.enqueue_indirect_dma source(%dma_start3A_968 : memref<1000000x64xf32, #tpu.memory_space<hbm>>) target(%dma_start3A_962 : memref<128x64xf32, #tpu.memory_space<vmem>>) offsets(%dma_start3A_965 : memref<128xi32, #tpu.memory_space<vmem>>) semaphore(%arg13 : memref<!tpu.dma_semaphore, #tpu.memory_space<semaphore_mem>>)
      %dma_start3A_969 = arith.constant 3 : i32
      %dma_start3A_970 = arith.constant 3 : i32
      %dma_start3A_971 = arith.constant 128 : i32
      %dma_start3A_972 = arith.constant 0 : i32
      %dma_start3A_973 = tpu.memref_slice %arg7[%dma_start3A_970, %dma_start3A_971, %dma_start3A_972] : memref<4x200x64xf32, #tpu.memory_space<vmem>> -> memref<1x72x64xf32, #tpu.memory_space<vmem>>
      %dma_start3A_974 = tpu.memref_squeeze %dma_start3A_973 : memref<1x72x64xf32, #tpu.memory_space<vmem>> -> memref<72x64xf32, #tpu.memory_space<vmem>>
      %dma_start3A_975 = arith.constant 128 : i32
      %dma_start3A_976 = tpu.memref_slice %arg5[%dma_start3A_969, %dma_start3A_975] : memref<4x200xi32, #tpu.memory_space<vmem>> -> memref<1x72xi32, #tpu.memory_space<vmem>>
      %dma_start3A_977 = tpu.memref_squeeze %dma_start3A_976 : memref<1x72xi32, #tpu.memory_space<vmem>> -> memref<72xi32, #tpu.memory_space<vmem>>
      %dma_start3A_978 = arith.constant 0 : i32
      %dma_start3A_979 = arith.constant 0 : i32
      %dma_start3A_980 = tpu.memref_slice %arg3[%dma_start3A_978, %dma_start3A_979] : memref<1000000x64xf32, #tpu.memory_space<hbm>> -> memref<1000000x64xf32, #tpu.memory_space<hbm>>
      tpu.enqueue_indirect_dma source(%dma_start3A_980 : memref<1000000x64xf32, #tpu.memory_space<hbm>>) target(%dma_start3A_974 : memref<72x64xf32, #tpu.memory_space<vmem>>) offsets(%dma_start3A_977 : memref<72xi32, #tpu.memory_space<vmem>>) semaphore(%arg13 : memref<!tpu.dma_semaphore, #tpu.memory_space<semaphore_mem>>)
      %dma_wait3A_981 = arith.constant 0 : i32
      %dma_wait3A_982 = arith.constant 0 : i32
      %dma_wait3A_983 = arith.constant 0 : i32
      %dma_wait3A_984 = arith.constant 0 : i32
      %dma_wait3A_985 = tpu.memref_slice %arg7[%dma_wait3A_982, %dma_wait3A_983, %dma_wait3A_984] : memref<4x200x64xf32, #tpu.memory_space<vmem>> -> memref<1x128x64xf32, #tpu.memory_space<vmem>>
      %dma_wait3A_986 = tpu.memref_squeeze %dma_wait3A_985 : memref<1x128x64xf32, #tpu.memory_space<vmem>> -> memref<128x64xf32, #tpu.memory_space<vmem>>
      %dma_wait3A_987 = arith.constant 0 : i32
      %dma_wait3A_988 = tpu.memref_slice %arg5[%dma_wait3A_981, %dma_wait3A_987] : memref<4x200xi32, #tpu.memory_space<vmem>> -> memref<1x128xi32, #tpu.memory_space<vmem>>
      %dma_wait3A_989 = tpu.memref_squeeze %dma_wait3A_988 : memref<1x128xi32, #tpu.memory_space<vmem>> -> memref<128xi32, #tpu.memory_space<vmem>>
      %dma_wait3A_990 = arith.constant 0 : i32
      %dma_wait3A_991 = arith.constant 0 : i32
      %dma_wait3A_992 = tpu.memref_slice %arg3[%dma_wait3A_990, %dma_wait3A_991] : memref<1000000x64xf32, #tpu.memory_space<hbm>> -> memref<1000000x64xf32, #tpu.memory_space<hbm>>
      tpu.wait_indirect_dma semaphore(%arg13 : memref<!tpu.dma_semaphore, #tpu.memory_space<semaphore_mem>>) src(%dma_wait3A_992 : memref<1000000x64xf32, #tpu.memory_space<hbm>>) dst(%dma_wait3A_986 : memref<128x64xf32, #tpu.memory_space<vmem>>)
      %dma_wait3A_993 = arith.constant 0 : i32
      %dma_wait3A_994 = arith.constant 0 : i32
      %dma_wait3A_995 = arith.constant 128 : i32
      %dma_wait3A_996 = arith.constant 0 : i32
      %dma_wait3A_997 = tpu.memref_slice %arg7[%dma_wait3A_994, %dma_wait3A_995, %dma_wait3A_996] : memref<4x200x64xf32, #tpu.memory_space<vmem>> -> memref<1x72x64xf32, #tpu.memory_space<vmem>>
      %dma_wait3A_998 = tpu.memref_squeeze %dma_wait3A_997 : memref<1x72x64xf32, #tpu.memory_space<vmem>> -> memref<72x64xf32, #tpu.memory_space<vmem>>
      %dma_wait3A_999 = arith.constant 128 : i32
      %dma_wait3A_1000 = tpu.memref_slice %arg5[%dma_wait3A_993, %dma_wait3A_999] : memref<4x200xi32, #tpu.memory_space<vmem>> -> memref<1x72xi32, #tpu.memory_space<vmem>>
      %dma_wait3A_1001 = tpu.memref_squeeze %dma_wait3A_1000 : memref<1x72xi32, #tpu.memory_space<vmem>> -> memref<72xi32, #tpu.memory_space<vmem>>
      %dma_wait3A_1002 = arith.constant 0 : i32
      %dma_wait3A_1003 = arith.constant 0 : i32
      %dma_wait3A_1004 = tpu.memref_slice %arg3[%dma_wait3A_1002, %dma_wait3A_1003] : memref<1000000x64xf32, #tpu.memory_space<hbm>> -> memref<1000000x64xf32, #tpu.memory_space<hbm>>
      tpu.wait_indirect_dma semaphore(%arg13 : memref<!tpu.dma_semaphore, #tpu.memory_space<semaphore_mem>>) src(%dma_wait3A_1004 : memref<1000000x64xf32, #tpu.memory_space<hbm>>) dst(%dma_wait3A_998 : memref<72x64xf32, #tpu.memory_space<vmem>>)
      %dma_wait3A_1005 = arith.constant 1 : i32
      %dma_wait3A_1006 = arith.constant 1 : i32
      %dma_wait3A_1007 = arith.constant 0 : i32
      %dma_wait3A_1008 = arith.constant 0 : i32
      %dma_wait3A_1009 = tpu.memref_slice %arg7[%dma_wait3A_1006, %dma_wait3A_1007, %dma_wait3A_1008] : memref<4x200x64xf32, #tpu.memory_space<vmem>> -> memref<1x128x64xf32, #tpu.memory_space<vmem>>
      %dma_wait3A_1010 = tpu.memref_squeeze %dma_wait3A_1009 : memref<1x128x64xf32, #tpu.memory_space<vmem>> -> memref<128x64xf32, #tpu.memory_space<vmem>>
      %dma_wait3A_1011 = arith.constant 0 : i32
      %dma_wait3A_1012 = tpu.memref_slice %arg5[%dma_wait3A_1005, %dma_wait3A_1011] : memref<4x200xi32, #tpu.memory_space<vmem>> -> memref<1x128xi32, #tpu.memory_space<vmem>>
      %dma_wait3A_1013 = tpu.memref_squeeze %dma_wait3A_1012 : memref<1x128xi32, #tpu.memory_space<vmem>> -> memref<128xi32, #tpu.memory_space<vmem>>
      %dma_wait3A_1014 = arith.constant 0 : i32
      %dma_wait3A_1015 = arith.constant 0 : i32
      %dma_wait3A_1016 = tpu.memref_slice %arg3[%dma_wait3A_1014, %dma_wait3A_1015] : memref<1000000x64xf32, #tpu.memory_space<hbm>> -> memref<1000000x64xf32, #tpu.memory_space<hbm>>
      tpu.wait_indirect_dma semaphore(%arg13 : memref<!tpu.dma_semaphore, #tpu.memory_space<semaphore_mem>>) src(%dma_wait3A_1016 : memref<1000000x64xf32, #tpu.memory_space<hbm>>) dst(%dma_wait3A_1010 : memref<128x64xf32, #tpu.memory_space<vmem>>)
      %dma_wait3A_1017 = arith.constant 1 : i32
      %dma_wait3A_1018 = arith.constant 1 : i32
      %dma_wait3A_1019 = arith.constant 128 : i32
      %dma_wait3A_1020 = arith.constant 0 : i32
      %dma_wait3A_1021 = tpu.memref_slice %arg7[%dma_wait3A_1018, %dma_wait3A_1019, %dma_wait3A_1020] : memref<4x200x64xf32, #tpu.memory_space<vmem>> -> memref<1x72x64xf32, #tpu.memory_space<vmem>>
      %dma_wait3A_1022 = tpu.memref_squeeze %dma_wait3A_1021 : memref<1x72x64xf32, #tpu.memory_space<vmem>> -> memref<72x64xf32, #tpu.memory_space<vmem>>
      %dma_wait3A_1023 = arith.constant 128 : i32
      %dma_wait3A_1024 = tpu.memref_slice %arg5[%dma_wait3A_1017, %dma_wait3A_1023] : memref<4x200xi32, #tpu.memory_space<vmem>> -> memref<1x72xi32, #tpu.memory_space<vmem>>
      %dma_wait3A_1025 = tpu.memref_squeeze %dma_wait3A_1024 : memref<1x72xi32, #tpu.memory_space<vmem>> -> memref<72xi32, #tpu.memory_space<vmem>>
      %dma_wait3A_1026 = arith.constant 0 : i32
      %dma_wait3A_1027 = arith.constant 0 : i32
      %dma_wait3A_1028 = tpu.memref_slice %arg3[%dma_wait3A_1026, %dma_wait3A_1027] : memref<1000000x64xf32, #tpu.memory_space<hbm>> -> memref<1000000x64xf32, #tpu.memory_space<hbm>>
      tpu.wait_indirect_dma semaphore(%arg13 : memref<!tpu.dma_semaphore, #tpu.memory_space<semaphore_mem>>) src(%dma_wait3A_1028 : memref<1000000x64xf32, #tpu.memory_space<hbm>>) dst(%dma_wait3A_1022 : memref<72x64xf32, #tpu.memory_space<vmem>>)
      %dma_wait3A_1029 = arith.constant 2 : i32
      %dma_wait3A_1030 = arith.constant 2 : i32
      %dma_wait3A_1031 = arith.constant 0 : i32
      %dma_wait3A_1032 = arith.constant 0 : i32
      %dma_wait3A_1033 = tpu.memref_slice %arg7[%dma_wait3A_1030, %dma_wait3A_1031, %dma_wait3A_1032] : memref<4x200x64xf32, #tpu.memory_space<vmem>> -> memref<1x128x64xf32, #tpu.memory_space<vmem>>
      %dma_wait3A_1034 = tpu.memref_squeeze %dma_wait3A_1033 : memref<1x128x64xf32, #tpu.memory_space<vmem>> -> memref<128x64xf32, #tpu.memory_space<vmem>>
      %dma_wait3A_1035 = arith.constant 0 : i32
      %dma_wait3A_1036 = tpu.memref_slice %arg5[%dma_wait3A_1029, %dma_wait3A_1035] : memref<4x200xi32, #tpu.memory_space<vmem>> -> memref<1x128xi32, #tpu.memory_space<vmem>>
      %dma_wait3A_1037 = tpu.memref_squeeze %dma_wait3A_1036 : memref<1x128xi32, #tpu.memory_space<vmem>> -> memref<128xi32, #tpu.memory_space<vmem>>
      %dma_wait3A_1038 = arith.constant 0 : i32
      %dma_wait3A_1039 = arith.constant 0 : i32
      %dma_wait3A_1040 = tpu.memref_slice %arg3[%dma_wait3A_1038, %dma_wait3A_1039] : memref<1000000x64xf32, #tpu.memory_space<hbm>> -> memref<1000000x64xf32, #tpu.memory_space<hbm>>
      tpu.wait_indirect_dma semaphore(%arg13 : memref<!tpu.dma_semaphore, #tpu.memory_space<semaphore_mem>>) src(%dma_wait3A_1040 : memref<1000000x64xf32, #tpu.memory_space<hbm>>) dst(%dma_wait3A_1034 : memref<128x64xf32, #tpu.memory_space<vmem>>)
      %dma_wait3A_1041 = arith.constant 2 : i32
      %dma_wait3A_1042 = arith.constant 2 : i32
      %dma_wait3A_1043 = arith.constant 128 : i32
      %dma_wait3A_1044 = arith.constant 0 : i32
      %dma_wait3A_1045 = tpu.memref_slice %arg7[%dma_wait3A_1042, %dma_wait3A_1043, %dma_wait3A_1044] : memref<4x200x64xf32, #tpu.memory_space<vmem>> -> memref<1x72x64xf32, #tpu.memory_space<vmem>>
      %dma_wait3A_1046 = tpu.memref_squeeze %dma_wait3A_1045 : memref<1x72x64xf32, #tpu.memory_space<vmem>> -> memref<72x64xf32, #tpu.memory_space<vmem>>
      %dma_wait3A_1047 = arith.constant 128 : i32
      %dma_wait3A_1048 = tpu.memref_slice %arg5[%dma_wait3A_1041, %dma_wait3A_1047] : memref<4x200xi32, #tpu.memory_space<vmem>> -> memref<1x72xi32, #tpu.memory_space<vmem>>
      %dma_wait3A_1049 = tpu.memref_squeeze %dma_wait3A_1048 : memref<1x72xi32, #tpu.memory_space<vmem>> -> memref<72xi32, #tpu.memory_space<vmem>>
      %dma_wait3A_1050 = arith.constant 0 : i32
      %dma_wait3A_1051 = arith.constant 0 : i32
      %dma_wait3A_1052 = tpu.memref_slice %arg3[%dma_wait3A_1050, %dma_wait3A_1051] : memref<1000000x64xf32, #tpu.memory_space<hbm>> -> memref<1000000x64xf32, #tpu.memory_space<hbm>>
      tpu.wait_indirect_dma semaphore(%arg13 : memref<!tpu.dma_semaphore, #tpu.memory_space<semaphore_mem>>) src(%dma_wait3A_1052 : memref<1000000x64xf32, #tpu.memory_space<hbm>>) dst(%dma_wait3A_1046 : memref<72x64xf32, #tpu.memory_space<vmem>>)
      %dma_wait3A_1053 = arith.constant 3 : i32
      %dma_wait3A_1054 = arith.constant 3 : i32
      %dma_wait3A_1055 = arith.constant 0 : i32
      %dma_wait3A_1056 = arith.constant 0 : i32
      %dma_wait3A_1057 = tpu.memref_slice %arg7[%dma_wait3A_1054, %dma_wait3A_1055, %dma_wait3A_1056] : memref<4x200x64xf32, #tpu.memory_space<vmem>> -> memref<1x128x64xf32, #tpu.memory_space<vmem>>
      %dma_wait3A_1058 = tpu.memref_squeeze %dma_wait3A_1057 : memref<1x128x64xf32, #tpu.memory_space<vmem>> -> memref<128x64xf32, #tpu.memory_space<vmem>>
      %dma_wait3A_1059 = arith.constant 0 : i32
      %dma_wait3A_1060 = tpu.memref_slice %arg5[%dma_wait3A_1053, %dma_wait3A_1059] : memref<4x200xi32, #tpu.memory_space<vmem>> -> memref<1x128xi32, #tpu.memory_space<vmem>>
      %dma_wait3A_1061 = tpu.memref_squeeze %dma_wait3A_1060 : memref<1x128xi32, #tpu.memory_space<vmem>> -> memref<128xi32, #tpu.memory_space<vmem>>
      %dma_wait3A_1062 = arith.constant 0 : i32
      %dma_wait3A_1063 = arith.constant 0 : i32
      %dma_wait3A_1064 = tpu.memref_slice %arg3[%dma_wait3A_1062, %dma_wait3A_1063] : memref<1000000x64xf32, #tpu.memory_space<hbm>> -> memref<1000000x64xf32, #tpu.memory_space<hbm>>
      tpu.wait_indirect_dma semaphore(%arg13 : memref<!tpu.dma_semaphore, #tpu.memory_space<semaphore_mem>>) src(%dma_wait3A_1064 : memref<1000000x64xf32, #tpu.memory_space<hbm>>) dst(%dma_wait3A_1058 : memref<128x64xf32, #tpu.memory_space<vmem>>)
      %dma_wait3A_1065 = arith.constant 3 : i32
      %dma_wait3A_1066 = arith.constant 3 : i32
      %dma_wait3A_1067 = arith.constant 128 : i32
      %dma_wait3A_1068 = arith.constant 0 : i32
      %dma_wait3A_1069 = tpu.memref_slice %arg7[%dma_wait3A_1066, %dma_wait3A_1067, %dma_wait3A_1068] : memref<4x200x64xf32, #tpu.memory_space<vmem>> -> memref<1x72x64xf32, #tpu.memory_space<vmem>>
      %dma_wait3A_1070 = tpu.memref_squeeze %dma_wait3A_1069 : memref<1x72x64xf32, #tpu.memory_space<vmem>> -> memref<72x64xf32, #tpu.memory_space<vmem>>
      %dma_wait3A_1071 = arith.constant 128 : i32
      %dma_wait3A_1072 = tpu.memref_slice %arg5[%dma_wait3A_1065, %dma_wait3A_1071] : memref<4x200xi32, #tpu.memory_space<vmem>> -> memref<1x72xi32, #tpu.memory_space<vmem>>
      %dma_wait3A_1073 = tpu.memref_squeeze %dma_wait3A_1072 : memref<1x72xi32, #tpu.memory_space<vmem>> -> memref<72xi32, #tpu.memory_space<vmem>>
      %dma_wait3A_1074 = arith.constant 0 : i32
      %dma_wait3A_1075 = arith.constant 0 : i32
      %dma_wait3A_1076 = tpu.memref_slice %arg3[%dma_wait3A_1074, %dma_wait3A_1075] : memref<1000000x64xf32, #tpu.memory_space<hbm>> -> memref<1000000x64xf32, #tpu.memory_space<hbm>>
      tpu.wait_indirect_dma semaphore(%arg13 : memref<!tpu.dma_semaphore, #tpu.memory_space<semaphore_mem>>) src(%dma_wait3A_1076 : memref<1000000x64xf32, #tpu.memory_space<hbm>>) dst(%dma_wait3A_1070 : memref<72x64xf32, #tpu.memory_space<vmem>>)
      %add3A_1077 = arith.constant 2 : i32
      %add3A_1078 = arith.addi %add3A_868, %add3A_1077 : i32
      %mul3A_1079 = arith.constant 4 : i32
      %mul3A_1080 = arith.muli %add3A_1078, %mul3A_1079 : i32
      %add3A_1081 = arith.addi %mul3A_2, %mul3A_1080 : i32
      %dma_start3A_1082 = arith.constant 0 : i32
      %dma_start3A_1083 = tpu.memref_slice %arg2[%add3A_1081, %dma_start3A_1082] : memref<4096x200xi32, #tpu.memory_space<hbm>> -> memref<4x200xi32, #tpu.memory_space<hbm>>
      %dma_start3A_1084 = arith.constant 0 : i32
      %dma_start3A_1085 = tpu.memref_slice %arg2[%add3A_1081, %dma_start3A_1084] : memref<4096x200xi32, #tpu.memory_space<hbm>> -> memref<4x200xi32, #tpu.memory_space<hbm>>
      tpu.enqueue_dma source(%dma_start3A_1085 : memref<4x200xi32, #tpu.memory_space<hbm>>) target(%arg5 : memref<4x200xi32, #tpu.memory_space<vmem>>) target_semaphore(%arg9 : memref<!tpu.dma_semaphore, #tpu.memory_space<semaphore_mem>>)
      %mul3A_1086 = arith.constant 4 : i32
      %mul3A_1087 = arith.muli %add3A_868, %mul3A_1086 : i32
      %add3A_1088 = arith.addi %mul3A_2, %mul3A_1087 : i32
      %dma_start3A_1089 = arith.constant 0 : i32
      %dma_start3A_1090 = arith.constant 0 : i32
      %dma_start3A_1091 = tpu.memref_slice %arg4[%add3A_1088, %dma_start3A_1089, %dma_start3A_1090] : memref<4096x200x64xf32, #tpu.memory_space<hbm>> -> memref<4x200x64xf32, #tpu.memory_space<hbm>>
      %dma_start3A_1092 = arith.constant 0 : i32
      %dma_start3A_1093 = arith.constant 0 : i32
      %dma_start3A_1094 = tpu.memref_slice %arg4[%add3A_1088, %dma_start3A_1092, %dma_start3A_1093] : memref<4096x200x64xf32, #tpu.memory_space<hbm>> -> memref<4x200x64xf32, #tpu.memory_space<hbm>>
      tpu.enqueue_dma source(%arg7 : memref<4x200x64xf32, #tpu.memory_space<vmem>>) target(%dma_start3A_1094 : memref<4x200x64xf32, #tpu.memory_space<hbm>>) target_semaphore(%arg11 : memref<!tpu.dma_semaphore, #tpu.memory_space<semaphore_mem>>)
      %add3A_1095 = arith.constant 1 : i32
      %add3A_1096 = arith.addi %add3A_866, %add3A_1095 : i32
      %mul3A_1097 = arith.constant 4 : i32
      %mul3A_1098 = arith.muli %add3A_1096, %mul3A_1097 : i32
      %add3A_1099 = arith.addi %mul3A_2, %mul3A_1098 : i32
      %dma_wait3A_1100 = arith.constant 0 : i32
      %dma_wait3A_1101 = tpu.memref_slice %arg2[%add3A_1099, %dma_wait3A_1100] : memref<4096x200xi32, #tpu.memory_space<hbm>> -> memref<4x200xi32, #tpu.memory_space<hbm>>
      %dma_wait3A_1102 = arith.constant 0 : i32
      %dma_wait3A_1103 = tpu.memref_slice %arg2[%add3A_1099, %dma_wait3A_1102] : memref<4096x200xi32, #tpu.memory_space<hbm>> -> memref<4x200xi32, #tpu.memory_space<hbm>>
      tpu.wait_dma2 semaphore(%arg10 : memref<!tpu.dma_semaphore, #tpu.memory_space<semaphore_mem>>) src(%dma_wait3A_1103 : memref<4x200xi32, #tpu.memory_space<hbm>>) dst(%arg6 : memref<4x200xi32, #tpu.memory_space<vmem>>)
      %mul3A_1104 = arith.constant 4 : i32
      %mul3A_1105 = arith.muli %add3A_1096, %mul3A_1104 : i32
      %add3A_1106 = arith.addi %mul3A_2, %mul3A_1105 : i32
      %dma_wait3A_1107 = arith.constant 0 : i32
      %dma_wait3A_1108 = arith.constant 0 : i32
      %dma_wait3A_1109 = tpu.memref_slice %arg4[%add3A_1106, %dma_wait3A_1107, %dma_wait3A_1108] : memref<4096x200x64xf32, #tpu.memory_space<hbm>> -> memref<4x200x64xf32, #tpu.memory_space<hbm>>
      %dma_wait3A_1110 = arith.constant 0 : i32
      %dma_wait3A_1111 = arith.constant 0 : i32
      %dma_wait3A_1112 = tpu.memref_slice %arg4[%add3A_1106, %dma_wait3A_1110, %dma_wait3A_1111] : memref<4096x200x64xf32, #tpu.memory_space<hbm>> -> memref<4x200x64xf32, #tpu.memory_space<hbm>>
      tpu.wait_dma2 semaphore(%arg12 : memref<!tpu.dma_semaphore, #tpu.memory_space<semaphore_mem>>) src(%arg8 : memref<4x200x64xf32, #tpu.memory_space<vmem>>) dst(%dma_wait3A_1112 : memref<4x200x64xf32, #tpu.memory_space<hbm>>)
      %dma_start3A_1113 = arith.constant 0 : i32
      %dma_start3A_1114 = arith.constant 0 : i32
      %dma_start3A_1115 = arith.constant 0 : i32
      %dma_start3A_1116 = arith.constant 0 : i32
      %dma_start3A_1117 = tpu.memref_slice %arg8[%dma_start3A_1114, %dma_start3A_1115, %dma_start3A_1116] : memref<4x200x64xf32, #tpu.memory_space<vmem>> -> memref<1x128x64xf32, #tpu.memory_space<vmem>>
      %dma_start3A_1118 = tpu.memref_squeeze %dma_start3A_1117 : memref<1x128x64xf32, #tpu.memory_space<vmem>> -> memref<128x64xf32, #tpu.memory_space<vmem>>
      %dma_start3A_1119 = arith.constant 0 : i32
      %dma_start3A_1120 = tpu.memref_slice %arg6[%dma_start3A_1113, %dma_start3A_1119] : memref<4x200xi32, #tpu.memory_space<vmem>> -> memref<1x128xi32, #tpu.memory_space<vmem>>
      %dma_start3A_1121 = tpu.memref_squeeze %dma_start3A_1120 : memref<1x128xi32, #tpu.memory_space<vmem>> -> memref<128xi32, #tpu.memory_space<vmem>>
      %dma_start3A_1122 = arith.constant 0 : i32
      %dma_start3A_1123 = arith.constant 0 : i32
      %dma_start3A_1124 = tpu.memref_slice %arg3[%dma_start3A_1122, %dma_start3A_1123] : memref<1000000x64xf32, #tpu.memory_space<hbm>> -> memref<1000000x64xf32, #tpu.memory_space<hbm>>
      tpu.enqueue_indirect_dma source(%dma_start3A_1124 : memref<1000000x64xf32, #tpu.memory_space<hbm>>) target(%dma_start3A_1118 : memref<128x64xf32, #tpu.memory_space<vmem>>) offsets(%dma_start3A_1121 : memref<128xi32, #tpu.memory_space<vmem>>) semaphore(%arg13 : memref<!tpu.dma_semaphore, #tpu.memory_space<semaphore_mem>>)
      %dma_start3A_1125 = arith.constant 0 : i32
      %dma_start3A_1126 = arith.constant 0 : i32
      %dma_start3A_1127 = arith.constant 128 : i32
      %dma_start3A_1128 = arith.constant 0 : i32
      %dma_start3A_1129 = tpu.memref_slice %arg8[%dma_start3A_1126, %dma_start3A_1127, %dma_start3A_1128] : memref<4x200x64xf32, #tpu.memory_space<vmem>> -> memref<1x72x64xf32, #tpu.memory_space<vmem>>
      %dma_start3A_1130 = tpu.memref_squeeze %dma_start3A_1129 : memref<1x72x64xf32, #tpu.memory_space<vmem>> -> memref<72x64xf32, #tpu.memory_space<vmem>>
      %dma_start3A_1131 = arith.constant 128 : i32
      %dma_start3A_1132 = tpu.memref_slice %arg6[%dma_start3A_1125, %dma_start3A_1131] : memref<4x200xi32, #tpu.memory_space<vmem>> -> memref<1x72xi32, #tpu.memory_space<vmem>>
      %dma_start3A_1133 = tpu.memref_squeeze %dma_start3A_1132 : memref<1x72xi32, #tpu.memory_space<vmem>> -> memref<72xi32, #tpu.memory_space<vmem>>
      %dma_start3A_1134 = arith.constant 0 : i32
      %dma_start3A_1135 = arith.constant 0 : i32
      %dma_start3A_1136 = tpu.memref_slice %arg3[%dma_start3A_1134, %dma_start3A_1135] : memref<1000000x64xf32, #tpu.memory_space<hbm>> -> memref<1000000x64xf32, #tpu.memory_space<hbm>>
      tpu.enqueue_indirect_dma source(%dma_start3A_1136 : memref<1000000x64xf32, #tpu.memory_space<hbm>>) target(%dma_start3A_1130 : memref<72x64xf32, #tpu.memory_space<vmem>>) offsets(%dma_start3A_1133 : memref<72xi32, #tpu.memory_space<vmem>>) semaphore(%arg13 : memref<!tpu.dma_semaphore, #tpu.memory_space<semaphore_mem>>)
      %dma_start3A_1137 = arith.constant 1 : i32
      %dma_start3A_1138 = arith.constant 1 : i32
      %dma_start3A_1139 = arith.constant 0 : i32
      %dma_start3A_1140 = arith.constant 0 : i32
      %dma_start3A_1141 = tpu.memref_slice %arg8[%dma_start3A_1138, %dma_start3A_1139, %dma_start3A_1140] : memref<4x200x64xf32, #tpu.memory_space<vmem>> -> memref<1x128x64xf32, #tpu.memory_space<vmem>>
      %dma_start3A_1142 = tpu.memref_squeeze %dma_start3A_1141 : memref<1x128x64xf32, #tpu.memory_space<vmem>> -> memref<128x64xf32, #tpu.memory_space<vmem>>
      %dma_start3A_1143 = arith.constant 0 : i32
      %dma_start3A_1144 = tpu.memref_slice %arg6[%dma_start3A_1137, %dma_start3A_1143] : memref<4x200xi32, #tpu.memory_space<vmem>> -> memref<1x128xi32, #tpu.memory_space<vmem>>
      %dma_start3A_1145 = tpu.memref_squeeze %dma_start3A_1144 : memref<1x128xi32, #tpu.memory_space<vmem>> -> memref<128xi32, #tpu.memory_space<vmem>>
      %dma_start3A_1146 = arith.constant 0 : i32
      %dma_start3A_1147 = arith.constant 0 : i32
      %dma_start3A_1148 = tpu.memref_slice %arg3[%dma_start3A_1146, %dma_start3A_1147] : memref<1000000x64xf32, #tpu.memory_space<hbm>> -> memref<1000000x64xf32, #tpu.memory_space<hbm>>
      tpu.enqueue_indirect_dma source(%dma_start3A_1148 : memref<1000000x64xf32, #tpu.memory_space<hbm>>) target(%dma_start3A_1142 : memref<128x64xf32, #tpu.memory_space<vmem>>) offsets(%dma_start3A_1145 : memref<128xi32, #tpu.memory_space<vmem>>) semaphore(%arg13 : memref<!tpu.dma_semaphore, #tpu.memory_space<semaphore_mem>>)
      %dma_start3A_1149 = arith.constant 1 : i32
      %dma_start3A_1150 = arith.constant 1 : i32
      %dma_start3A_1151 = arith.constant 128 : i32
      %dma_start3A_1152 = arith.constant 0 : i32
      %dma_start3A_1153 = tpu.memref_slice %arg8[%dma_start3A_1150, %dma_start3A_1151, %dma_start3A_1152] : memref<4x200x64xf32, #tpu.memory_space<vmem>> -> memref<1x72x64xf32, #tpu.memory_space<vmem>>
      %dma_start3A_1154 = tpu.memref_squeeze %dma_start3A_1153 : memref<1x72x64xf32, #tpu.memory_space<vmem>> -> memref<72x64xf32, #tpu.memory_space<vmem>>
      %dma_start3A_1155 = arith.constant 128 : i32
      %dma_start3A_1156 = tpu.memref_slice %arg6[%dma_start3A_1149, %dma_start3A_1155] : memref<4x200xi32, #tpu.memory_space<vmem>> -> memref<1x72xi32, #tpu.memory_space<vmem>>
      %dma_start3A_1157 = tpu.memref_squeeze %dma_start3A_1156 : memref<1x72xi32, #tpu.memory_space<vmem>> -> memref<72xi32, #tpu.memory_space<vmem>>
      %dma_start3A_1158 = arith.constant 0 : i32
      %dma_start3A_1159 = arith.constant 0 : i32
      %dma_start3A_1160 = tpu.memref_slice %arg3[%dma_start3A_1158, %dma_start3A_1159] : memref<1000000x64xf32, #tpu.memory_space<hbm>> -> memref<1000000x64xf32, #tpu.memory_space<hbm>>
      tpu.enqueue_indirect_dma source(%dma_start3A_1160 : memref<1000000x64xf32, #tpu.memory_space<hbm>>) target(%dma_start3A_1154 : memref<72x64xf32, #tpu.memory_space<vmem>>) offsets(%dma_start3A_1157 : memref<72xi32, #tpu.memory_space<vmem>>) semaphore(%arg13 : memref<!tpu.dma_semaphore, #tpu.memory_space<semaphore_mem>>)
      %dma_start3A_1161 = arith.constant 2 : i32
      %dma_start3A_1162 = arith.constant 2 : i32
      %dma_start3A_1163 = arith.constant 0 : i32
      %dma_start3A_1164 = arith.constant 0 : i32
      %dma_start3A_1165 = tpu.memref_slice %arg8[%dma_start3A_1162, %dma_start3A_1163, %dma_start3A_1164] : memref<4x200x64xf32, #tpu.memory_space<vmem>> -> memref<1x128x64xf32, #tpu.memory_space<vmem>>
      %dma_start3A_1166 = tpu.memref_squeeze %dma_start3A_1165 : memref<1x128x64xf32, #tpu.memory_space<vmem>> -> memref<128x64xf32, #tpu.memory_space<vmem>>
      %dma_start3A_1167 = arith.constant 0 : i32
      %dma_start3A_1168 = tpu.memref_slice %arg6[%dma_start3A_1161, %dma_start3A_1167] : memref<4x200xi32, #tpu.memory_space<vmem>> -> memref<1x128xi32, #tpu.memory_space<vmem>>
      %dma_start3A_1169 = tpu.memref_squeeze %dma_start3A_1168 : memref<1x128xi32, #tpu.memory_space<vmem>> -> memref<128xi32, #tpu.memory_space<vmem>>
      %dma_start3A_1170 = arith.constant 0 : i32
      %dma_start3A_1171 = arith.constant 0 : i32
      %dma_start3A_1172 = tpu.memref_slice %arg3[%dma_start3A_1170, %dma_start3A_1171] : memref<1000000x64xf32, #tpu.memory_space<hbm>> -> memref<1000000x64xf32, #tpu.memory_space<hbm>>
      tpu.enqueue_indirect_dma source(%dma_start3A_1172 : memref<1000000x64xf32, #tpu.memory_space<hbm>>) target(%dma_start3A_1166 : memref<128x64xf32, #tpu.memory_space<vmem>>) offsets(%dma_start3A_1169 : memref<128xi32, #tpu.memory_space<vmem>>) semaphore(%arg13 : memref<!tpu.dma_semaphore, #tpu.memory_space<semaphore_mem>>)
      %dma_start3A_1173 = arith.constant 2 : i32
      %dma_start3A_1174 = arith.constant 2 : i32
      %dma_start3A_1175 = arith.constant 128 : i32
      %dma_start3A_1176 = arith.constant 0 : i32
      %dma_start3A_1177 = tpu.memref_slice %arg8[%dma_start3A_1174, %dma_start3A_1175, %dma_start3A_1176] : memref<4x200x64xf32, #tpu.memory_space<vmem>> -> memref<1x72x64xf32, #tpu.memory_space<vmem>>
      %dma_start3A_1178 = tpu.memref_squeeze %dma_start3A_1177 : memref<1x72x64xf32, #tpu.memory_space<vmem>> -> memref<72x64xf32, #tpu.memory_space<vmem>>
      %dma_start3A_1179 = arith.constant 128 : i32
      %dma_start3A_1180 = tpu.memref_slice %arg6[%dma_start3A_1173, %dma_start3A_1179] : memref<4x200xi32, #tpu.memory_space<vmem>> -> memref<1x72xi32, #tpu.memory_space<vmem>>
      %dma_start3A_1181 = tpu.memref_squeeze %dma_start3A_1180 : memref<1x72xi32, #tpu.memory_space<vmem>> -> memref<72xi32, #tpu.memory_space<vmem>>
      %dma_start3A_1182 = arith.constant 0 : i32
      %dma_start3A_1183 = arith.constant 0 : i32
      %dma_start3A_1184 = tpu.memref_slice %arg3[%dma_start3A_1182, %dma_start3A_1183] : memref<1000000x64xf32, #tpu.memory_space<hbm>> -> memref<1000000x64xf32, #tpu.memory_space<hbm>>
      tpu.enqueue_indirect_dma source(%dma_start3A_1184 : memref<1000000x64xf32, #tpu.memory_space<hbm>>) target(%dma_start3A_1178 : memref<72x64xf32, #tpu.memory_space<vmem>>) offsets(%dma_start3A_1181 : memref<72xi32, #tpu.memory_space<vmem>>) semaphore(%arg13 : memref<!tpu.dma_semaphore, #tpu.memory_space<semaphore_mem>>)
      %dma_start3A_1185 = arith.constant 3 : i32
      %dma_start3A_1186 = arith.constant 3 : i32
      %dma_start3A_1187 = arith.constant 0 : i32
      %dma_start3A_1188 = arith.constant 0 : i32
      %dma_start3A_1189 = tpu.memref_slice %arg8[%dma_start3A_1186, %dma_start3A_1187, %dma_start3A_1188] : memref<4x200x64xf32, #tpu.memory_space<vmem>> -> memref<1x128x64xf32, #tpu.memory_space<vmem>>
      %dma_start3A_1190 = tpu.memref_squeeze %dma_start3A_1189 : memref<1x128x64xf32, #tpu.memory_space<vmem>> -> memref<128x64xf32, #tpu.memory_space<vmem>>
      %dma_start3A_1191 = arith.constant 0 : i32
      %dma_start3A_1192 = tpu.memref_slice %arg6[%dma_start3A_1185, %dma_start3A_1191] : memref<4x200xi32, #tpu.memory_space<vmem>> -> memref<1x128xi32, #tpu.memory_space<vmem>>
      %dma_start3A_1193 = tpu.memref_squeeze %dma_start3A_1192 : memref<1x128xi32, #tpu.memory_space<vmem>> -> memref<128xi32, #tpu.memory_space<vmem>>
      %dma_start3A_1194 = arith.constant 0 : i32
      %dma_start3A_1195 = arith.constant 0 : i32
      %dma_start3A_1196 = tpu.memref_slice %arg3[%dma_start3A_1194, %dma_start3A_1195] : memref<1000000x64xf32, #tpu.memory_space<hbm>> -> memref<1000000x64xf32, #tpu.memory_space<hbm>>
      tpu.enqueue_indirect_dma source(%dma_start3A_1196 : memref<1000000x64xf32, #tpu.memory_space<hbm>>) target(%dma_start3A_1190 : memref<128x64xf32, #tpu.memory_space<vmem>>) offsets(%dma_start3A_1193 : memref<128xi32, #tpu.memory_space<vmem>>) semaphore(%arg13 : memref<!tpu.dma_semaphore, #tpu.memory_space<semaphore_mem>>)
      %dma_start3A_1197 = arith.constant 3 : i32
      %dma_start3A_1198 = arith.constant 3 : i32
      %dma_start3A_1199 = arith.constant 128 : i32
      %dma_start3A_1200 = arith.constant 0 : i32
      %dma_start3A_1201 = tpu.memref_slice %arg8[%dma_start3A_1198, %dma_start3A_1199, %dma_start3A_1200] : memref<4x200x64xf32, #tpu.memory_space<vmem>> -> memref<1x72x64xf32, #tpu.memory_space<vmem>>
      %dma_start3A_1202 = tpu.memref_squeeze %dma_start3A_1201 : memref<1x72x64xf32, #tpu.memory_space<vmem>> -> memref<72x64xf32, #tpu.memory_space<vmem>>
      %dma_start3A_1203 = arith.constant 128 : i32
      %dma_start3A_1204 = tpu.memref_slice %arg6[%dma_start3A_1197, %dma_start3A_1203] : memref<4x200xi32, #tpu.memory_space<vmem>> -> memref<1x72xi32, #tpu.memory_space<vmem>>
      %dma_start3A_1205 = tpu.memref_squeeze %dma_start3A_1204 : memref<1x72xi32, #tpu.memory_space<vmem>> -> memref<72xi32, #tpu.memory_space<vmem>>
      %dma_start3A_1206 = arith.constant 0 : i32
      %dma_start3A_1207 = arith.constant 0 : i32
      %dma_start3A_1208 = tpu.memref_slice %arg3[%dma_start3A_1206, %dma_start3A_1207] : memref<1000000x64xf32, #tpu.memory_space<hbm>> -> memref<1000000x64xf32, #tpu.memory_space<hbm>>
      tpu.enqueue_indirect_dma source(%dma_start3A_1208 : memref<1000000x64xf32, #tpu.memory_space<hbm>>) target(%dma_start3A_1202 : memref<72x64xf32, #tpu.memory_space<vmem>>) offsets(%dma_start3A_1205 : memref<72xi32, #tpu.memory_space<vmem>>) semaphore(%arg13 : memref<!tpu.dma_semaphore, #tpu.memory_space<semaphore_mem>>)
      %dma_wait3A_1209 = arith.constant 0 : i32
      %dma_wait3A_1210 = arith.constant 0 : i32
      %dma_wait3A_1211 = arith.constant 0 : i32
      %dma_wait3A_1212 = arith.constant 0 : i32
      %dma_wait3A_1213 = tpu.memref_slice %arg8[%dma_wait3A_1210, %dma_wait3A_1211, %dma_wait3A_1212] : memref<4x200x64xf32, #tpu.memory_space<vmem>> -> memref<1x128x64xf32, #tpu.memory_space<vmem>>
      %dma_wait3A_1214 = tpu.memref_squeeze %dma_wait3A_1213 : memref<1x128x64xf32, #tpu.memory_space<vmem>> -> memref<128x64xf32, #tpu.memory_space<vmem>>
      %dma_wait3A_1215 = arith.constant 0 : i32
      %dma_wait3A_1216 = tpu.memref_slice %arg6[%dma_wait3A_1209, %dma_wait3A_1215] : memref<4x200xi32, #tpu.memory_space<vmem>> -> memref<1x128xi32, #tpu.memory_space<vmem>>
      %dma_wait3A_1217 = tpu.memref_squeeze %dma_wait3A_1216 : memref<1x128xi32, #tpu.memory_space<vmem>> -> memref<128xi32, #tpu.memory_space<vmem>>
      %dma_wait3A_1218 = arith.constant 0 : i32
      %dma_wait3A_1219 = arith.constant 0 : i32
      %dma_wait3A_1220 = tpu.memref_slice %arg3[%dma_wait3A_1218, %dma_wait3A_1219] : memref<1000000x64xf32, #tpu.memory_space<hbm>> -> memref<1000000x64xf32, #tpu.memory_space<hbm>>
      tpu.wait_indirect_dma semaphore(%arg13 : memref<!tpu.dma_semaphore, #tpu.memory_space<semaphore_mem>>) src(%dma_wait3A_1220 : memref<1000000x64xf32, #tpu.memory_space<hbm>>) dst(%dma_wait3A_1214 : memref<128x64xf32, #tpu.memory_space<vmem>>)
      %dma_wait3A_1221 = arith.constant 0 : i32
      %dma_wait3A_1222 = arith.constant 0 : i32
      %dma_wait3A_1223 = arith.constant 128 : i32
      %dma_wait3A_1224 = arith.constant 0 : i32
      %dma_wait3A_1225 = tpu.memref_slice %arg8[%dma_wait3A_1222, %dma_wait3A_1223, %dma_wait3A_1224] : memref<4x200x64xf32, #tpu.memory_space<vmem>> -> memref<1x72x64xf32, #tpu.memory_space<vmem>>
      %dma_wait3A_1226 = tpu.memref_squeeze %dma_wait3A_1225 : memref<1x72x64xf32, #tpu.memory_space<vmem>> -> memref<72x64xf32, #tpu.memory_space<vmem>>
      %dma_wait3A_1227 = arith.constant 128 : i32
      %dma_wait3A_1228 = tpu.memref_slice %arg6[%dma_wait3A_1221, %dma_wait3A_1227] : memref<4x200xi32, #tpu.memory_space<vmem>> -> memref<1x72xi32, #tpu.memory_space<vmem>>
      %dma_wait3A_1229 = tpu.memref_squeeze %dma_wait3A_1228 : memref<1x72xi32, #tpu.memory_space<vmem>> -> memref<72xi32, #tpu.memory_space<vmem>>
      %dma_wait3A_1230 = arith.constant 0 : i32
      %dma_wait3A_1231 = arith.constant 0 : i32
      %dma_wait3A_1232 = tpu.memref_slice %arg3[%dma_wait3A_1230, %dma_wait3A_1231] : memref<1000000x64xf32, #tpu.memory_space<hbm>> -> memref<1000000x64xf32, #tpu.memory_space<hbm>>
      tpu.wait_indirect_dma semaphore(%arg13 : memref<!tpu.dma_semaphore, #tpu.memory_space<semaphore_mem>>) src(%dma_wait3A_1232 : memref<1000000x64xf32, #tpu.memory_space<hbm>>) dst(%dma_wait3A_1226 : memref<72x64xf32, #tpu.memory_space<vmem>>)
      %dma_wait3A_1233 = arith.constant 1 : i32
      %dma_wait3A_1234 = arith.constant 1 : i32
      %dma_wait3A_1235 = arith.constant 0 : i32
      %dma_wait3A_1236 = arith.constant 0 : i32
      %dma_wait3A_1237 = tpu.memref_slice %arg8[%dma_wait3A_1234, %dma_wait3A_1235, %dma_wait3A_1236] : memref<4x200x64xf32, #tpu.memory_space<vmem>> -> memref<1x128x64xf32, #tpu.memory_space<vmem>>
      %dma_wait3A_1238 = tpu.memref_squeeze %dma_wait3A_1237 : memref<1x128x64xf32, #tpu.memory_space<vmem>> -> memref<128x64xf32, #tpu.memory_space<vmem>>
      %dma_wait3A_1239 = arith.constant 0 : i32
      %dma_wait3A_1240 = tpu.memref_slice %arg6[%dma_wait3A_1233, %dma_wait3A_1239] : memref<4x200xi32, #tpu.memory_space<vmem>> -> memref<1x128xi32, #tpu.memory_space<vmem>>
      %dma_wait3A_1241 = tpu.memref_squeeze %dma_wait3A_1240 : memref<1x128xi32, #tpu.memory_space<vmem>> -> memref<128xi32, #tpu.memory_space<vmem>>
      %dma_wait3A_1242 = arith.constant 0 : i32
      %dma_wait3A_1243 = arith.constant 0 : i32
      %dma_wait3A_1244 = tpu.memref_slice %arg3[%dma_wait3A_1242, %dma_wait3A_1243] : memref<1000000x64xf32, #tpu.memory_space<hbm>> -> memref<1000000x64xf32, #tpu.memory_space<hbm>>
      tpu.wait_indirect_dma semaphore(%arg13 : memref<!tpu.dma_semaphore, #tpu.memory_space<semaphore_mem>>) src(%dma_wait3A_1244 : memref<1000000x64xf32, #tpu.memory_space<hbm>>) dst(%dma_wait3A_1238 : memref<128x64xf32, #tpu.memory_space<vmem>>)
      %dma_wait3A_1245 = arith.constant 1 : i32
      %dma_wait3A_1246 = arith.constant 1 : i32
      %dma_wait3A_1247 = arith.constant 128 : i32
      %dma_wait3A_1248 = arith.constant 0 : i32
      %dma_wait3A_1249 = tpu.memref_slice %arg8[%dma_wait3A_1246, %dma_wait3A_1247, %dma_wait3A_1248] : memref<4x200x64xf32, #tpu.memory_space<vmem>> -> memref<1x72x64xf32, #tpu.memory_space<vmem>>
      %dma_wait3A_1250 = tpu.memref_squeeze %dma_wait3A_1249 : memref<1x72x64xf32, #tpu.memory_space<vmem>> -> memref<72x64xf32, #tpu.memory_space<vmem>>
      %dma_wait3A_1251 = arith.constant 128 : i32
      %dma_wait3A_1252 = tpu.memref_slice %arg6[%dma_wait3A_1245, %dma_wait3A_1251] : memref<4x200xi32, #tpu.memory_space<vmem>> -> memref<1x72xi32, #tpu.memory_space<vmem>>
      %dma_wait3A_1253 = tpu.memref_squeeze %dma_wait3A_1252 : memref<1x72xi32, #tpu.memory_space<vmem>> -> memref<72xi32, #tpu.memory_space<vmem>>
      %dma_wait3A_1254 = arith.constant 0 : i32
      %dma_wait3A_1255 = arith.constant 0 : i32
      %dma_wait3A_1256 = tpu.memref_slice %arg3[%dma_wait3A_1254, %dma_wait3A_1255] : memref<1000000x64xf32, #tpu.memory_space<hbm>> -> memref<1000000x64xf32, #tpu.memory_space<hbm>>
      tpu.wait_indirect_dma semaphore(%arg13 : memref<!tpu.dma_semaphore, #tpu.memory_space<semaphore_mem>>) src(%dma_wait3A_1256 : memref<1000000x64xf32, #tpu.memory_space<hbm>>) dst(%dma_wait3A_1250 : memref<72x64xf32, #tpu.memory_space<vmem>>)
      %dma_wait3A_1257 = arith.constant 2 : i32
      %dma_wait3A_1258 = arith.constant 2 : i32
      %dma_wait3A_1259 = arith.constant 0 : i32
      %dma_wait3A_1260 = arith.constant 0 : i32
      %dma_wait3A_1261 = tpu.memref_slice %arg8[%dma_wait3A_1258, %dma_wait3A_1259, %dma_wait3A_1260] : memref<4x200x64xf32, #tpu.memory_space<vmem>> -> memref<1x128x64xf32, #tpu.memory_space<vmem>>
      %dma_wait3A_1262 = tpu.memref_squeeze %dma_wait3A_1261 : memref<1x128x64xf32, #tpu.memory_space<vmem>> -> memref<128x64xf32, #tpu.memory_space<vmem>>
      %dma_wait3A_1263 = arith.constant 0 : i32
      %dma_wait3A_1264 = tpu.memref_slice %arg6[%dma_wait3A_1257, %dma_wait3A_1263] : memref<4x200xi32, #tpu.memory_space<vmem>> -> memref<1x128xi32, #tpu.memory_space<vmem>>
      %dma_wait3A_1265 = tpu.memref_squeeze %dma_wait3A_1264 : memref<1x128xi32, #tpu.memory_space<vmem>> -> memref<128xi32, #tpu.memory_space<vmem>>
      %dma_wait3A_1266 = arith.constant 0 : i32
      %dma_wait3A_1267 = arith.constant 0 : i32
      %dma_wait3A_1268 = tpu.memref_slice %arg3[%dma_wait3A_1266, %dma_wait3A_1267] : memref<1000000x64xf32, #tpu.memory_space<hbm>> -> memref<1000000x64xf32, #tpu.memory_space<hbm>>
      tpu.wait_indirect_dma semaphore(%arg13 : memref<!tpu.dma_semaphore, #tpu.memory_space<semaphore_mem>>) src(%dma_wait3A_1268 : memref<1000000x64xf32, #tpu.memory_space<hbm>>) dst(%dma_wait3A_1262 : memref<128x64xf32, #tpu.memory_space<vmem>>)
      %dma_wait3A_1269 = arith.constant 2 : i32
      %dma_wait3A_1270 = arith.constant 2 : i32
      %dma_wait3A_1271 = arith.constant 128 : i32
      %dma_wait3A_1272 = arith.constant 0 : i32
      %dma_wait3A_1273 = tpu.memref_slice %arg8[%dma_wait3A_1270, %dma_wait3A_1271, %dma_wait3A_1272] : memref<4x200x64xf32, #tpu.memory_space<vmem>> -> memref<1x72x64xf32, #tpu.memory_space<vmem>>
      %dma_wait3A_1274 = tpu.memref_squeeze %dma_wait3A_1273 : memref<1x72x64xf32, #tpu.memory_space<vmem>> -> memref<72x64xf32, #tpu.memory_space<vmem>>
      %dma_wait3A_1275 = arith.constant 128 : i32
      %dma_wait3A_1276 = tpu.memref_slice %arg6[%dma_wait3A_1269, %dma_wait3A_1275] : memref<4x200xi32, #tpu.memory_space<vmem>> -> memref<1x72xi32, #tpu.memory_space<vmem>>
      %dma_wait3A_1277 = tpu.memref_squeeze %dma_wait3A_1276 : memref<1x72xi32, #tpu.memory_space<vmem>> -> memref<72xi32, #tpu.memory_space<vmem>>
      %dma_wait3A_1278 = arith.constant 0 : i32
      %dma_wait3A_1279 = arith.constant 0 : i32
      %dma_wait3A_1280 = tpu.memref_slice %arg3[%dma_wait3A_1278, %dma_wait3A_1279] : memref<1000000x64xf32, #tpu.memory_space<hbm>> -> memref<1000000x64xf32, #tpu.memory_space<hbm>>
      tpu.wait_indirect_dma semaphore(%arg13 : memref<!tpu.dma_semaphore, #tpu.memory_space<semaphore_mem>>) src(%dma_wait3A_1280 : memref<1000000x64xf32, #tpu.memory_space<hbm>>) dst(%dma_wait3A_1274 : memref<72x64xf32, #tpu.memory_space<vmem>>)
      %dma_wait3A_1281 = arith.constant 3 : i32
      %dma_wait3A_1282 = arith.constant 3 : i32
      %dma_wait3A_1283 = arith.constant 0 : i32
      %dma_wait3A_1284 = arith.constant 0 : i32
      %dma_wait3A_1285 = tpu.memref_slice %arg8[%dma_wait3A_1282, %dma_wait3A_1283, %dma_wait3A_1284] : memref<4x200x64xf32, #tpu.memory_space<vmem>> -> memref<1x128x64xf32, #tpu.memory_space<vmem>>
      %dma_wait3A_1286 = tpu.memref_squeeze %dma_wait3A_1285 : memref<1x128x64xf32, #tpu.memory_space<vmem>> -> memref<128x64xf32, #tpu.memory_space<vmem>>
      %dma_wait3A_1287 = arith.constant 0 : i32
      %dma_wait3A_1288 = tpu.memref_slice %arg6[%dma_wait3A_1281, %dma_wait3A_1287] : memref<4x200xi32, #tpu.memory_space<vmem>> -> memref<1x128xi32, #tpu.memory_space<vmem>>
      %dma_wait3A_1289 = tpu.memref_squeeze %dma_wait3A_1288 : memref<1x128xi32, #tpu.memory_space<vmem>> -> memref<128xi32, #tpu.memory_space<vmem>>
      %dma_wait3A_1290 = arith.constant 0 : i32
      %dma_wait3A_1291 = arith.constant 0 : i32
      %dma_wait3A_1292 = tpu.memref_slice %arg3[%dma_wait3A_1290, %dma_wait3A_1291] : memref<1000000x64xf32, #tpu.memory_space<hbm>> -> memref<1000000x64xf32, #tpu.memory_space<hbm>>
      tpu.wait_indirect_dma semaphore(%arg13 : memref<!tpu.dma_semaphore, #tpu.memory_space<semaphore_mem>>) src(%dma_wait3A_1292 : memref<1000000x64xf32, #tpu.memory_space<hbm>>) dst(%dma_wait3A_1286 : memref<128x64xf32, #tpu.memory_space<vmem>>)
      %dma_wait3A_1293 = arith.constant 3 : i32
      %dma_wait3A_1294 = arith.constant 3 : i32
      %dma_wait3A_1295 = arith.constant 128 : i32
      %dma_wait3A_1296 = arith.constant 0 : i32
      %dma_wait3A_1297 = tpu.memref_slice %arg8[%dma_wait3A_1294, %dma_wait3A_1295, %dma_wait3A_1296] : memref<4x200x64xf32, #tpu.memory_space<vmem>> -> memref<1x72x64xf32, #tpu.memory_space<vmem>>
      %dma_wait3A_1298 = tpu.memref_squeeze %dma_wait3A_1297 : memref<1x72x64xf32, #tpu.memory_space<vmem>> -> memref<72x64xf32, #tpu.memory_space<vmem>>
      %dma_wait3A_1299 = arith.constant 128 : i32
      %dma_wait3A_1300 = tpu.memref_slice %arg6[%dma_wait3A_1293, %dma_wait3A_1299] : memref<4x200xi32, #tpu.memory_space<vmem>> -> memref<1x72xi32, #tpu.memory_space<vmem>>
      %dma_wait3A_1301 = tpu.memref_squeeze %dma_wait3A_1300 : memref<1x72xi32, #tpu.memory_space<vmem>> -> memref<72xi32, #tpu.memory_space<vmem>>
      %dma_wait3A_1302 = arith.constant 0 : i32
      %dma_wait3A_1303 = arith.constant 0 : i32
      %dma_wait3A_1304 = tpu.memref_slice %arg3[%dma_wait3A_1302, %dma_wait3A_1303] : memref<1000000x64xf32, #tpu.memory_space<hbm>> -> memref<1000000x64xf32, #tpu.memory_space<hbm>>
      tpu.wait_indirect_dma semaphore(%arg13 : memref<!tpu.dma_semaphore, #tpu.memory_space<semaphore_mem>>) src(%dma_wait3A_1304 : memref<1000000x64xf32, #tpu.memory_space<hbm>>) dst(%dma_wait3A_1298 : memref<72x64xf32, #tpu.memory_space<vmem>>)
      %add3A_1305 = arith.constant 2 : i32
      %add3A_1306 = arith.addi %add3A_1096, %add3A_1305 : i32
      %mul3A_1307 = arith.constant 4 : i32
      %mul3A_1308 = arith.muli %add3A_1306, %mul3A_1307 : i32
      %add3A_1309 = arith.addi %mul3A_2, %mul3A_1308 : i32
      %dma_start3A_1310 = arith.constant 0 : i32
      %dma_start3A_1311 = tpu.memref_slice %arg2[%add3A_1309, %dma_start3A_1310] : memref<4096x200xi32, #tpu.memory_space<hbm>> -> memref<4x200xi32, #tpu.memory_space<hbm>>
      %dma_start3A_1312 = arith.constant 0 : i32
      %dma_start3A_1313 = tpu.memref_slice %arg2[%add3A_1309, %dma_start3A_1312] : memref<4096x200xi32, #tpu.memory_space<hbm>> -> memref<4x200xi32, #tpu.memory_space<hbm>>
      tpu.enqueue_dma source(%dma_start3A_1313 : memref<4x200xi32, #tpu.memory_space<hbm>>) target(%arg6 : memref<4x200xi32, #tpu.memory_space<vmem>>) target_semaphore(%arg10 : memref<!tpu.dma_semaphore, #tpu.memory_space<semaphore_mem>>)
      %mul3A_1314 = arith.constant 4 : i32
      %mul3A_1315 = arith.muli %add3A_1096, %mul3A_1314 : i32
      %add3A_1316 = arith.addi %mul3A_2, %mul3A_1315 : i32
      %dma_start3A_1317 = arith.constant 0 : i32
      %dma_start3A_1318 = arith.constant 0 : i32
      %dma_start3A_1319 = tpu.memref_slice %arg4[%add3A_1316, %dma_start3A_1317, %dma_start3A_1318] : memref<4096x200x64xf32, #tpu.memory_space<hbm>> -> memref<4x200x64xf32, #tpu.memory_space<hbm>>
      %dma_start3A_1320 = arith.constant 0 : i32
      %dma_start3A_1321 = arith.constant 0 : i32
      %dma_start3A_1322 = tpu.memref_slice %arg4[%add3A_1316, %dma_start3A_1320, %dma_start3A_1321] : memref<4096x200x64xf32, #tpu.memory_space<hbm>> -> memref<4x200x64xf32, #tpu.memory_space<hbm>>
      tpu.enqueue_dma source(%arg8 : memref<4x200x64xf32, #tpu.memory_space<vmem>>) target(%dma_start3A_1322 : memref<4x200x64xf32, #tpu.memory_space<hbm>>) target_semaphore(%arg12 : memref<!tpu.dma_semaphore, #tpu.memory_space<semaphore_mem>>)
    }
    %scan3A_421 = arith.constant 14 : i32
    %add3A_422 = arith.constant 120 : i32
    %add3A_423 = arith.addi %mul3A_2, %add3A_422 : i32
    %dma_wait3A_424 = arith.constant 0 : i32
    %dma_wait3A_425 = tpu.memref_slice %arg2[%add3A_423, %dma_wait3A_424] : memref<4096x200xi32, #tpu.memory_space<hbm>> -> memref<4x200xi32, #tpu.memory_space<hbm>>
    %dma_wait3A_426 = arith.constant 0 : i32
    %dma_wait3A_427 = tpu.memref_slice %arg2[%add3A_423, %dma_wait3A_426] : memref<4096x200xi32, #tpu.memory_space<hbm>> -> memref<4x200xi32, #tpu.memory_space<hbm>>
    tpu.wait_dma2 semaphore(%arg9 : memref<!tpu.dma_semaphore, #tpu.memory_space<semaphore_mem>>) src(%dma_wait3A_427 : memref<4x200xi32, #tpu.memory_space<hbm>>) dst(%arg5 : memref<4x200xi32, #tpu.memory_space<vmem>>)
    %add3A_428 = arith.constant 120 : i32
    %add3A_429 = arith.addi %mul3A_2, %add3A_428 : i32
    %dma_wait3A_430 = arith.constant 0 : i32
    %dma_wait3A_431 = arith.constant 0 : i32
    %dma_wait3A_432 = tpu.memref_slice %arg4[%add3A_429, %dma_wait3A_430, %dma_wait3A_431] : memref<4096x200x64xf32, #tpu.memory_space<hbm>> -> memref<4x200x64xf32, #tpu.memory_space<hbm>>
    %dma_wait3A_433 = arith.constant 0 : i32
    %dma_wait3A_434 = arith.constant 0 : i32
    %dma_wait3A_435 = tpu.memref_slice %arg4[%add3A_429, %dma_wait3A_433, %dma_wait3A_434] : memref<4096x200x64xf32, #tpu.memory_space<hbm>> -> memref<4x200x64xf32, #tpu.memory_space<hbm>>
    tpu.wait_dma2 semaphore(%arg11 : memref<!tpu.dma_semaphore, #tpu.memory_space<semaphore_mem>>) src(%arg7 : memref<4x200x64xf32, #tpu.memory_space<vmem>>) dst(%dma_wait3A_435 : memref<4x200x64xf32, #tpu.memory_space<hbm>>)
    %dma_start3A_436 = arith.constant 0 : i32
    %dma_start3A_437 = arith.constant 0 : i32
    %dma_start3A_438 = arith.constant 0 : i32
    %dma_start3A_439 = arith.constant 0 : i32
    %dma_start3A_440 = tpu.memref_slice %arg7[%dma_start3A_437, %dma_start3A_438, %dma_start3A_439] : memref<4x200x64xf32, #tpu.memory_space<vmem>> -> memref<1x128x64xf32, #tpu.memory_space<vmem>>
    %dma_start3A_441 = tpu.memref_squeeze %dma_start3A_440 : memref<1x128x64xf32, #tpu.memory_space<vmem>> -> memref<128x64xf32, #tpu.memory_space<vmem>>
    %dma_start3A_442 = arith.constant 0 : i32
    %dma_start3A_443 = tpu.memref_slice %arg5[%dma_start3A_436, %dma_start3A_442] : memref<4x200xi32, #tpu.memory_space<vmem>> -> memref<1x128xi32, #tpu.memory_space<vmem>>
    %dma_start3A_444 = tpu.memref_squeeze %dma_start3A_443 : memref<1x128xi32, #tpu.memory_space<vmem>> -> memref<128xi32, #tpu.memory_space<vmem>>
    %dma_start3A_445 = arith.constant 0 : i32
    %dma_start3A_446 = arith.constant 0 : i32
    %dma_start3A_447 = tpu.memref_slice %arg3[%dma_start3A_445, %dma_start3A_446] : memref<1000000x64xf32, #tpu.memory_space<hbm>> -> memref<1000000x64xf32, #tpu.memory_space<hbm>>
    tpu.enqueue_indirect_dma source(%dma_start3A_447 : memref<1000000x64xf32, #tpu.memory_space<hbm>>) target(%dma_start3A_441 : memref<128x64xf32, #tpu.memory_space<vmem>>) offsets(%dma_start3A_444 : memref<128xi32, #tpu.memory_space<vmem>>) semaphore(%arg13 : memref<!tpu.dma_semaphore, #tpu.memory_space<semaphore_mem>>)
    %dma_start3A_448 = arith.constant 0 : i32
    %dma_start3A_449 = arith.constant 0 : i32
    %dma_start3A_450 = arith.constant 128 : i32
    %dma_start3A_451 = arith.constant 0 : i32
    %dma_start3A_452 = tpu.memref_slice %arg7[%dma_start3A_449, %dma_start3A_450, %dma_start3A_451] : memref<4x200x64xf32, #tpu.memory_space<vmem>> -> memref<1x72x64xf32, #tpu.memory_space<vmem>>
    %dma_start3A_453 = tpu.memref_squeeze %dma_start3A_452 : memref<1x72x64xf32, #tpu.memory_space<vmem>> -> memref<72x64xf32, #tpu.memory_space<vmem>>
    %dma_start3A_454 = arith.constant 128 : i32
    %dma_start3A_455 = tpu.memref_slice %arg5[%dma_start3A_448, %dma_start3A_454] : memref<4x200xi32, #tpu.memory_space<vmem>> -> memref<1x72xi32, #tpu.memory_space<vmem>>
    %dma_start3A_456 = tpu.memref_squeeze %dma_start3A_455 : memref<1x72xi32, #tpu.memory_space<vmem>> -> memref<72xi32, #tpu.memory_space<vmem>>
    %dma_start3A_457 = arith.constant 0 : i32
    %dma_start3A_458 = arith.constant 0 : i32
    %dma_start3A_459 = tpu.memref_slice %arg3[%dma_start3A_457, %dma_start3A_458] : memref<1000000x64xf32, #tpu.memory_space<hbm>> -> memref<1000000x64xf32, #tpu.memory_space<hbm>>
    tpu.enqueue_indirect_dma source(%dma_start3A_459 : memref<1000000x64xf32, #tpu.memory_space<hbm>>) target(%dma_start3A_453 : memref<72x64xf32, #tpu.memory_space<vmem>>) offsets(%dma_start3A_456 : memref<72xi32, #tpu.memory_space<vmem>>) semaphore(%arg13 : memref<!tpu.dma_semaphore, #tpu.memory_space<semaphore_mem>>)
    %dma_start3A_460 = arith.constant 1 : i32
    %dma_start3A_461 = arith.constant 1 : i32
    %dma_start3A_462 = arith.constant 0 : i32
    %dma_start3A_463 = arith.constant 0 : i32
    %dma_start3A_464 = tpu.memref_slice %arg7[%dma_start3A_461, %dma_start3A_462, %dma_start3A_463] : memref<4x200x64xf32, #tpu.memory_space<vmem>> -> memref<1x128x64xf32, #tpu.memory_space<vmem>>
    %dma_start3A_465 = tpu.memref_squeeze %dma_start3A_464 : memref<1x128x64xf32, #tpu.memory_space<vmem>> -> memref<128x64xf32, #tpu.memory_space<vmem>>
    %dma_start3A_466 = arith.constant 0 : i32
    %dma_start3A_467 = tpu.memref_slice %arg5[%dma_start3A_460, %dma_start3A_466] : memref<4x200xi32, #tpu.memory_space<vmem>> -> memref<1x128xi32, #tpu.memory_space<vmem>>
    %dma_start3A_468 = tpu.memref_squeeze %dma_start3A_467 : memref<1x128xi32, #tpu.memory_space<vmem>> -> memref<128xi32, #tpu.memory_space<vmem>>
    %dma_start3A_469 = arith.constant 0 : i32
    %dma_start3A_470 = arith.constant 0 : i32
    %dma_start3A_471 = tpu.memref_slice %arg3[%dma_start3A_469, %dma_start3A_470] : memref<1000000x64xf32, #tpu.memory_space<hbm>> -> memref<1000000x64xf32, #tpu.memory_space<hbm>>
    tpu.enqueue_indirect_dma source(%dma_start3A_471 : memref<1000000x64xf32, #tpu.memory_space<hbm>>) target(%dma_start3A_465 : memref<128x64xf32, #tpu.memory_space<vmem>>) offsets(%dma_start3A_468 : memref<128xi32, #tpu.memory_space<vmem>>) semaphore(%arg13 : memref<!tpu.dma_semaphore, #tpu.memory_space<semaphore_mem>>)
    %dma_start3A_472 = arith.constant 1 : i32
    %dma_start3A_473 = arith.constant 1 : i32
    %dma_start3A_474 = arith.constant 128 : i32
    %dma_start3A_475 = arith.constant 0 : i32
    %dma_start3A_476 = tpu.memref_slice %arg7[%dma_start3A_473, %dma_start3A_474, %dma_start3A_475] : memref<4x200x64xf32, #tpu.memory_space<vmem>> -> memref<1x72x64xf32, #tpu.memory_space<vmem>>
    %dma_start3A_477 = tpu.memref_squeeze %dma_start3A_476 : memref<1x72x64xf32, #tpu.memory_space<vmem>> -> memref<72x64xf32, #tpu.memory_space<vmem>>
    %dma_start3A_478 = arith.constant 128 : i32
    %dma_start3A_479 = tpu.memref_slice %arg5[%dma_start3A_472, %dma_start3A_478] : memref<4x200xi32, #tpu.memory_space<vmem>> -> memref<1x72xi32, #tpu.memory_space<vmem>>
    %dma_start3A_480 = tpu.memref_squeeze %dma_start3A_479 : memref<1x72xi32, #tpu.memory_space<vmem>> -> memref<72xi32, #tpu.memory_space<vmem>>
    %dma_start3A_481 = arith.constant 0 : i32
    %dma_start3A_482 = arith.constant 0 : i32
    %dma_start3A_483 = tpu.memref_slice %arg3[%dma_start3A_481, %dma_start3A_482] : memref<1000000x64xf32, #tpu.memory_space<hbm>> -> memref<1000000x64xf32, #tpu.memory_space<hbm>>
    tpu.enqueue_indirect_dma source(%dma_start3A_483 : memref<1000000x64xf32, #tpu.memory_space<hbm>>) target(%dma_start3A_477 : memref<72x64xf32, #tpu.memory_space<vmem>>) offsets(%dma_start3A_480 : memref<72xi32, #tpu.memory_space<vmem>>) semaphore(%arg13 : memref<!tpu.dma_semaphore, #tpu.memory_space<semaphore_mem>>)
    %dma_start3A_484 = arith.constant 2 : i32
    %dma_start3A_485 = arith.constant 2 : i32
    %dma_start3A_486 = arith.constant 0 : i32
    %dma_start3A_487 = arith.constant 0 : i32
    %dma_start3A_488 = tpu.memref_slice %arg7[%dma_start3A_485, %dma_start3A_486, %dma_start3A_487] : memref<4x200x64xf32, #tpu.memory_space<vmem>> -> memref<1x128x64xf32, #tpu.memory_space<vmem>>
    %dma_start3A_489 = tpu.memref_squeeze %dma_start3A_488 : memref<1x128x64xf32, #tpu.memory_space<vmem>> -> memref<128x64xf32, #tpu.memory_space<vmem>>
    %dma_start3A_490 = arith.constant 0 : i32
    %dma_start3A_491 = tpu.memref_slice %arg5[%dma_start3A_484, %dma_start3A_490] : memref<4x200xi32, #tpu.memory_space<vmem>> -> memref<1x128xi32, #tpu.memory_space<vmem>>
    %dma_start3A_492 = tpu.memref_squeeze %dma_start3A_491 : memref<1x128xi32, #tpu.memory_space<vmem>> -> memref<128xi32, #tpu.memory_space<vmem>>
    %dma_start3A_493 = arith.constant 0 : i32
    %dma_start3A_494 = arith.constant 0 : i32
    %dma_start3A_495 = tpu.memref_slice %arg3[%dma_start3A_493, %dma_start3A_494] : memref<1000000x64xf32, #tpu.memory_space<hbm>> -> memref<1000000x64xf32, #tpu.memory_space<hbm>>
    tpu.enqueue_indirect_dma source(%dma_start3A_495 : memref<1000000x64xf32, #tpu.memory_space<hbm>>) target(%dma_start3A_489 : memref<128x64xf32, #tpu.memory_space<vmem>>) offsets(%dma_start3A_492 : memref<128xi32, #tpu.memory_space<vmem>>) semaphore(%arg13 : memref<!tpu.dma_semaphore, #tpu.memory_space<semaphore_mem>>)
    %dma_start3A_496 = arith.constant 2 : i32
    %dma_start3A_497 = arith.constant 2 : i32
    %dma_start3A_498 = arith.constant 128 : i32
    %dma_start3A_499 = arith.constant 0 : i32
    %dma_start3A_500 = tpu.memref_slice %arg7[%dma_start3A_497, %dma_start3A_498, %dma_start3A_499] : memref<4x200x64xf32, #tpu.memory_space<vmem>> -> memref<1x72x64xf32, #tpu.memory_space<vmem>>
    %dma_start3A_501 = tpu.memref_squeeze %dma_start3A_500 : memref<1x72x64xf32, #tpu.memory_space<vmem>> -> memref<72x64xf32, #tpu.memory_space<vmem>>
    %dma_start3A_502 = arith.constant 128 : i32
    %dma_start3A_503 = tpu.memref_slice %arg5[%dma_start3A_496, %dma_start3A_502] : memref<4x200xi32, #tpu.memory_space<vmem>> -> memref<1x72xi32, #tpu.memory_space<vmem>>
    %dma_start3A_504 = tpu.memref_squeeze %dma_start3A_503 : memref<1x72xi32, #tpu.memory_space<vmem>> -> memref<72xi32, #tpu.memory_space<vmem>>
    %dma_start3A_505 = arith.constant 0 : i32
    %dma_start3A_506 = arith.constant 0 : i32
    %dma_start3A_507 = tpu.memref_slice %arg3[%dma_start3A_505, %dma_start3A_506] : memref<1000000x64xf32, #tpu.memory_space<hbm>> -> memref<1000000x64xf32, #tpu.memory_space<hbm>>
    tpu.enqueue_indirect_dma source(%dma_start3A_507 : memref<1000000x64xf32, #tpu.memory_space<hbm>>) target(%dma_start3A_501 : memref<72x64xf32, #tpu.memory_space<vmem>>) offsets(%dma_start3A_504 : memref<72xi32, #tpu.memory_space<vmem>>) semaphore(%arg13 : memref<!tpu.dma_semaphore, #tpu.memory_space<semaphore_mem>>)
    %dma_start3A_508 = arith.constant 3 : i32
    %dma_start3A_509 = arith.constant 3 : i32
    %dma_start3A_510 = arith.constant 0 : i32
    %dma_start3A_511 = arith.constant 0 : i32
    %dma_start3A_512 = tpu.memref_slice %arg7[%dma_start3A_509, %dma_start3A_510, %dma_start3A_511] : memref<4x200x64xf32, #tpu.memory_space<vmem>> -> memref<1x128x64xf32, #tpu.memory_space<vmem>>
    %dma_start3A_513 = tpu.memref_squeeze %dma_start3A_512 : memref<1x128x64xf32, #tpu.memory_space<vmem>> -> memref<128x64xf32, #tpu.memory_space<vmem>>
    %dma_start3A_514 = arith.constant 0 : i32
    %dma_start3A_515 = tpu.memref_slice %arg5[%dma_start3A_508, %dma_start3A_514] : memref<4x200xi32, #tpu.memory_space<vmem>> -> memref<1x128xi32, #tpu.memory_space<vmem>>
    %dma_start3A_516 = tpu.memref_squeeze %dma_start3A_515 : memref<1x128xi32, #tpu.memory_space<vmem>> -> memref<128xi32, #tpu.memory_space<vmem>>
    %dma_start3A_517 = arith.constant 0 : i32
    %dma_start3A_518 = arith.constant 0 : i32
    %dma_start3A_519 = tpu.memref_slice %arg3[%dma_start3A_517, %dma_start3A_518] : memref<1000000x64xf32, #tpu.memory_space<hbm>> -> memref<1000000x64xf32, #tpu.memory_space<hbm>>
    tpu.enqueue_indirect_dma source(%dma_start3A_519 : memref<1000000x64xf32, #tpu.memory_space<hbm>>) target(%dma_start3A_513 : memref<128x64xf32, #tpu.memory_space<vmem>>) offsets(%dma_start3A_516 : memref<128xi32, #tpu.memory_space<vmem>>) semaphore(%arg13 : memref<!tpu.dma_semaphore, #tpu.memory_space<semaphore_mem>>)
    %dma_start3A_520 = arith.constant 3 : i32
    %dma_start3A_521 = arith.constant 3 : i32
    %dma_start3A_522 = arith.constant 128 : i32
    %dma_start3A_523 = arith.constant 0 : i32
    %dma_start3A_524 = tpu.memref_slice %arg7[%dma_start3A_521, %dma_start3A_522, %dma_start3A_523] : memref<4x200x64xf32, #tpu.memory_space<vmem>> -> memref<1x72x64xf32, #tpu.memory_space<vmem>>
    %dma_start3A_525 = tpu.memref_squeeze %dma_start3A_524 : memref<1x72x64xf32, #tpu.memory_space<vmem>> -> memref<72x64xf32, #tpu.memory_space<vmem>>
    %dma_start3A_526 = arith.constant 128 : i32
    %dma_start3A_527 = tpu.memref_slice %arg5[%dma_start3A_520, %dma_start3A_526] : memref<4x200xi32, #tpu.memory_space<vmem>> -> memref<1x72xi32, #tpu.memory_space<vmem>>
    %dma_start3A_528 = tpu.memref_squeeze %dma_start3A_527 : memref<1x72xi32, #tpu.memory_space<vmem>> -> memref<72xi32, #tpu.memory_space<vmem>>
    %dma_start3A_529 = arith.constant 0 : i32
    %dma_start3A_530 = arith.constant 0 : i32
    %dma_start3A_531 = tpu.memref_slice %arg3[%dma_start3A_529, %dma_start3A_530] : memref<1000000x64xf32, #tpu.memory_space<hbm>> -> memref<1000000x64xf32, #tpu.memory_space<hbm>>
    tpu.enqueue_indirect_dma source(%dma_start3A_531 : memref<1000000x64xf32, #tpu.memory_space<hbm>>) target(%dma_start3A_525 : memref<72x64xf32, #tpu.memory_space<vmem>>) offsets(%dma_start3A_528 : memref<72xi32, #tpu.memory_space<vmem>>) semaphore(%arg13 : memref<!tpu.dma_semaphore, #tpu.memory_space<semaphore_mem>>)
    %dma_wait3A_532 = arith.constant 0 : i32
    %dma_wait3A_533 = arith.constant 0 : i32
    %dma_wait3A_534 = arith.constant 0 : i32
    %dma_wait3A_535 = arith.constant 0 : i32
    %dma_wait3A_536 = tpu.memref_slice %arg7[%dma_wait3A_533, %dma_wait3A_534, %dma_wait3A_535] : memref<4x200x64xf32, #tpu.memory_space<vmem>> -> memref<1x128x64xf32, #tpu.memory_space<vmem>>
    %dma_wait3A_537 = tpu.memref_squeeze %dma_wait3A_536 : memref<1x128x64xf32, #tpu.memory_space<vmem>> -> memref<128x64xf32, #tpu.memory_space<vmem>>
    %dma_wait3A_538 = arith.constant 0 : i32
    %dma_wait3A_539 = tpu.memref_slice %arg5[%dma_wait3A_532, %dma_wait3A_538] : memref<4x200xi32, #tpu.memory_space<vmem>> -> memref<1x128xi32, #tpu.memory_space<vmem>>
    %dma_wait3A_540 = tpu.memref_squeeze %dma_wait3A_539 : memref<1x128xi32, #tpu.memory_space<vmem>> -> memref<128xi32, #tpu.memory_space<vmem>>
    %dma_wait3A_541 = arith.constant 0 : i32
    %dma_wait3A_542 = arith.constant 0 : i32
    %dma_wait3A_543 = tpu.memref_slice %arg3[%dma_wait3A_541, %dma_wait3A_542] : memref<1000000x64xf32, #tpu.memory_space<hbm>> -> memref<1000000x64xf32, #tpu.memory_space<hbm>>
    tpu.wait_indirect_dma semaphore(%arg13 : memref<!tpu.dma_semaphore, #tpu.memory_space<semaphore_mem>>) src(%dma_wait3A_543 : memref<1000000x64xf32, #tpu.memory_space<hbm>>) dst(%dma_wait3A_537 : memref<128x64xf32, #tpu.memory_space<vmem>>)
    %dma_wait3A_544 = arith.constant 0 : i32
    %dma_wait3A_545 = arith.constant 0 : i32
    %dma_wait3A_546 = arith.constant 128 : i32
    %dma_wait3A_547 = arith.constant 0 : i32
    %dma_wait3A_548 = tpu.memref_slice %arg7[%dma_wait3A_545, %dma_wait3A_546, %dma_wait3A_547] : memref<4x200x64xf32, #tpu.memory_space<vmem>> -> memref<1x72x64xf32, #tpu.memory_space<vmem>>
    %dma_wait3A_549 = tpu.memref_squeeze %dma_wait3A_548 : memref<1x72x64xf32, #tpu.memory_space<vmem>> -> memref<72x64xf32, #tpu.memory_space<vmem>>
    %dma_wait3A_550 = arith.constant 128 : i32
    %dma_wait3A_551 = tpu.memref_slice %arg5[%dma_wait3A_544, %dma_wait3A_550] : memref<4x200xi32, #tpu.memory_space<vmem>> -> memref<1x72xi32, #tpu.memory_space<vmem>>
    %dma_wait3A_552 = tpu.memref_squeeze %dma_wait3A_551 : memref<1x72xi32, #tpu.memory_space<vmem>> -> memref<72xi32, #tpu.memory_space<vmem>>
    %dma_wait3A_553 = arith.constant 0 : i32
    %dma_wait3A_554 = arith.constant 0 : i32
    %dma_wait3A_555 = tpu.memref_slice %arg3[%dma_wait3A_553, %dma_wait3A_554] : memref<1000000x64xf32, #tpu.memory_space<hbm>> -> memref<1000000x64xf32, #tpu.memory_space<hbm>>
    tpu.wait_indirect_dma semaphore(%arg13 : memref<!tpu.dma_semaphore, #tpu.memory_space<semaphore_mem>>) src(%dma_wait3A_555 : memref<1000000x64xf32, #tpu.memory_space<hbm>>) dst(%dma_wait3A_549 : memref<72x64xf32, #tpu.memory_space<vmem>>)
    %dma_wait3A_556 = arith.constant 1 : i32
    %dma_wait3A_557 = arith.constant 1 : i32
    %dma_wait3A_558 = arith.constant 0 : i32
    %dma_wait3A_559 = arith.constant 0 : i32
    %dma_wait3A_560 = tpu.memref_slice %arg7[%dma_wait3A_557, %dma_wait3A_558, %dma_wait3A_559] : memref<4x200x64xf32, #tpu.memory_space<vmem>> -> memref<1x128x64xf32, #tpu.memory_space<vmem>>
    %dma_wait3A_561 = tpu.memref_squeeze %dma_wait3A_560 : memref<1x128x64xf32, #tpu.memory_space<vmem>> -> memref<128x64xf32, #tpu.memory_space<vmem>>
    %dma_wait3A_562 = arith.constant 0 : i32
    %dma_wait3A_563 = tpu.memref_slice %arg5[%dma_wait3A_556, %dma_wait3A_562] : memref<4x200xi32, #tpu.memory_space<vmem>> -> memref<1x128xi32, #tpu.memory_space<vmem>>
    %dma_wait3A_564 = tpu.memref_squeeze %dma_wait3A_563 : memref<1x128xi32, #tpu.memory_space<vmem>> -> memref<128xi32, #tpu.memory_space<vmem>>
    %dma_wait3A_565 = arith.constant 0 : i32
    %dma_wait3A_566 = arith.constant 0 : i32
    %dma_wait3A_567 = tpu.memref_slice %arg3[%dma_wait3A_565, %dma_wait3A_566] : memref<1000000x64xf32, #tpu.memory_space<hbm>> -> memref<1000000x64xf32, #tpu.memory_space<hbm>>
    tpu.wait_indirect_dma semaphore(%arg13 : memref<!tpu.dma_semaphore, #tpu.memory_space<semaphore_mem>>) src(%dma_wait3A_567 : memref<1000000x64xf32, #tpu.memory_space<hbm>>) dst(%dma_wait3A_561 : memref<128x64xf32, #tpu.memory_space<vmem>>)
    %dma_wait3A_568 = arith.constant 1 : i32
    %dma_wait3A_569 = arith.constant 1 : i32
    %dma_wait3A_570 = arith.constant 128 : i32
    %dma_wait3A_571 = arith.constant 0 : i32
    %dma_wait3A_572 = tpu.memref_slice %arg7[%dma_wait3A_569, %dma_wait3A_570, %dma_wait3A_571] : memref<4x200x64xf32, #tpu.memory_space<vmem>> -> memref<1x72x64xf32, #tpu.memory_space<vmem>>
    %dma_wait3A_573 = tpu.memref_squeeze %dma_wait3A_572 : memref<1x72x64xf32, #tpu.memory_space<vmem>> -> memref<72x64xf32, #tpu.memory_space<vmem>>
    %dma_wait3A_574 = arith.constant 128 : i32
    %dma_wait3A_575 = tpu.memref_slice %arg5[%dma_wait3A_568, %dma_wait3A_574] : memref<4x200xi32, #tpu.memory_space<vmem>> -> memref<1x72xi32, #tpu.memory_space<vmem>>
    %dma_wait3A_576 = tpu.memref_squeeze %dma_wait3A_575 : memref<1x72xi32, #tpu.memory_space<vmem>> -> memref<72xi32, #tpu.memory_space<vmem>>
    %dma_wait3A_577 = arith.constant 0 : i32
    %dma_wait3A_578 = arith.constant 0 : i32
    %dma_wait3A_579 = tpu.memref_slice %arg3[%dma_wait3A_577, %dma_wait3A_578] : memref<1000000x64xf32, #tpu.memory_space<hbm>> -> memref<1000000x64xf32, #tpu.memory_space<hbm>>
    tpu.wait_indirect_dma semaphore(%arg13 : memref<!tpu.dma_semaphore, #tpu.memory_space<semaphore_mem>>) src(%dma_wait3A_579 : memref<1000000x64xf32, #tpu.memory_space<hbm>>) dst(%dma_wait3A_573 : memref<72x64xf32, #tpu.memory_space<vmem>>)
    %dma_wait3A_580 = arith.constant 2 : i32
    %dma_wait3A_581 = arith.constant 2 : i32
    %dma_wait3A_582 = arith.constant 0 : i32
    %dma_wait3A_583 = arith.constant 0 : i32
    %dma_wait3A_584 = tpu.memref_slice %arg7[%dma_wait3A_581, %dma_wait3A_582, %dma_wait3A_583] : memref<4x200x64xf32, #tpu.memory_space<vmem>> -> memref<1x128x64xf32, #tpu.memory_space<vmem>>
    %dma_wait3A_585 = tpu.memref_squeeze %dma_wait3A_584 : memref<1x128x64xf32, #tpu.memory_space<vmem>> -> memref<128x64xf32, #tpu.memory_space<vmem>>
    %dma_wait3A_586 = arith.constant 0 : i32
    %dma_wait3A_587 = tpu.memref_slice %arg5[%dma_wait3A_580, %dma_wait3A_586] : memref<4x200xi32, #tpu.memory_space<vmem>> -> memref<1x128xi32, #tpu.memory_space<vmem>>
    %dma_wait3A_588 = tpu.memref_squeeze %dma_wait3A_587 : memref<1x128xi32, #tpu.memory_space<vmem>> -> memref<128xi32, #tpu.memory_space<vmem>>
    %dma_wait3A_589 = arith.constant 0 : i32
    %dma_wait3A_590 = arith.constant 0 : i32
    %dma_wait3A_591 = tpu.memref_slice %arg3[%dma_wait3A_589, %dma_wait3A_590] : memref<1000000x64xf32, #tpu.memory_space<hbm>> -> memref<1000000x64xf32, #tpu.memory_space<hbm>>
    tpu.wait_indirect_dma semaphore(%arg13 : memref<!tpu.dma_semaphore, #tpu.memory_space<semaphore_mem>>) src(%dma_wait3A_591 : memref<1000000x64xf32, #tpu.memory_space<hbm>>) dst(%dma_wait3A_585 : memref<128x64xf32, #tpu.memory_space<vmem>>)
    %dma_wait3A_592 = arith.constant 2 : i32
    %dma_wait3A_593 = arith.constant 2 : i32
    %dma_wait3A_594 = arith.constant 128 : i32
    %dma_wait3A_595 = arith.constant 0 : i32
    %dma_wait3A_596 = tpu.memref_slice %arg7[%dma_wait3A_593, %dma_wait3A_594, %dma_wait3A_595] : memref<4x200x64xf32, #tpu.memory_space<vmem>> -> memref<1x72x64xf32, #tpu.memory_space<vmem>>
    %dma_wait3A_597 = tpu.memref_squeeze %dma_wait3A_596 : memref<1x72x64xf32, #tpu.memory_space<vmem>> -> memref<72x64xf32, #tpu.memory_space<vmem>>
    %dma_wait3A_598 = arith.constant 128 : i32
    %dma_wait3A_599 = tpu.memref_slice %arg5[%dma_wait3A_592, %dma_wait3A_598] : memref<4x200xi32, #tpu.memory_space<vmem>> -> memref<1x72xi32, #tpu.memory_space<vmem>>
    %dma_wait3A_600 = tpu.memref_squeeze %dma_wait3A_599 : memref<1x72xi32, #tpu.memory_space<vmem>> -> memref<72xi32, #tpu.memory_space<vmem>>
    %dma_wait3A_601 = arith.constant 0 : i32
    %dma_wait3A_602 = arith.constant 0 : i32
    %dma_wait3A_603 = tpu.memref_slice %arg3[%dma_wait3A_601, %dma_wait3A_602] : memref<1000000x64xf32, #tpu.memory_space<hbm>> -> memref<1000000x64xf32, #tpu.memory_space<hbm>>
    tpu.wait_indirect_dma semaphore(%arg13 : memref<!tpu.dma_semaphore, #tpu.memory_space<semaphore_mem>>) src(%dma_wait3A_603 : memref<1000000x64xf32, #tpu.memory_space<hbm>>) dst(%dma_wait3A_597 : memref<72x64xf32, #tpu.memory_space<vmem>>)
    %dma_wait3A_604 = arith.constant 3 : i32
    %dma_wait3A_605 = arith.constant 3 : i32
    %dma_wait3A_606 = arith.constant 0 : i32
    %dma_wait3A_607 = arith.constant 0 : i32
    %dma_wait3A_608 = tpu.memref_slice %arg7[%dma_wait3A_605, %dma_wait3A_606, %dma_wait3A_607] : memref<4x200x64xf32, #tpu.memory_space<vmem>> -> memref<1x128x64xf32, #tpu.memory_space<vmem>>
    %dma_wait3A_609 = tpu.memref_squeeze %dma_wait3A_608 : memref<1x128x64xf32, #tpu.memory_space<vmem>> -> memref<128x64xf32, #tpu.memory_space<vmem>>
    %dma_wait3A_610 = arith.constant 0 : i32
    %dma_wait3A_611 = tpu.memref_slice %arg5[%dma_wait3A_604, %dma_wait3A_610] : memref<4x200xi32, #tpu.memory_space<vmem>> -> memref<1x128xi32, #tpu.memory_space<vmem>>
    %dma_wait3A_612 = tpu.memref_squeeze %dma_wait3A_611 : memref<1x128xi32, #tpu.memory_space<vmem>> -> memref<128xi32, #tpu.memory_space<vmem>>
    %dma_wait3A_613 = arith.constant 0 : i32
    %dma_wait3A_614 = arith.constant 0 : i32
    %dma_wait3A_615 = tpu.memref_slice %arg3[%dma_wait3A_613, %dma_wait3A_614] : memref<1000000x64xf32, #tpu.memory_space<hbm>> -> memref<1000000x64xf32, #tpu.memory_space<hbm>>
    tpu.wait_indirect_dma semaphore(%arg13 : memref<!tpu.dma_semaphore, #tpu.memory_space<semaphore_mem>>) src(%dma_wait3A_615 : memref<1000000x64xf32, #tpu.memory_space<hbm>>) dst(%dma_wait3A_609 : memref<128x64xf32, #tpu.memory_space<vmem>>)
    %dma_wait3A_616 = arith.constant 3 : i32
    %dma_wait3A_617 = arith.constant 3 : i32
    %dma_wait3A_618 = arith.constant 128 : i32
    %dma_wait3A_619 = arith.constant 0 : i32
    %dma_wait3A_620 = tpu.memref_slice %arg7[%dma_wait3A_617, %dma_wait3A_618, %dma_wait3A_619] : memref<4x200x64xf32, #tpu.memory_space<vmem>> -> memref<1x72x64xf32, #tpu.memory_space<vmem>>
    %dma_wait3A_621 = tpu.memref_squeeze %dma_wait3A_620 : memref<1x72x64xf32, #tpu.memory_space<vmem>> -> memref<72x64xf32, #tpu.memory_space<vmem>>
    %dma_wait3A_622 = arith.constant 128 : i32
    %dma_wait3A_623 = tpu.memref_slice %arg5[%dma_wait3A_616, %dma_wait3A_622] : memref<4x200xi32, #tpu.memory_space<vmem>> -> memref<1x72xi32, #tpu.memory_space<vmem>>
    %dma_wait3A_624 = tpu.memref_squeeze %dma_wait3A_623 : memref<1x72xi32, #tpu.memory_space<vmem>> -> memref<72xi32, #tpu.memory_space<vmem>>
    %dma_wait3A_625 = arith.constant 0 : i32
    %dma_wait3A_626 = arith.constant 0 : i32
    %dma_wait3A_627 = tpu.memref_slice %arg3[%dma_wait3A_625, %dma_wait3A_626] : memref<1000000x64xf32, #tpu.memory_space<hbm>> -> memref<1000000x64xf32, #tpu.memory_space<hbm>>
    tpu.wait_indirect_dma semaphore(%arg13 : memref<!tpu.dma_semaphore, #tpu.memory_space<semaphore_mem>>) src(%dma_wait3A_627 : memref<1000000x64xf32, #tpu.memory_space<hbm>>) dst(%dma_wait3A_621 : memref<72x64xf32, #tpu.memory_space<vmem>>)
    %add3A_628 = arith.constant 120 : i32
    %add3A_629 = arith.addi %mul3A_2, %add3A_628 : i32
    %dma_start3A_630 = arith.constant 0 : i32
    %dma_start3A_631 = arith.constant 0 : i32
    %dma_start3A_632 = tpu.memref_slice %arg4[%add3A_629, %dma_start3A_630, %dma_start3A_631] : memref<4096x200x64xf32, #tpu.memory_space<hbm>> -> memref<4x200x64xf32, #tpu.memory_space<hbm>>
    %dma_start3A_633 = arith.constant 0 : i32
    %dma_start3A_634 = arith.constant 0 : i32
    %dma_start3A_635 = tpu.memref_slice %arg4[%add3A_629, %dma_start3A_633, %dma_start3A_634] : memref<4096x200x64xf32, #tpu.memory_space<hbm>> -> memref<4x200x64xf32, #tpu.memory_space<hbm>>
    tpu.enqueue_dma source(%arg7 : memref<4x200x64xf32, #tpu.memory_space<vmem>>) target(%dma_start3A_635 : memref<4x200x64xf32, #tpu.memory_space<hbm>>) target_semaphore(%arg11 : memref<!tpu.dma_semaphore, #tpu.memory_space<semaphore_mem>>)
    %dma_wait3A_636 = arith.constant 0 : i32
    %dma_wait3A_637 = arith.constant 0 : i32
    %dma_wait3A_638 = tpu.memref_slice %arg4[%add3A_629, %dma_wait3A_636, %dma_wait3A_637] : memref<4096x200x64xf32, #tpu.memory_space<hbm>> -> memref<4x200x64xf32, #tpu.memory_space<hbm>>
    %dma_wait3A_639 = arith.constant 0 : i32
    %dma_wait3A_640 = arith.constant 0 : i32
    %dma_wait3A_641 = tpu.memref_slice %arg4[%add3A_629, %dma_wait3A_639, %dma_wait3A_640] : memref<4096x200x64xf32, #tpu.memory_space<hbm>> -> memref<4x200x64xf32, #tpu.memory_space<hbm>>
    tpu.wait_dma2 semaphore(%arg11 : memref<!tpu.dma_semaphore, #tpu.memory_space<semaphore_mem>>) src(%arg7 : memref<4x200x64xf32, #tpu.memory_space<vmem>>) dst(%dma_wait3A_641 : memref<4x200x64xf32, #tpu.memory_space<hbm>>)
    %add3A_642 = arith.constant 124 : i32
    %add3A_643 = arith.addi %mul3A_2, %add3A_642 : i32
    %dma_wait3A_644 = arith.constant 0 : i32
    %dma_wait3A_645 = tpu.memref_slice %arg2[%add3A_643, %dma_wait3A_644] : memref<4096x200xi32, #tpu.memory_space<hbm>> -> memref<4x200xi32, #tpu.memory_space<hbm>>
    %dma_wait3A_646 = arith.constant 0 : i32
    %dma_wait3A_647 = tpu.memref_slice %arg2[%add3A_643, %dma_wait3A_646] : memref<4096x200xi32, #tpu.memory_space<hbm>> -> memref<4x200xi32, #tpu.memory_space<hbm>>
    tpu.wait_dma2 semaphore(%arg10 : memref<!tpu.dma_semaphore, #tpu.memory_space<semaphore_mem>>) src(%dma_wait3A_647 : memref<4x200xi32, #tpu.memory_space<hbm>>) dst(%arg6 : memref<4x200xi32, #tpu.memory_space<vmem>>)
    %add3A_648 = arith.constant 124 : i32
    %add3A_649 = arith.addi %mul3A_2, %add3A_648 : i32
    %dma_wait3A_650 = arith.constant 0 : i32
    %dma_wait3A_651 = arith.constant 0 : i32
    %dma_wait3A_652 = tpu.memref_slice %arg4[%add3A_649, %dma_wait3A_650, %dma_wait3A_651] : memref<4096x200x64xf32, #tpu.memory_space<hbm>> -> memref<4x200x64xf32, #tpu.memory_space<hbm>>
    %dma_wait3A_653 = arith.constant 0 : i32
    %dma_wait3A_654 = arith.constant 0 : i32
    %dma_wait3A_655 = tpu.memref_slice %arg4[%add3A_649, %dma_wait3A_653, %dma_wait3A_654] : memref<4096x200x64xf32, #tpu.memory_space<hbm>> -> memref<4x200x64xf32, #tpu.memory_space<hbm>>
    tpu.wait_dma2 semaphore(%arg12 : memref<!tpu.dma_semaphore, #tpu.memory_space<semaphore_mem>>) src(%arg8 : memref<4x200x64xf32, #tpu.memory_space<vmem>>) dst(%dma_wait3A_655 : memref<4x200x64xf32, #tpu.memory_space<hbm>>)
    %dma_start3A_656 = arith.constant 0 : i32
    %dma_start3A_657 = arith.constant 0 : i32
    %dma_start3A_658 = arith.constant 0 : i32
    %dma_start3A_659 = arith.constant 0 : i32
    %dma_start3A_660 = tpu.memref_slice %arg8[%dma_start3A_657, %dma_start3A_658, %dma_start3A_659] : memref<4x200x64xf32, #tpu.memory_space<vmem>> -> memref<1x128x64xf32, #tpu.memory_space<vmem>>
    %dma_start3A_661 = tpu.memref_squeeze %dma_start3A_660 : memref<1x128x64xf32, #tpu.memory_space<vmem>> -> memref<128x64xf32, #tpu.memory_space<vmem>>
    %dma_start3A_662 = arith.constant 0 : i32
    %dma_start3A_663 = tpu.memref_slice %arg6[%dma_start3A_656, %dma_start3A_662] : memref<4x200xi32, #tpu.memory_space<vmem>> -> memref<1x128xi32, #tpu.memory_space<vmem>>
    %dma_start3A_664 = tpu.memref_squeeze %dma_start3A_663 : memref<1x128xi32, #tpu.memory_space<vmem>> -> memref<128xi32, #tpu.memory_space<vmem>>
    %dma_start3A_665 = arith.constant 0 : i32
    %dma_start3A_666 = arith.constant 0 : i32
    %dma_start3A_667 = tpu.memref_slice %arg3[%dma_start3A_665, %dma_start3A_666] : memref<1000000x64xf32, #tpu.memory_space<hbm>> -> memref<1000000x64xf32, #tpu.memory_space<hbm>>
    tpu.enqueue_indirect_dma source(%dma_start3A_667 : memref<1000000x64xf32, #tpu.memory_space<hbm>>) target(%dma_start3A_661 : memref<128x64xf32, #tpu.memory_space<vmem>>) offsets(%dma_start3A_664 : memref<128xi32, #tpu.memory_space<vmem>>) semaphore(%arg13 : memref<!tpu.dma_semaphore, #tpu.memory_space<semaphore_mem>>)
    %dma_start3A_668 = arith.constant 0 : i32
    %dma_start3A_669 = arith.constant 0 : i32
    %dma_start3A_670 = arith.constant 128 : i32
    %dma_start3A_671 = arith.constant 0 : i32
    %dma_start3A_672 = tpu.memref_slice %arg8[%dma_start3A_669, %dma_start3A_670, %dma_start3A_671] : memref<4x200x64xf32, #tpu.memory_space<vmem>> -> memref<1x72x64xf32, #tpu.memory_space<vmem>>
    %dma_start3A_673 = tpu.memref_squeeze %dma_start3A_672 : memref<1x72x64xf32, #tpu.memory_space<vmem>> -> memref<72x64xf32, #tpu.memory_space<vmem>>
    %dma_start3A_674 = arith.constant 128 : i32
    %dma_start3A_675 = tpu.memref_slice %arg6[%dma_start3A_668, %dma_start3A_674] : memref<4x200xi32, #tpu.memory_space<vmem>> -> memref<1x72xi32, #tpu.memory_space<vmem>>
    %dma_start3A_676 = tpu.memref_squeeze %dma_start3A_675 : memref<1x72xi32, #tpu.memory_space<vmem>> -> memref<72xi32, #tpu.memory_space<vmem>>
    %dma_start3A_677 = arith.constant 0 : i32
    %dma_start3A_678 = arith.constant 0 : i32
    %dma_start3A_679 = tpu.memref_slice %arg3[%dma_start3A_677, %dma_start3A_678] : memref<1000000x64xf32, #tpu.memory_space<hbm>> -> memref<1000000x64xf32, #tpu.memory_space<hbm>>
    tpu.enqueue_indirect_dma source(%dma_start3A_679 : memref<1000000x64xf32, #tpu.memory_space<hbm>>) target(%dma_start3A_673 : memref<72x64xf32, #tpu.memory_space<vmem>>) offsets(%dma_start3A_676 : memref<72xi32, #tpu.memory_space<vmem>>) semaphore(%arg13 : memref<!tpu.dma_semaphore, #tpu.memory_space<semaphore_mem>>)
    %dma_start3A_680 = arith.constant 1 : i32
    %dma_start3A_681 = arith.constant 1 : i32
    %dma_start3A_682 = arith.constant 0 : i32
    %dma_start3A_683 = arith.constant 0 : i32
    %dma_start3A_684 = tpu.memref_slice %arg8[%dma_start3A_681, %dma_start3A_682, %dma_start3A_683] : memref<4x200x64xf32, #tpu.memory_space<vmem>> -> memref<1x128x64xf32, #tpu.memory_space<vmem>>
    %dma_start3A_685 = tpu.memref_squeeze %dma_start3A_684 : memref<1x128x64xf32, #tpu.memory_space<vmem>> -> memref<128x64xf32, #tpu.memory_space<vmem>>
    %dma_start3A_686 = arith.constant 0 : i32
    %dma_start3A_687 = tpu.memref_slice %arg6[%dma_start3A_680, %dma_start3A_686] : memref<4x200xi32, #tpu.memory_space<vmem>> -> memref<1x128xi32, #tpu.memory_space<vmem>>
    %dma_start3A_688 = tpu.memref_squeeze %dma_start3A_687 : memref<1x128xi32, #tpu.memory_space<vmem>> -> memref<128xi32, #tpu.memory_space<vmem>>
    %dma_start3A_689 = arith.constant 0 : i32
    %dma_start3A_690 = arith.constant 0 : i32
    %dma_start3A_691 = tpu.memref_slice %arg3[%dma_start3A_689, %dma_start3A_690] : memref<1000000x64xf32, #tpu.memory_space<hbm>> -> memref<1000000x64xf32, #tpu.memory_space<hbm>>
    tpu.enqueue_indirect_dma source(%dma_start3A_691 : memref<1000000x64xf32, #tpu.memory_space<hbm>>) target(%dma_start3A_685 : memref<128x64xf32, #tpu.memory_space<vmem>>) offsets(%dma_start3A_688 : memref<128xi32, #tpu.memory_space<vmem>>) semaphore(%arg13 : memref<!tpu.dma_semaphore, #tpu.memory_space<semaphore_mem>>)
    %dma_start3A_692 = arith.constant 1 : i32
    %dma_start3A_693 = arith.constant 1 : i32
    %dma_start3A_694 = arith.constant 128 : i32
    %dma_start3A_695 = arith.constant 0 : i32
    %dma_start3A_696 = tpu.memref_slice %arg8[%dma_start3A_693, %dma_start3A_694, %dma_start3A_695] : memref<4x200x64xf32, #tpu.memory_space<vmem>> -> memref<1x72x64xf32, #tpu.memory_space<vmem>>
    %dma_start3A_697 = tpu.memref_squeeze %dma_start3A_696 : memref<1x72x64xf32, #tpu.memory_space<vmem>> -> memref<72x64xf32, #tpu.memory_space<vmem>>
    %dma_start3A_698 = arith.constant 128 : i32
    %dma_start3A_699 = tpu.memref_slice %arg6[%dma_start3A_692, %dma_start3A_698] : memref<4x200xi32, #tpu.memory_space<vmem>> -> memref<1x72xi32, #tpu.memory_space<vmem>>
    %dma_start3A_700 = tpu.memref_squeeze %dma_start3A_699 : memref<1x72xi32, #tpu.memory_space<vmem>> -> memref<72xi32, #tpu.memory_space<vmem>>
    %dma_start3A_701 = arith.constant 0 : i32
    %dma_start3A_702 = arith.constant 0 : i32
    %dma_start3A_703 = tpu.memref_slice %arg3[%dma_start3A_701, %dma_start3A_702] : memref<1000000x64xf32, #tpu.memory_space<hbm>> -> memref<1000000x64xf32, #tpu.memory_space<hbm>>
    tpu.enqueue_indirect_dma source(%dma_start3A_703 : memref<1000000x64xf32, #tpu.memory_space<hbm>>) target(%dma_start3A_697 : memref<72x64xf32, #tpu.memory_space<vmem>>) offsets(%dma_start3A_700 : memref<72xi32, #tpu.memory_space<vmem>>) semaphore(%arg13 : memref<!tpu.dma_semaphore, #tpu.memory_space<semaphore_mem>>)
    %dma_start3A_704 = arith.constant 2 : i32
    %dma_start3A_705 = arith.constant 2 : i32
    %dma_start3A_706 = arith.constant 0 : i32
    %dma_start3A_707 = arith.constant 0 : i32
    %dma_start3A_708 = tpu.memref_slice %arg8[%dma_start3A_705, %dma_start3A_706, %dma_start3A_707] : memref<4x200x64xf32, #tpu.memory_space<vmem>> -> memref<1x128x64xf32, #tpu.memory_space<vmem>>
    %dma_start3A_709 = tpu.memref_squeeze %dma_start3A_708 : memref<1x128x64xf32, #tpu.memory_space<vmem>> -> memref<128x64xf32, #tpu.memory_space<vmem>>
    %dma_start3A_710 = arith.constant 0 : i32
    %dma_start3A_711 = tpu.memref_slice %arg6[%dma_start3A_704, %dma_start3A_710] : memref<4x200xi32, #tpu.memory_space<vmem>> -> memref<1x128xi32, #tpu.memory_space<vmem>>
    %dma_start3A_712 = tpu.memref_squeeze %dma_start3A_711 : memref<1x128xi32, #tpu.memory_space<vmem>> -> memref<128xi32, #tpu.memory_space<vmem>>
    %dma_start3A_713 = arith.constant 0 : i32
    %dma_start3A_714 = arith.constant 0 : i32
    %dma_start3A_715 = tpu.memref_slice %arg3[%dma_start3A_713, %dma_start3A_714] : memref<1000000x64xf32, #tpu.memory_space<hbm>> -> memref<1000000x64xf32, #tpu.memory_space<hbm>>
    tpu.enqueue_indirect_dma source(%dma_start3A_715 : memref<1000000x64xf32, #tpu.memory_space<hbm>>) target(%dma_start3A_709 : memref<128x64xf32, #tpu.memory_space<vmem>>) offsets(%dma_start3A_712 : memref<128xi32, #tpu.memory_space<vmem>>) semaphore(%arg13 : memref<!tpu.dma_semaphore, #tpu.memory_space<semaphore_mem>>)
    %dma_start3A_716 = arith.constant 2 : i32
    %dma_start3A_717 = arith.constant 2 : i32
    %dma_start3A_718 = arith.constant 128 : i32
    %dma_start3A_719 = arith.constant 0 : i32
    %dma_start3A_720 = tpu.memref_slice %arg8[%dma_start3A_717, %dma_start3A_718, %dma_start3A_719] : memref<4x200x64xf32, #tpu.memory_space<vmem>> -> memref<1x72x64xf32, #tpu.memory_space<vmem>>
    %dma_start3A_721 = tpu.memref_squeeze %dma_start3A_720 : memref<1x72x64xf32, #tpu.memory_space<vmem>> -> memref<72x64xf32, #tpu.memory_space<vmem>>
    %dma_start3A_722 = arith.constant 128 : i32
    %dma_start3A_723 = tpu.memref_slice %arg6[%dma_start3A_716, %dma_start3A_722] : memref<4x200xi32, #tpu.memory_space<vmem>> -> memref<1x72xi32, #tpu.memory_space<vmem>>
    %dma_start3A_724 = tpu.memref_squeeze %dma_start3A_723 : memref<1x72xi32, #tpu.memory_space<vmem>> -> memref<72xi32, #tpu.memory_space<vmem>>
    %dma_start3A_725 = arith.constant 0 : i32
    %dma_start3A_726 = arith.constant 0 : i32
    %dma_start3A_727 = tpu.memref_slice %arg3[%dma_start3A_725, %dma_start3A_726] : memref<1000000x64xf32, #tpu.memory_space<hbm>> -> memref<1000000x64xf32, #tpu.memory_space<hbm>>
    tpu.enqueue_indirect_dma source(%dma_start3A_727 : memref<1000000x64xf32, #tpu.memory_space<hbm>>) target(%dma_start3A_721 : memref<72x64xf32, #tpu.memory_space<vmem>>) offsets(%dma_start3A_724 : memref<72xi32, #tpu.memory_space<vmem>>) semaphore(%arg13 : memref<!tpu.dma_semaphore, #tpu.memory_space<semaphore_mem>>)
    %dma_start3A_728 = arith.constant 3 : i32
    %dma_start3A_729 = arith.constant 3 : i32
    %dma_start3A_730 = arith.constant 0 : i32
    %dma_start3A_731 = arith.constant 0 : i32
    %dma_start3A_732 = tpu.memref_slice %arg8[%dma_start3A_729, %dma_start3A_730, %dma_start3A_731] : memref<4x200x64xf32, #tpu.memory_space<vmem>> -> memref<1x128x64xf32, #tpu.memory_space<vmem>>
    %dma_start3A_733 = tpu.memref_squeeze %dma_start3A_732 : memref<1x128x64xf32, #tpu.memory_space<vmem>> -> memref<128x64xf32, #tpu.memory_space<vmem>>
    %dma_start3A_734 = arith.constant 0 : i32
    %dma_start3A_735 = tpu.memref_slice %arg6[%dma_start3A_728, %dma_start3A_734] : memref<4x200xi32, #tpu.memory_space<vmem>> -> memref<1x128xi32, #tpu.memory_space<vmem>>
    %dma_start3A_736 = tpu.memref_squeeze %dma_start3A_735 : memref<1x128xi32, #tpu.memory_space<vmem>> -> memref<128xi32, #tpu.memory_space<vmem>>
    %dma_start3A_737 = arith.constant 0 : i32
    %dma_start3A_738 = arith.constant 0 : i32
    %dma_start3A_739 = tpu.memref_slice %arg3[%dma_start3A_737, %dma_start3A_738] : memref<1000000x64xf32, #tpu.memory_space<hbm>> -> memref<1000000x64xf32, #tpu.memory_space<hbm>>
    tpu.enqueue_indirect_dma source(%dma_start3A_739 : memref<1000000x64xf32, #tpu.memory_space<hbm>>) target(%dma_start3A_733 : memref<128x64xf32, #tpu.memory_space<vmem>>) offsets(%dma_start3A_736 : memref<128xi32, #tpu.memory_space<vmem>>) semaphore(%arg13 : memref<!tpu.dma_semaphore, #tpu.memory_space<semaphore_mem>>)
    %dma_start3A_740 = arith.constant 3 : i32
    %dma_start3A_741 = arith.constant 3 : i32
    %dma_start3A_742 = arith.constant 128 : i32
    %dma_start3A_743 = arith.constant 0 : i32
    %dma_start3A_744 = tpu.memref_slice %arg8[%dma_start3A_741, %dma_start3A_742, %dma_start3A_743] : memref<4x200x64xf32, #tpu.memory_space<vmem>> -> memref<1x72x64xf32, #tpu.memory_space<vmem>>
    %dma_start3A_745 = tpu.memref_squeeze %dma_start3A_744 : memref<1x72x64xf32, #tpu.memory_space<vmem>> -> memref<72x64xf32, #tpu.memory_space<vmem>>
    %dma_start3A_746 = arith.constant 128 : i32
    %dma_start3A_747 = tpu.memref_slice %arg6[%dma_start3A_740, %dma_start3A_746] : memref<4x200xi32, #tpu.memory_space<vmem>> -> memref<1x72xi32, #tpu.memory_space<vmem>>
    %dma_start3A_748 = tpu.memref_squeeze %dma_start3A_747 : memref<1x72xi32, #tpu.memory_space<vmem>> -> memref<72xi32, #tpu.memory_space<vmem>>
    %dma_start3A_749 = arith.constant 0 : i32
    %dma_start3A_750 = arith.constant 0 : i32
    %dma_start3A_751 = tpu.memref_slice %arg3[%dma_start3A_749, %dma_start3A_750] : memref<1000000x64xf32, #tpu.memory_space<hbm>> -> memref<1000000x64xf32, #tpu.memory_space<hbm>>
    tpu.enqueue_indirect_dma source(%dma_start3A_751 : memref<1000000x64xf32, #tpu.memory_space<hbm>>) target(%dma_start3A_745 : memref<72x64xf32, #tpu.memory_space<vmem>>) offsets(%dma_start3A_748 : memref<72xi32, #tpu.memory_space<vmem>>) semaphore(%arg13 : memref<!tpu.dma_semaphore, #tpu.memory_space<semaphore_mem>>)
    %dma_wait3A_752 = arith.constant 0 : i32
    %dma_wait3A_753 = arith.constant 0 : i32
    %dma_wait3A_754 = arith.constant 0 : i32
    %dma_wait3A_755 = arith.constant 0 : i32
    %dma_wait3A_756 = tpu.memref_slice %arg8[%dma_wait3A_753, %dma_wait3A_754, %dma_wait3A_755] : memref<4x200x64xf32, #tpu.memory_space<vmem>> -> memref<1x128x64xf32, #tpu.memory_space<vmem>>
    %dma_wait3A_757 = tpu.memref_squeeze %dma_wait3A_756 : memref<1x128x64xf32, #tpu.memory_space<vmem>> -> memref<128x64xf32, #tpu.memory_space<vmem>>
    %dma_wait3A_758 = arith.constant 0 : i32
    %dma_wait3A_759 = tpu.memref_slice %arg6[%dma_wait3A_752, %dma_wait3A_758] : memref<4x200xi32, #tpu.memory_space<vmem>> -> memref<1x128xi32, #tpu.memory_space<vmem>>
    %dma_wait3A_760 = tpu.memref_squeeze %dma_wait3A_759 : memref<1x128xi32, #tpu.memory_space<vmem>> -> memref<128xi32, #tpu.memory_space<vmem>>
    %dma_wait3A_761 = arith.constant 0 : i32
    %dma_wait3A_762 = arith.constant 0 : i32
    %dma_wait3A_763 = tpu.memref_slice %arg3[%dma_wait3A_761, %dma_wait3A_762] : memref<1000000x64xf32, #tpu.memory_space<hbm>> -> memref<1000000x64xf32, #tpu.memory_space<hbm>>
    tpu.wait_indirect_dma semaphore(%arg13 : memref<!tpu.dma_semaphore, #tpu.memory_space<semaphore_mem>>) src(%dma_wait3A_763 : memref<1000000x64xf32, #tpu.memory_space<hbm>>) dst(%dma_wait3A_757 : memref<128x64xf32, #tpu.memory_space<vmem>>)
    %dma_wait3A_764 = arith.constant 0 : i32
    %dma_wait3A_765 = arith.constant 0 : i32
    %dma_wait3A_766 = arith.constant 128 : i32
    %dma_wait3A_767 = arith.constant 0 : i32
    %dma_wait3A_768 = tpu.memref_slice %arg8[%dma_wait3A_765, %dma_wait3A_766, %dma_wait3A_767] : memref<4x200x64xf32, #tpu.memory_space<vmem>> -> memref<1x72x64xf32, #tpu.memory_space<vmem>>
    %dma_wait3A_769 = tpu.memref_squeeze %dma_wait3A_768 : memref<1x72x64xf32, #tpu.memory_space<vmem>> -> memref<72x64xf32, #tpu.memory_space<vmem>>
    %dma_wait3A_770 = arith.constant 128 : i32
    %dma_wait3A_771 = tpu.memref_slice %arg6[%dma_wait3A_764, %dma_wait3A_770] : memref<4x200xi32, #tpu.memory_space<vmem>> -> memref<1x72xi32, #tpu.memory_space<vmem>>
    %dma_wait3A_772 = tpu.memref_squeeze %dma_wait3A_771 : memref<1x72xi32, #tpu.memory_space<vmem>> -> memref<72xi32, #tpu.memory_space<vmem>>
    %dma_wait3A_773 = arith.constant 0 : i32
    %dma_wait3A_774 = arith.constant 0 : i32
    %dma_wait3A_775 = tpu.memref_slice %arg3[%dma_wait3A_773, %dma_wait3A_774] : memref<1000000x64xf32, #tpu.memory_space<hbm>> -> memref<1000000x64xf32, #tpu.memory_space<hbm>>
    tpu.wait_indirect_dma semaphore(%arg13 : memref<!tpu.dma_semaphore, #tpu.memory_space<semaphore_mem>>) src(%dma_wait3A_775 : memref<1000000x64xf32, #tpu.memory_space<hbm>>) dst(%dma_wait3A_769 : memref<72x64xf32, #tpu.memory_space<vmem>>)
    %dma_wait3A_776 = arith.constant 1 : i32
    %dma_wait3A_777 = arith.constant 1 : i32
    %dma_wait3A_778 = arith.constant 0 : i32
    %dma_wait3A_779 = arith.constant 0 : i32
    %dma_wait3A_780 = tpu.memref_slice %arg8[%dma_wait3A_777, %dma_wait3A_778, %dma_wait3A_779] : memref<4x200x64xf32, #tpu.memory_space<vmem>> -> memref<1x128x64xf32, #tpu.memory_space<vmem>>
    %dma_wait3A_781 = tpu.memref_squeeze %dma_wait3A_780 : memref<1x128x64xf32, #tpu.memory_space<vmem>> -> memref<128x64xf32, #tpu.memory_space<vmem>>
    %dma_wait3A_782 = arith.constant 0 : i32
    %dma_wait3A_783 = tpu.memref_slice %arg6[%dma_wait3A_776, %dma_wait3A_782] : memref<4x200xi32, #tpu.memory_space<vmem>> -> memref<1x128xi32, #tpu.memory_space<vmem>>
    %dma_wait3A_784 = tpu.memref_squeeze %dma_wait3A_783 : memref<1x128xi32, #tpu.memory_space<vmem>> -> memref<128xi32, #tpu.memory_space<vmem>>
    %dma_wait3A_785 = arith.constant 0 : i32
    %dma_wait3A_786 = arith.constant 0 : i32
    %dma_wait3A_787 = tpu.memref_slice %arg3[%dma_wait3A_785, %dma_wait3A_786] : memref<1000000x64xf32, #tpu.memory_space<hbm>> -> memref<1000000x64xf32, #tpu.memory_space<hbm>>
    tpu.wait_indirect_dma semaphore(%arg13 : memref<!tpu.dma_semaphore, #tpu.memory_space<semaphore_mem>>) src(%dma_wait3A_787 : memref<1000000x64xf32, #tpu.memory_space<hbm>>) dst(%dma_wait3A_781 : memref<128x64xf32, #tpu.memory_space<vmem>>)
    %dma_wait3A_788 = arith.constant 1 : i32
    %dma_wait3A_789 = arith.constant 1 : i32
    %dma_wait3A_790 = arith.constant 128 : i32
    %dma_wait3A_791 = arith.constant 0 : i32
    %dma_wait3A_792 = tpu.memref_slice %arg8[%dma_wait3A_789, %dma_wait3A_790, %dma_wait3A_791] : memref<4x200x64xf32, #tpu.memory_space<vmem>> -> memref<1x72x64xf32, #tpu.memory_space<vmem>>
    %dma_wait3A_793 = tpu.memref_squeeze %dma_wait3A_792 : memref<1x72x64xf32, #tpu.memory_space<vmem>> -> memref<72x64xf32, #tpu.memory_space<vmem>>
    %dma_wait3A_794 = arith.constant 128 : i32
    %dma_wait3A_795 = tpu.memref_slice %arg6[%dma_wait3A_788, %dma_wait3A_794] : memref<4x200xi32, #tpu.memory_space<vmem>> -> memref<1x72xi32, #tpu.memory_space<vmem>>
    %dma_wait3A_796 = tpu.memref_squeeze %dma_wait3A_795 : memref<1x72xi32, #tpu.memory_space<vmem>> -> memref<72xi32, #tpu.memory_space<vmem>>
    %dma_wait3A_797 = arith.constant 0 : i32
    %dma_wait3A_798 = arith.constant 0 : i32
    %dma_wait3A_799 = tpu.memref_slice %arg3[%dma_wait3A_797, %dma_wait3A_798] : memref<1000000x64xf32, #tpu.memory_space<hbm>> -> memref<1000000x64xf32, #tpu.memory_space<hbm>>
    tpu.wait_indirect_dma semaphore(%arg13 : memref<!tpu.dma_semaphore, #tpu.memory_space<semaphore_mem>>) src(%dma_wait3A_799 : memref<1000000x64xf32, #tpu.memory_space<hbm>>) dst(%dma_wait3A_793 : memref<72x64xf32, #tpu.memory_space<vmem>>)
    %dma_wait3A_800 = arith.constant 2 : i32
    %dma_wait3A_801 = arith.constant 2 : i32
    %dma_wait3A_802 = arith.constant 0 : i32
    %dma_wait3A_803 = arith.constant 0 : i32
    %dma_wait3A_804 = tpu.memref_slice %arg8[%dma_wait3A_801, %dma_wait3A_802, %dma_wait3A_803] : memref<4x200x64xf32, #tpu.memory_space<vmem>> -> memref<1x128x64xf32, #tpu.memory_space<vmem>>
    %dma_wait3A_805 = tpu.memref_squeeze %dma_wait3A_804 : memref<1x128x64xf32, #tpu.memory_space<vmem>> -> memref<128x64xf32, #tpu.memory_space<vmem>>
    %dma_wait3A_806 = arith.constant 0 : i32
    %dma_wait3A_807 = tpu.memref_slice %arg6[%dma_wait3A_800, %dma_wait3A_806] : memref<4x200xi32, #tpu.memory_space<vmem>> -> memref<1x128xi32, #tpu.memory_space<vmem>>
    %dma_wait3A_808 = tpu.memref_squeeze %dma_wait3A_807 : memref<1x128xi32, #tpu.memory_space<vmem>> -> memref<128xi32, #tpu.memory_space<vmem>>
    %dma_wait3A_809 = arith.constant 0 : i32
    %dma_wait3A_810 = arith.constant 0 : i32
    %dma_wait3A_811 = tpu.memref_slice %arg3[%dma_wait3A_809, %dma_wait3A_810] : memref<1000000x64xf32, #tpu.memory_space<hbm>> -> memref<1000000x64xf32, #tpu.memory_space<hbm>>
    tpu.wait_indirect_dma semaphore(%arg13 : memref<!tpu.dma_semaphore, #tpu.memory_space<semaphore_mem>>) src(%dma_wait3A_811 : memref<1000000x64xf32, #tpu.memory_space<hbm>>) dst(%dma_wait3A_805 : memref<128x64xf32, #tpu.memory_space<vmem>>)
    %dma_wait3A_812 = arith.constant 2 : i32
    %dma_wait3A_813 = arith.constant 2 : i32
    %dma_wait3A_814 = arith.constant 128 : i32
    %dma_wait3A_815 = arith.constant 0 : i32
    %dma_wait3A_816 = tpu.memref_slice %arg8[%dma_wait3A_813, %dma_wait3A_814, %dma_wait3A_815] : memref<4x200x64xf32, #tpu.memory_space<vmem>> -> memref<1x72x64xf32, #tpu.memory_space<vmem>>
    %dma_wait3A_817 = tpu.memref_squeeze %dma_wait3A_816 : memref<1x72x64xf32, #tpu.memory_space<vmem>> -> memref<72x64xf32, #tpu.memory_space<vmem>>
    %dma_wait3A_818 = arith.constant 128 : i32
    %dma_wait3A_819 = tpu.memref_slice %arg6[%dma_wait3A_812, %dma_wait3A_818] : memref<4x200xi32, #tpu.memory_space<vmem>> -> memref<1x72xi32, #tpu.memory_space<vmem>>
    %dma_wait3A_820 = tpu.memref_squeeze %dma_wait3A_819 : memref<1x72xi32, #tpu.memory_space<vmem>> -> memref<72xi32, #tpu.memory_space<vmem>>
    %dma_wait3A_821 = arith.constant 0 : i32
    %dma_wait3A_822 = arith.constant 0 : i32
    %dma_wait3A_823 = tpu.memref_slice %arg3[%dma_wait3A_821, %dma_wait3A_822] : memref<1000000x64xf32, #tpu.memory_space<hbm>> -> memref<1000000x64xf32, #tpu.memory_space<hbm>>
    tpu.wait_indirect_dma semaphore(%arg13 : memref<!tpu.dma_semaphore, #tpu.memory_space<semaphore_mem>>) src(%dma_wait3A_823 : memref<1000000x64xf32, #tpu.memory_space<hbm>>) dst(%dma_wait3A_817 : memref<72x64xf32, #tpu.memory_space<vmem>>)
    %dma_wait3A_824 = arith.constant 3 : i32
    %dma_wait3A_825 = arith.constant 3 : i32
    %dma_wait3A_826 = arith.constant 0 : i32
    %dma_wait3A_827 = arith.constant 0 : i32
    %dma_wait3A_828 = tpu.memref_slice %arg8[%dma_wait3A_825, %dma_wait3A_826, %dma_wait3A_827] : memref<4x200x64xf32, #tpu.memory_space<vmem>> -> memref<1x128x64xf32, #tpu.memory_space<vmem>>
    %dma_wait3A_829 = tpu.memref_squeeze %dma_wait3A_828 : memref<1x128x64xf32, #tpu.memory_space<vmem>> -> memref<128x64xf32, #tpu.memory_space<vmem>>
    %dma_wait3A_830 = arith.constant 0 : i32
    %dma_wait3A_831 = tpu.memref_slice %arg6[%dma_wait3A_824, %dma_wait3A_830] : memref<4x200xi32, #tpu.memory_space<vmem>> -> memref<1x128xi32, #tpu.memory_space<vmem>>
    %dma_wait3A_832 = tpu.memref_squeeze %dma_wait3A_831 : memref<1x128xi32, #tpu.memory_space<vmem>> -> memref<128xi32, #tpu.memory_space<vmem>>
    %dma_wait3A_833 = arith.constant 0 : i32
    %dma_wait3A_834 = arith.constant 0 : i32
    %dma_wait3A_835 = tpu.memref_slice %arg3[%dma_wait3A_833, %dma_wait3A_834] : memref<1000000x64xf32, #tpu.memory_space<hbm>> -> memref<1000000x64xf32, #tpu.memory_space<hbm>>
    tpu.wait_indirect_dma semaphore(%arg13 : memref<!tpu.dma_semaphore, #tpu.memory_space<semaphore_mem>>) src(%dma_wait3A_835 : memref<1000000x64xf32, #tpu.memory_space<hbm>>) dst(%dma_wait3A_829 : memref<128x64xf32, #tpu.memory_space<vmem>>)
    %dma_wait3A_836 = arith.constant 3 : i32
    %dma_wait3A_837 = arith.constant 3 : i32
    %dma_wait3A_838 = arith.constant 128 : i32
    %dma_wait3A_839 = arith.constant 0 : i32
    %dma_wait3A_840 = tpu.memref_slice %arg8[%dma_wait3A_837, %dma_wait3A_838, %dma_wait3A_839] : memref<4x200x64xf32, #tpu.memory_space<vmem>> -> memref<1x72x64xf32, #tpu.memory_space<vmem>>
    %dma_wait3A_841 = tpu.memref_squeeze %dma_wait3A_840 : memref<1x72x64xf32, #tpu.memory_space<vmem>> -> memref<72x64xf32, #tpu.memory_space<vmem>>
    %dma_wait3A_842 = arith.constant 128 : i32
    %dma_wait3A_843 = tpu.memref_slice %arg6[%dma_wait3A_836, %dma_wait3A_842] : memref<4x200xi32, #tpu.memory_space<vmem>> -> memref<1x72xi32, #tpu.memory_space<vmem>>
    %dma_wait3A_844 = tpu.memref_squeeze %dma_wait3A_843 : memref<1x72xi32, #tpu.memory_space<vmem>> -> memref<72xi32, #tpu.memory_space<vmem>>
    %dma_wait3A_845 = arith.constant 0 : i32
    %dma_wait3A_846 = arith.constant 0 : i32
    %dma_wait3A_847 = tpu.memref_slice %arg3[%dma_wait3A_845, %dma_wait3A_846] : memref<1000000x64xf32, #tpu.memory_space<hbm>> -> memref<1000000x64xf32, #tpu.memory_space<hbm>>
    tpu.wait_indirect_dma semaphore(%arg13 : memref<!tpu.dma_semaphore, #tpu.memory_space<semaphore_mem>>) src(%dma_wait3A_847 : memref<1000000x64xf32, #tpu.memory_space<hbm>>) dst(%dma_wait3A_841 : memref<72x64xf32, #tpu.memory_space<vmem>>)
    %add3A_848 = arith.constant 124 : i32
    %add3A_849 = arith.addi %mul3A_2, %add3A_848 : i32
    %dma_start3A_850 = arith.constant 0 : i32
    %dma_start3A_851 = arith.constant 0 : i32
    %dma_start3A_852 = tpu.memref_slice %arg4[%add3A_849, %dma_start3A_850, %dma_start3A_851] : memref<4096x200x64xf32, #tpu.memory_space<hbm>> -> memref<4x200x64xf32, #tpu.memory_space<hbm>>
    %dma_start3A_853 = arith.constant 0 : i32
    %dma_start3A_854 = arith.constant 0 : i32
    %dma_start3A_855 = tpu.memref_slice %arg4[%add3A_849, %dma_start3A_853, %dma_start3A_854] : memref<4096x200x64xf32, #tpu.memory_space<hbm>> -> memref<4x200x64xf32, #tpu.memory_space<hbm>>
    tpu.enqueue_dma source(%arg8 : memref<4x200x64xf32, #tpu.memory_space<vmem>>) target(%dma_start3A_855 : memref<4x200x64xf32, #tpu.memory_space<hbm>>) target_semaphore(%arg12 : memref<!tpu.dma_semaphore, #tpu.memory_space<semaphore_mem>>)
    %dma_wait3A_856 = arith.constant 0 : i32
    %dma_wait3A_857 = arith.constant 0 : i32
    %dma_wait3A_858 = tpu.memref_slice %arg4[%add3A_849, %dma_wait3A_856, %dma_wait3A_857] : memref<4096x200x64xf32, #tpu.memory_space<hbm>> -> memref<4x200x64xf32, #tpu.memory_space<hbm>>
    %dma_wait3A_859 = arith.constant 0 : i32
    %dma_wait3A_860 = arith.constant 0 : i32
    %dma_wait3A_861 = tpu.memref_slice %arg4[%add3A_849, %dma_wait3A_859, %dma_wait3A_860] : memref<4096x200x64xf32, #tpu.memory_space<hbm>> -> memref<4x200x64xf32, #tpu.memory_space<hbm>>
    tpu.wait_dma2 semaphore(%arg12 : memref<!tpu.dma_semaphore, #tpu.memory_space<semaphore_mem>>) src(%arg8 : memref<4x200x64xf32, #tpu.memory_space<vmem>>) dst(%dma_wait3A_861 : memref<4x200x64xf32, #tpu.memory_space<hbm>>)
    return
  }
}

</mosaic_0001>

<sc_bundles>
// kernel: _lookup.3.cloned.1.call-start
scs
__scs_entry_jumppad:
0x0: {  	(pc) =	sbr.rel $0x88, $3  }
0x1: {  	(tag) =	ssettag $0x0;
	lr =	simm.s32 $0x1  }
0x2: {  	[smem:$0x3F9F] =	sst lr;
	_ =	strace $0xD0000000  }
0x3: {  	_ = 	snop  }
0x4: {  	_ = 	snop  }
0x5: {  	_ = 	snop  }
0x6: {  	_ = 	snop  }
0x7: {  	_ = 	snop  }
__scs_overlays_trampoline_lowered:
0x8: {  	[smem:$0x3FAE] =	sst s0  }
0x9: {  	[smem:$0x3FAF] =	sst s1  }
0xa: {  	[smem:$0x3FB0] =	sst s2  }
0xb: {  	[smem:$0x3FB1] =	sst s3  }
0xc: {  	[smem:$0x3FB2] =	sst s4  }
0xd: {  	[smem:$0x3FB3] =	sst s5  }
0xe: {  	[smem:$0x3FB4] =	sst s6  }
0xf: {  	[smem:$0x3FB5] =	sst s7  }
0x10: {  	[smem:$0x3FB6] =	sst s8  }
0x11: {  	[smem:$0x3FB7] =	sst s9;
	s0 =	simm.s32 @!p0 $0x0  }
0x12: {  	s1 =	sld [smem:$0x3F9D];
	s0 =	simm.s32 @p0 $0x1  }
0x13: {  	[smem:$0x3FB8] =	sst s0;
	s0 =	simm.s32 @!p1 $0x0  }
0x14: {  	s2 =	sld [smem:$0x3F9C];
	s0 =	simm.s32 @p1 $0x1  }
0x15: {  	[smem:$0x3FB9] =	sst s0;
	s0 =	simm.s32 @!p2 $0x0  }
0x16: {  	s3 =	sld [smem:$0x3FDB];
	s0 =	simm.s32 @p2 $0x1  }
0x17: {  	s4 =	simm.s32 $0x1BF5;
	[smem:$0x3FBB] =	sst s0  }
0x18: {  	s0 =	sld [smem:$0x3F9E];
	_ =	swait.ge [sflag:s4], $0x0  }
0x19: {  	s7 =	sld [smem:$0x3F9F]  }
0x1a: {  	s8 =	sadd.s32 $0xFFFFE003, lr  }
0x1b: {  	s9 =	sadd.s32 $0xFFFFFEF7, lr;
	s5 =	simm.s32 $0xFFFFFFFF;
	p2 =	slt.u32 s8, $0xFFFFF086  }
0x1c: {  	p1 =	slt.u32 s9, $0xF7A;
	s5 =	simm.s32 @!p2 $0x0  }
0x1d: {  	s5 =	simm.s32 @p1 $0x1;
	p0 =	seq.s32 s7, s2  }
0x1e: {  	s7 =	smul.u32 @!p0 $0xF7A, s2;
	p2 =	seq.s32 @!p0 s5, $0x0  }
0x1f: {  	s9 =	smul.u32 $0xF7A, s1;
	s8 =	simm.s32 @!p0 $0x1BF5;
	p2 =	por !p2, p0  }
0x20: {  	[sflag:s8] =	ssyncset.s32 @!p0 $0xFFFFF086;
	s6 =	sadd.s32 @!p0 s3, s7;
	s7 =	simm.s32 @!p0 $0x108  }
0x21: {  	s3 =	sadd.s32 s3, s9;
	s6 =	sadd.s32 @!p0 $0x88, s6;
	s7 =	simm.s32 @p2 $0x1082  }
0x22: {  	[simem:s7], [sflag:s8] =	dma.local @!p0 [hbm:s6], $0xF7A  }
0x23: {  	s9 =	sor.u32 $0xD0000000, s2;
	s6 =	simm.s32 $0x108;
	_ =	swait.ge @!p0 [sflag:s8], $0x0  }
0x24: {  	s3 =	sadd.s32 $0x88, s3;
	s6 =	simm.s32 @!p1 $0x1082;
	[sflag:s4] =	ssyncset.s32 $0xFFFFF086  }
0x25: {  	[simem:s6], [sflag:s4] =	dma.local [hbm:s3], $0xF7A  }
0x26: {  	[smem:$0x3F9F] =	sst s1;
	(tag) =	ssettag s2;
	_ =	strace s9  }
0x27: {  	s1 =	sld [smem:$0x3FAF]  }
0x28: {  	s2 =	sld [smem:$0x3FB0]  }
0x29: {  	s4 =	sld [smem:$0x3FB2]  }
0x2a: {  	p0 =	seq.s32 s5, $0x0;
	s5 =	sld [smem:$0x3FB3]  }
0x2b: {  	s6 =	sld [smem:$0x3FB4]  }
0x2c: {  	s7 =	sld [smem:$0x3FB5]  }
0x2d: {  	s3 =	simm.s32 $0x108;
	s8 =	sld [smem:$0x3FB6]  }
0x2e: {  	s3 =	simm.s32 @!p0 $0x1082;
	s9 =	sld [smem:$0x3FB7]  }
0x2f: {  	lr =	sadd.s32 s0, s3;
	s0 =	sld [smem:$0x3FAE]  }
0x30: {  	s3 =	sld [smem:$0x3FB1]  }
0x31: {  	[smem:$0x3FBA] =	sst s10  }
0x32: {  	s10 =	sld [smem:$0x3FB8];
	_ =	sdelay $0x3  }
0x33: {  	p0 =	seq.s32 s10, $0x1;
	s10 =	sld [smem:$0x3FBA];
	_ =	sdelay $0x3  }
0x34: {  	[smem:$0x3FBA] =	sst s10  }
0x35: {  	s10 =	sld [smem:$0x3FB9];
	_ =	sdelay $0x3  }
0x36: {  	p1 =	seq.s32 s10, $0x1;
	s10 =	sld [smem:$0x3FBA];
	_ =	sdelay $0x3  }
0x37: {  	[smem:$0x3FBA] =	sst s10  }
0x38: {  	s10 =	sld [smem:$0x3FBB]  }
0x39: {  	_ = 	snop;
	(pc) =	sbr.ind lr, $3  }
0x3a: {  	_ = 	snop  }
0x3b: {  	_ = 	snop  }
0x3c: {  	p2 =	seq.s32 s10, $0x1;
	s10 =	sld [smem:$0x3FBA]  }
0x3d: {  	_ =	shalt  }
0x3e: {  	_ =	shalt  }
0x3f: {  	_ =	shalt  }
0x40: {  	_ =	shalt  }
0x41: {  	_ =	shalt  }
0x42: {  	_ =	shalt  }
0x43: {  	_ =	shalt  }
0x44: {  	_ =	shalt  }
0x45: {  	_ =	shalt  }
0x46: {  	_ =	shalt  }
0x47: {  	_ =	shalt  }
0x48: {  	_ =	shalt  }
0x49: {  	_ =	shalt  }
0x4a: {  	_ =	shalt  }
0x4b: {  	_ =	shalt  }
0x4c: {  	_ =	shalt  }
0x4d: {  	_ =	shalt  }
0x4e: {  	_ =	shalt  }
0x4f: {  	_ =	shalt  }
0x50: {  	_ =	shalt  }
0x51: {  	_ =	shalt  }
0x52: {  	_ =	shalt  }
0x53: {  	_ =	shalt  }
0x54: {  	_ =	shalt  }
0x55: {  	_ =	shalt  }
0x56: {  	_ =	shalt  }
0x57: {  	_ =	shalt  }
0x58: {  	_ =	shalt  }
0x59: {  	_ =	shalt  }
0x5a: {  	_ =	shalt  }
0x5b: {  	_ =	shalt  }
0x5c: {  	_ =	shalt  }
0x5d: {  	_ =	shalt  }
0x5e: {  	_ =	shalt  }
0x5f: {  	_ =	shalt  }
0x60: {  	_ =	shalt  }
0x61: {  	_ =	shalt  }
0x62: {  	_ =	shalt  }
0x63: {  	_ =	shalt  }
0x64: {  	_ =	shalt  }
0x65: {  	_ =	shalt  }
0x66: {  	_ =	shalt  }
0x67: {  	_ =	shalt  }
0x68: {  	_ =	shalt  }
0x69: {  	_ =	shalt  }
0x6a: {  	_ =	shalt  }
0x6b: {  	_ =	shalt  }
0x6c: {  	_ =	shalt  }
0x6d: {  	_ =	shalt  }
0x6e: {  	_ =	shalt  }
0x6f: {  	_ =	shalt  }
0x70: {  	_ =	shalt  }
0x71: {  	_ =	shalt  }
0x72: {  	_ =	shalt  }
0x73: {  	_ =	shalt  }
0x74: {  	_ =	shalt  }
0x75: {  	_ =	shalt  }
0x76: {  	_ =	shalt  }
0x77: {  	_ =	shalt  }
0x78: {  	_ =	shalt  }
0x79: {  	_ =	shalt  }
0x7a: {  	_ =	shalt  }
0x7b: {  	_ =	shalt  }
0x7c: {  	_ =	shalt  }
0x7d: {  	_ =	shalt  }
0x7e: {  	_ =	shalt  }
0x7f: {  	_ =	shalt  }
0x80: {  	_ =	shalt  }
0x81: {  	_ =	shalt  }
0x82: {  	_ =	shalt  }
0x83: {  	_ =	shalt  }
0x84: {  	_ =	shalt  }
0x85: {  	_ =	shalt  }
0x86: {  	_ =	shalt  }
0x87: {  	_ =	shalt  }
.Lfunc_end0:
.L_simem_size_0:
called_computation.1_lowered:
.L_overlay_start_0:
0x88: {  	s2 =	sld [smem:$0x3FD9]  }
0x89: {  	s3 =	sld [smem:$0x3FFE];
	_ =	sdelay $0x1  }
0x8a: {  	s1 =	srdreg.scid  }
0x8b: {  	s0 =	sand.u32 $0x1, s1  }
0x8c: {  	s17 =	sshll.u32 s0, $0xA;
	s2 =	sadd.s32 s3, s2  }
0x8d: {  	s2 =	sadd.s32 s2, s17  }
0x8e: {  	[smem:$0x3FC6] =	sst s2  }
0x8f: {  	_ = 	snop  }
0x90: {  	s2 =	sld [smem:$0x3FD0];
	(tm) =	ssettm $0x1  }
0x91: {  	s18 =	sld [smem:$0x3FFB];
	_ =	sdelay $0x3  }
0x92: {  	_ =	strace s18  }
0x93: {  	s3 =	sld [smem:$0x3FFC];
	_ =	sdelay $0x3  }
0x94: {  	_ =	strace s3  }
0x95: {  	s3 =	sld [smem:$0x3FFD];
	_ =	sdelay $0x3  }
0x96: {  	_ =	strace s3  }
0x97: {  	_ =	strace $0x8FFFFFFF  }
0x98: {  	s19 =	sld [smem:$0x3FDB];
	_ =	sdelay $0x1  }
0x99: {  	s4 =	simm.s32 $_scs_section_size  }
0x9a: {  	s5 =	simm.s32 $_size__tile_overlayer_lowered;
	s6 =	simm.s32 $_tile_overlayer_lowered  }
0x9b: {  	s22 =	simm.s32 $0x1BFF;
	s21 =	sshll.u32 s6, $0x1;
	s3 =	sadd.s32 s4, s19  }
0x9c: {  	s7 =	simm.s32 $0x0;
	s20 =	sshll.u32 s5, $0x1;
	s5 =	sadd.s32 s21, s3  }
0x9d: {  	[timem:s7], [sflag:s22] =	dma.local [hbm:s5], s20  }
0x9e: {  	_ =	swait.ge [sflag:s22], s20  }
0x9f: {  	s4 =	ssub.s32 $0x0, s20;
	[sflag:s22] =	ssyncset.done $0x0  }
0xa0: {  	[sflag:s22] =	ssyncadd.s32 s4;
	_ =	sdelay $0x1  }
0xa1: {  	s23 =	simm.s32 $0x1B8B  }
0xa2: {  	_ =	swait.ge [sflag:s23], $0x1  }
0xa3: {  	[sflag:s23] =	ssyncset.done $0x0  }
0xa4: {  	s25 =	simm.s32 $0x1B8E;
	s24 =	sld [smem:$0x3FFE];
	[sflag:s23] =	ssyncadd.s32 $0xFFFFFFFF  }
0xa5: {  	s26 =	simm.s32 $execute0_lowered;
	[smem:$0x3FD2] =	sst s25  }
0xa6: {  	s5 =	sshll.u32 s26, $0x1;
	_ =	strace $0x80000046;
	[dreg:$0x1] =	wrdreg $0xFFFFFFFF  }
0xa7: {  	s28 =	simm.s32 $_size_execute0_lowered;
	s3 =	sadd.s32 s3, s5;
	[dreg:$0x0] =	wrdreg $0x0  }
0xa8: {  	s5 =	sshll.u32 s28, $0x1;
	[dreg:$0x2] =	wrdreg s3  }
0xa9: {  	[dreg:$0x3] =	wrdreg s5  }
0xaa: {  	[dreg:$0x4] =	wrdreg $0xC0  }
0xab: {  	_ =	task [dreg:s7], $0x5FFFF  }
0xac: {  	[dreg:$0x1] =	wrdreg $0xFFFFFFFF  }
0xad: {  	[dreg:$0x0] =	wrdreg $0x60  }
0xae: {  	[dreg:$0x2] =	wrdreg s24  }
0xaf: {  	[dreg:$0x3] =	wrdreg s2  }
0xb0: {  	[dreg:$0x4] =	wrdreg $0x9  }
0xb1: {  	_ =	task.clear_ibuf [dreg:s7], $0x5FFFF;
	_ =	strace $0x90000046  }
0xb2: {  	s29 =	simm.s32 $0x9;
	_ =	strace $0x80000048  }
0xb3: {  	_ =	swait.ge [sflag:s29], $0x1  }
0xb4: {  	[sflag:s29] =	ssyncadd.s32 $0xFFFFFFFF  }
0xb5: {  	_ =	strace $0x90000048  }
0xb6: {  	_ =	sfence  }
0xb7: {  	s30 =	sld [smem:$0x0];
	_ =	sdelay $0x2  }
0xb8: {  	s31 =	sshll.u32 s1, $0xD;
	s1 =	sshrl.u32 s1, $0x2  }
0xb9: {  	s3 =	sand.u32 $0x4000, s31;
	s1 =	sadd.s32 s1, s30  }
0xba: {  	s0 =	sor.u32 s3, s0;
	s1 =	sshll.u32 s1, $0x11  }
0xbb: {  	s0 =	sor.u32 s1, s0  }
0xbc: {  	s0 =	sadd.s32 $0x8F2B, s0  }
0xbd: {  	[sflag:s0] =	ssyncadd.remote.s32 $0x1  }
0xbe: {  	_ =	sfence.sel $0xFFFF  }
0xbf: {  	[dreg:$0x0] =	wrdreg $0xFFFFFFFF;
	(pc) =	sbr.abs _section_cstart, $3  }
0xc0: {  	[dreg:$0x1] =	wrdreg $0xFFFFFFFF  }
0xc1: {  	_ =	task.clear_ibuf [dreg:s7], $0x2FFFF;
	_ =	strace $0x9FFFFFFF  }
0xc2: {  	(tm) =	ssettm $0x7FFFFFFF  }
0xc3: {  	_ =	shalt  }
tec
execute0_lowered:
.L_overlay_start_1:
0x0: {  	(tag) =	ssettag $0x1  }
0x1: {  	s0 =	srdreg.scid;
	s1 =	rddreg [dreg:$0x0]  }
0x2: {  	s13 =	stileid.u32;
	s4 =	rddreg [dreg:$0x1]  }
0x3: {  	s2 =	simm.s32 $0x0;
	s15 =	simm.s32 $0x80;
	s25 =	smul.u32 $0x1900, s13  }
0x4: {  	s16 =	simm.s32 $0x640;
	s0 =	sand.u32 $0x1, s0;
	s29 =	smul.u32 $0x64000, s13  }
0x5: {  	s3 =	sshll.u32 s13, $0x8;
	s5 =	sshll.u32 s0, $0x7;
	s28 =	smul.u32 $0xC80, s0  }
0x6: {  	s23 =	ssub.s32 $0x2, s0;
	s0 =	smul.u32 $0x32000, s0;
	s5 =	sor.u32 s5, s3  }
0x7: {  	s17 =	simm.s32 $0x48;
	[smem:$0x7FF] =	sst s2;
	s6 =	smul.u32 $0x19, s5  }
0x8: {  	s22 =	simm.s32 $0x1;
	_ =	strace $0x80000047;
	s7 =	smul.u32 $0xC8, s5  }
0x9: {  	s8 =	sadd.s32 $0xA00, s1;
	s3 =	sadd.s32 $0xF42E00, s1;
	s9 =	smul.u32 $0x640, s5  }
0xa: {  	s12 =	sshrl.u32 s23, $0x1;
	s10 =	sor.u32 $0x4, s5;
	s5 =	smul.u32 $0x3200, s5  }
0xb: {  	s1 =	ssub.s32 s23, s12;
	s23 =	simm.s32 $0x3;
	s11 =	smul.u32 $0x19, s10  }
0xc: {  	s10 =	smul.u32 $0x640, s10;
	s1 =	smax.u32 s1, $0x1;
	s7 =	sshrl.u32 s7, $0x3  }
0xd: {  	s6 =	sadd.s32 s8, s6;
	s9 =	sadd.s32 s4, s9;
	[dreg:$0xc] =	wrdreg s1  }
0xe: {  	s5 =	sshrl.u32 s5, $0x3;
	s1 =	simm.s32 $0x5;
	[dreg:$0x4] =	wrdreg s6  }
0xf: {  	s7 =	sadd.s32 s8, s7;
	[dreg:$0x6] =	wrdreg s9;
	s26 =	sadd.s32 s8, s11  }
0x10: {  	s10 =	sadd.s32 s4, s10;
	s5 =	sadd.s32 s4, s5;
	[dreg:$0x7] =	wrdreg s26  }
0x11: {  	s6 =	sadd.s32 s25, s8;
	s24 =	sadd.s32 $0xC8, s7;
	[dreg:$0x9] =	wrdreg s10  }
0x12: {  	s4 =	sadd.s32 s29, s4;
	s7 =	sadd.s32 $0x12C, s7;
	[dreg:$0x5] =	wrdreg s24  }
0x13: {  	s25 =	simm.s32 $0x4;
	s30 =	sadd.s32 $0x2EE00, s5;
	[dreg:$0x8] =	wrdreg s7  }
0x14: {  	s5 =	sadd.s32 $0x30700, s5;
	s31 =	sadd.s32 s28, s6;
	[dreg:$0xa] =	wrdreg s30  }
0x15: {  	s0 =	sadd.s32 s0, s4;
	s4 =	simm.s32 $0xCE40;
	[dreg:$0xb] =	wrdreg s5  }
0x16: {  	[dreg:$0x3] =	wrdreg s31;
	s0 =	sadd.s32 $0x4B00, s0;
	s24 =	simm.s32 $0x2  }
0x17: {  	s5 =	simm.s32 $0x0;
	[dreg:$0xd] =	wrdreg s0;
	s0 =	simm.s32 $0x320  }
.LBB2_1:
0x18: {  	[dreg:$0xe] =	wrdreg s5  }
0x19: {  	s26 =	rddreg [dreg:$0x4];
	s28 =	simm.s32 $0x6  }
0x1a: {  	[tilespmem:s2], [sflag:$0x6] =	stream.linear.gather [hbm4b:s26+s2], $0x320, $0x38;
	[tilespmem:$0x19640] =	vst v63  }
0x1b: {  	_ =	swait.ge [sflag:s28], $0x320  }
0x1c: {  	[sflag:s28] =	ssyncset.done $0x0  }
0x1d: {  	[sflag:s28] =	ssyncadd.s32 $0xFFFFFCE0  }
0x1e: {  	[tilespmem:s16], [sflag:$0x5] =	stream.indirect.gather [hbm4b:s3+s15], $0x40, s2, s15, $0xb8;
	[tilespmem:$0x19640] =	vst v63  }
0x1f: {  	s6 =	simm.s32 $0x2640  }
0x20: {  	[tilespmem:s6], [sflag:$0x5] =	stream.indirect.gather [hbm4b:s3+s17], $0x40, s15, s17, $0xb8;
	[tilespmem:$0x19640] =	vst v63  }
0x21: {  	s8 =	simm.s32 $0xC8;
	s31 =	simm.s32 $0x3840  }
0x22: {  	[tilespmem:s31], [sflag:$0x5] =	stream.indirect.gather [hbm4b:s3+s15], $0x40, s8, s15, $0xb8;
	[tilespmem:$0x19640] =	vst v63  }
0x23: {  	s30 =	simm.s32 $0x148;
	s29 =	simm.s32 $0x5840  }
0x24: {  	[tilespmem:s29], [sflag:$0x5] =	stream.indirect.gather [hbm4b:s3+s17], $0x40, s30, s17, $0xb8;
	[tilespmem:$0x19640] =	vst v63  }
0x25: {  	s7 =	simm.s32 $0x190;
	s30 =	simm.s32 $0x6A40  }
0x26: {  	[tilespmem:s30], [sflag:$0x5] =	stream.indirect.gather [hbm4b:s3+s15], $0x40, s7, s15, $0xb8;
	[tilespmem:$0x19640] =	vst v63  }
0x27: {  	s9 =	simm.s32 $0x210;
	s7 =	simm.s32 $0x8A40  }
0x28: {  	[tilespmem:s7], [sflag:$0x5] =	stream.indirect.gather [hbm4b:s3+s17], $0x40, s9, s17, $0xb8;
	[tilespmem:$0x19640] =	vst v63  }
0x29: {  	s10 =	simm.s32 $0x258;
	s11 =	simm.s32 $0x9C40  }
0x2a: {  	[tilespmem:s11], [sflag:$0x5] =	stream.indirect.gather [hbm4b:s3+s15], $0x40, s10, s15, $0xb8;
	[tilespmem:$0x19640] =	vst v63  }
0x2b: {  	s12 =	simm.s32 $0x2D8;
	s13 =	simm.s32 $0xBC40  }
0x2c: {  	[tilespmem:s13], [sflag:$0x5] =	stream.indirect.gather [hbm4b:s3+s17], $0x40, s12, s17, $0xb8;
	[tilespmem:$0x19640] =	vst v63  }
0x2d: {  	_ =	swait.ge [sflag:s1], $0x2000  }
0x2e: {  	[sflag:s1] =	ssyncset.done $0x0  }
0x2f: {  	[sflag:s1] =	ssyncadd.s32 $0xFFFFE000  }
0x30: {  	_ =	swait.ge [sflag:s1], $0x1200  }
0x31: {  	[sflag:s1] =	ssyncset.done $0x0  }
0x32: {  	[sflag:s1] =	ssyncadd.s32 $0xFFFFEE00  }
0x33: {  	_ =	swait.ge [sflag:s1], $0x2000  }
0x34: {  	[sflag:s1] =	ssyncset.done $0x0  }
0x35: {  	[sflag:s1] =	ssyncadd.s32 $0xFFFFE000  }
0x36: {  	_ =	swait.ge [sflag:s1], $0x1200  }
0x37: {  	[sflag:s1] =	ssyncset.done $0x0  }
0x38: {  	[sflag:s1] =	ssyncadd.s32 $0xFFFFEE00  }
0x39: {  	_ =	swait.ge [sflag:s1], $0x2000  }
0x3a: {  	[sflag:s1] =	ssyncset.done $0x0  }
0x3b: {  	[sflag:s1] =	ssyncadd.s32 $0xFFFFE000  }
0x3c: {  	_ =	swait.ge [sflag:s1], $0x1200  }
0x3d: {  	[sflag:s1] =	ssyncset.done $0x0  }
0x3e: {  	[sflag:s1] =	ssyncadd.s32 $0xFFFFEE00  }
0x3f: {  	_ =	swait.ge [sflag:s1], $0x2000  }
0x40: {  	[sflag:s1] =	ssyncset.done $0x0  }
0x41: {  	[sflag:s1] =	ssyncadd.s32 $0xFFFFE000  }
0x42: {  	_ =	swait.ge [sflag:s1], $0x1200  }
0x43: {  	[sflag:s1] =	ssyncset.done $0x0  }
0x44: {  	s14 =	rddreg [dreg:$0x5];
	[sflag:s1] =	ssyncadd.s32 $0xFFFFEE00  }
0x45: {  	[tilespmem:s2], [sflag:$0x1] =	stream.linear.gather [hbm4b:s14+s2], $0x320, $0x38;
	[tilespmem:$0x19640] =	vst v63  }
0x46: {  	s18 =	rddreg [dreg:$0x6]  }
0x47: {  	[hbm4b:s18+s2] =	stream.linear.scatter [tilespmem:s16], [sflag:$0x3], $0xC800, $0x38;
	[tilespmem:$0x19640] =	vst v63  }
0x48: {  	s19 =	rddreg [dreg:$0x7]  }
0x49: {  	[tilespmem:s0], [sflag:$0x6] =	stream.linear.gather [hbm4b:s19+s2], $0x320, $0x38;
	[tilespmem:$0x19640] =	vst v63  }
0x4a: {  	_ =	swait.ge [sflag:s28], $0x320  }
0x4b: {  	[sflag:s28] =	ssyncset.done $0x0  }
0x4c: {  	[sflag:s28] =	ssyncadd.s32 $0xFFFFFCE0  }
0x4d: {  	[tilespmem:s4], [sflag:$0x5] =	stream.indirect.gather [hbm4b:s3+s15], $0x40, s0, s15, $0xb8;
	[tilespmem:$0x19640] =	vst v63  }
0x4e: {  	s9 =	simm.s32 $0x3A0;
	s12 =	simm.s32 $0xEE40  }
0x4f: {  	[tilespmem:s12], [sflag:$0x5] =	stream.indirect.gather [hbm4b:s3+s17], $0x40, s9, s17, $0xb8;
	[tilespmem:$0x19640] =	vst v63  }
0x50: {  	s10 =	simm.s32 $0x3E8;
	s13 =	simm.s32 $0x10040  }
0x51: {  	[tilespmem:s13], [sflag:$0x5] =	stream.indirect.gather [hbm4b:s3+s15], $0x40, s10, s15, $0xb8;
	[tilespmem:$0x19640] =	vst v63  }
0x52: {  	s11 =	simm.s32 $0x468;
	s19 =	simm.s32 $0x12040  }
0x53: {  	[tilespmem:s19], [sflag:$0x5] =	stream.indirect.gather [hbm4b:s3+s17], $0x40, s11, s17, $0xb8;
	[tilespmem:$0x19640] =	vst v63  }
0x54: {  	s20 =	simm.s32 $0x13240;
	s14 =	simm.s32 $0x4B0  }
0x55: {  	[tilespmem:s20], [sflag:$0x5] =	stream.indirect.gather [hbm4b:s3+s15], $0x40, s14, s15, $0xb8;
	[tilespmem:$0x19640] =	vst v63  }
0x56: {  	s7 =	simm.s32 $0x15240;
	s18 =	simm.s32 $0x530  }
0x57: {  	[tilespmem:s7], [sflag:$0x5] =	stream.indirect.gather [hbm4b:s3+s17], $0x40, s18, s17, $0xb8;
	[tilespmem:$0x19640] =	vst v63  }
0x58: {  	s21 =	simm.s32 $0x16440;
	s20 =	simm.s32 $0x578  }
0x59: {  	[tilespmem:s21], [sflag:$0x5] =	stream.indirect.gather [hbm4b:s3+s15], $0x40, s20, s15, $0xb8;
	[tilespmem:$0x19640] =	vst v63  }
0x5a: {  	s26 =	simm.s32 $0x5F8;
	s21 =	simm.s32 $0x18440  }
0x5b: {  	[tilespmem:s21], [sflag:$0x5] =	stream.indirect.gather [hbm4b:s3+s17], $0x40, s26, s17, $0xb8;
	[tilespmem:$0x19640] =	vst v63  }
0x5c: {  	_ =	swait.ge [sflag:s1], $0x2000  }
0x5d: {  	[sflag:s1] =	ssyncset.done $0x0  }
0x5e: {  	[sflag:s1] =	ssyncadd.s32 $0xFFFFE000  }
0x5f: {  	_ =	swait.ge [sflag:s1], $0x1200  }
0x60: {  	[sflag:s1] =	ssyncset.done $0x0  }
0x61: {  	[sflag:s1] =	ssyncadd.s32 $0xFFFFEE00  }
0x62: {  	_ =	swait.ge [sflag:s1], $0x2000  }
0x63: {  	[sflag:s1] =	ssyncset.done $0x0  }
0x64: {  	[sflag:s1] =	ssyncadd.s32 $0xFFFFE000  }
0x65: {  	_ =	swait.ge [sflag:s1], $0x1200  }
0x66: {  	[sflag:s1] =	ssyncset.done $0x0  }
0x67: {  	[sflag:s1] =	ssyncadd.s32 $0xFFFFEE00  }
0x68: {  	_ =	swait.ge [sflag:s1], $0x2000  }
0x69: {  	[sflag:s1] =	ssyncset.done $0x0  }
0x6a: {  	[sflag:s1] =	ssyncadd.s32 $0xFFFFE000  }
0x6b: {  	_ =	swait.ge [sflag:s1], $0x1200  }
0x6c: {  	[sflag:s1] =	ssyncset.done $0x0  }
0x6d: {  	[sflag:s1] =	ssyncadd.s32 $0xFFFFEE00  }
0x6e: {  	_ =	swait.ge [sflag:s1], $0x2000  }
0x6f: {  	[sflag:s1] =	ssyncset.done $0x0  }
0x70: {  	[sflag:s1] =	ssyncadd.s32 $0xFFFFE000  }
0x71: {  	_ =	swait.ge [sflag:s1], $0x1200  }
0x72: {  	[sflag:s1] =	ssyncset.done $0x0  }
0x73: {  	s5 =	rddreg [dreg:$0x8];
	[sflag:s1] =	ssyncadd.s32 $0xFFFFEE00  }
0x74: {  	[tilespmem:s0], [sflag:$0x2] =	stream.linear.gather [hbm4b:s5+s2], $0x320, $0x38;
	[tilespmem:$0x19640] =	vst v63  }
0x75: {  	s21 =	rddreg [dreg:$0x9]  }
0x76: {  	[hbm4b:s21+s2] =	stream.linear.scatter [tilespmem:s4], [sflag:$0x4], $0xC800, $0x38;
	[tilespmem:$0x19640] =	vst v63  }
0x77: {  	_ =	swait.ge [sflag:s22], $0x320  }
0x78: {  	[sflag:s22] =	ssyncset.done $0x0  }
0x79: {  	[sflag:s22] =	ssyncadd.s32 $0xFFFFFCE0  }
0x7a: {  	_ =	swait.ge [sflag:s23], $0xC800  }
0x7b: {  	[sflag:s23] =	ssyncset.done $0x0  }
0x7c: {  	[sflag:s23] =	ssyncadd.s32 $0xFFFF3800  }
0x7d: {  	[tilespmem:s16], [sflag:$0x5] =	stream.indirect.gather [hbm4b:s3+s15], $0x40, s2, s15, $0xb8;
	[tilespmem:$0x19640] =	vst v63  }
0x7e: {  	_ = 	snop  }
0x7f: {  	[tilespmem:s6], [sflag:$0x5] =	stream.indirect.gather [hbm4b:s3+s17], $0x40, s15, s17, $0xb8;
	[tilespmem:$0x19640] =	vst v63  }
0x80: {  	_ = 	snop  }
0x81: {  	[tilespmem:s31], [sflag:$0x5] =	stream.indirect.gather [hbm4b:s3+s15], $0x40, s8, s15, $0xb8;
	[tilespmem:$0x19640] =	vst v63  }
0x82: {  	s26 =	simm.s32 $0x148  }
0x83: {  	[tilespmem:s29], [sflag:$0x5] =	stream.indirect.gather [hbm4b:s3+s17], $0x40, s26, s17, $0xb8;
	[tilespmem:$0x19640] =	vst v63  }
0x84: {  	s31 =	simm.s32 $0x190  }
0x85: {  	[tilespmem:s30], [sflag:$0x5] =	stream.indirect.gather [hbm4b:s3+s15], $0x40, s31, s15, $0xb8;
	[tilespmem:$0x19640] =	vst v63  }
0x86: {  	s6 =	simm.s32 $0x210;
	s8 =	simm.s32 $0x8A40  }
0x87: {  	[tilespmem:s8], [sflag:$0x5] =	stream.indirect.gather [hbm4b:s3+s17], $0x40, s6, s17, $0xb8;
	[tilespmem:$0x19640] =	vst v63  }
0x88: {  	s21 =	simm.s32 $0x258;
	s26 =	simm.s32 $0x9C40  }
0x89: {  	[tilespmem:s26], [sflag:$0x5] =	stream.indirect.gather [hbm4b:s3+s15], $0x40, s21, s15, $0xb8;
	[tilespmem:$0x19640] =	vst v63  }
0x8a: {  	s30 =	simm.s32 $0x2D8;
	s31 =	simm.s32 $0xBC40  }
0x8b: {  	[tilespmem:s31], [sflag:$0x5] =	stream.indirect.gather [hbm4b:s3+s17], $0x40, s30, s17, $0xb8;
	[tilespmem:$0x19640] =	vst v63  }
0x8c: {  	_ =	swait.ge [sflag:s1], $0x2000  }
0x8d: {  	[sflag:s1] =	ssyncset.done $0x0  }
0x8e: {  	[sflag:s1] =	ssyncadd.s32 $0xFFFFE000  }
0x8f: {  	_ =	swait.ge [sflag:s1], $0x1200  }
0x90: {  	[sflag:s1] =	ssyncset.done $0x0  }
0x91: {  	[sflag:s1] =	ssyncadd.s32 $0xFFFFEE00  }
0x92: {  	_ =	swait.ge [sflag:s1], $0x2000  }
0x93: {  	[sflag:s1] =	ssyncset.done $0x0  }
0x94: {  	[sflag:s1] =	ssyncadd.s32 $0xFFFFE000  }
0x95: {  	_ =	swait.ge [sflag:s1], $0x1200  }
0x96: {  	[sflag:s1] =	ssyncset.done $0x0  }
0x97: {  	[sflag:s1] =	ssyncadd.s32 $0xFFFFEE00  }
0x98: {  	_ =	swait.ge [sflag:s1], $0x2000  }
0x99: {  	[sflag:s1] =	ssyncset.done $0x0  }
0x9a: {  	[sflag:s1] =	ssyncadd.s32 $0xFFFFE000  }
0x9b: {  	_ =	swait.ge [sflag:s1], $0x1200  }
0x9c: {  	[sflag:s1] =	ssyncset.done $0x0  }
0x9d: {  	[sflag:s1] =	ssyncadd.s32 $0xFFFFEE00  }
0x9e: {  	_ =	swait.ge [sflag:s1], $0x2000  }
0x9f: {  	[sflag:s1] =	ssyncset.done $0x0  }
0xa0: {  	[sflag:s1] =	ssyncadd.s32 $0xFFFFE000  }
0xa1: {  	_ =	swait.ge [sflag:s1], $0x1200  }
0xa2: {  	s8 =	rddreg [dreg:$0x3]  }
0xa3: {  	[sflag:s1] =	ssyncset.done $0x0;
	s26 =	sadd.s32 $0x0, s8  }
0xa4: {  	s29 =	rddreg [dreg:$0xd];
	[sflag:s1] =	ssyncadd.s32 $0xFFFFEE00;
	s28 =	sadd.s32 $0x190, s26  }
0xa5: {  	[tilespmem:s2], [sflag:$0x1] =	stream.linear.gather [hbm4b:s28+s2], $0x320, $0x38;
	[tilespmem:$0x19640] =	vst v63  }
0xa6: {  	s28 =	sadd.s32 $0xFFFFE700, s29  }
0xa7: {  	[hbm4b:s28+s2] =	stream.linear.scatter [tilespmem:s16], [sflag:$0x3], $0xC800, $0x38;
	[tilespmem:$0x19640] =	vst v63  }
0xa8: {  	_ =	swait.ge [sflag:s24], $0x320  }
0xa9: {  	[sflag:s24] =	ssyncset.done $0x0  }
0xaa: {  	[sflag:s24] =	ssyncadd.s32 $0xFFFFFCE0  }
0xab: {  	_ =	swait.ge [sflag:s25], $0xC800  }
0xac: {  	[sflag:s25] =	ssyncset.done $0x0  }
0xad: {  	[sflag:s25] =	ssyncadd.s32 $0xFFFF3800  }
0xae: {  	[tilespmem:s4], [sflag:$0x5] =	stream.indirect.gather [hbm4b:s3+s15], $0x40, s0, s15, $0xb8;
	[tilespmem:$0x19640] =	vst v63  }
0xaf: {  	_ = 	snop  }
0xb0: {  	[tilespmem:s12], [sflag:$0x5] =	stream.indirect.gather [hbm4b:s3+s17], $0x40, s9, s17, $0xb8;
	[tilespmem:$0x19640] =	vst v63  }
0xb1: {  	_ = 	snop  }
0xb2: {  	[tilespmem:s13], [sflag:$0x5] =	stream.indirect.gather [hbm4b:s3+s15], $0x40, s10, s15, $0xb8;
	[tilespmem:$0x19640] =	vst v63  }
0xb3: {  	_ = 	snop  }
0xb4: {  	[tilespmem:s19], [sflag:$0x5] =	stream.indirect.gather [hbm4b:s3+s17], $0x40, s11, s17, $0xb8;
	[tilespmem:$0x19640] =	vst v63  }
0xb5: {  	s11 =	simm.s32 $0x13240  }
0xb6: {  	[tilespmem:s11], [sflag:$0x5] =	stream.indirect.gather [hbm4b:s3+s15], $0x40, s14, s15, $0xb8;
	[tilespmem:$0x19640] =	vst v63  }
0xb7: {  	_ = 	snop  }
0xb8: {  	[tilespmem:s7], [sflag:$0x5] =	stream.indirect.gather [hbm4b:s3+s17], $0x40, s18, s17, $0xb8;
	[tilespmem:$0x19640] =	vst v63  }
0xb9: {  	s30 =	simm.s32 $0x16440  }
0xba: {  	[tilespmem:s30], [sflag:$0x5] =	stream.indirect.gather [hbm4b:s3+s15], $0x40, s20, s15, $0xb8;
	[tilespmem:$0x19640] =	vst v63  }
0xbb: {  	s31 =	simm.s32 $0x18440;
	s28 =	simm.s32 $0x5F8  }
0xbc: {  	[tilespmem:s31], [sflag:$0x5] =	stream.indirect.gather [hbm4b:s3+s17], $0x40, s28, s17, $0xb8;
	[tilespmem:$0x19640] =	vst v63  }
0xbd: {  	_ =	swait.ge [sflag:s1], $0x2000  }
0xbe: {  	[sflag:s1] =	ssyncset.done $0x0  }
0xbf: {  	[sflag:s1] =	ssyncadd.s32 $0xFFFFE000  }
0xc0: {  	_ =	swait.ge [sflag:s1], $0x1200  }
0xc1: {  	[sflag:s1] =	ssyncset.done $0x0  }
0xc2: {  	[sflag:s1] =	ssyncadd.s32 $0xFFFFEE00  }
0xc3: {  	_ =	swait.ge [sflag:s1], $0x2000  }
0xc4: {  	[sflag:s1] =	ssyncset.done $0x0  }
0xc5: {  	[sflag:s1] =	ssyncadd.s32 $0xFFFFE000  }
0xc6: {  	_ =	swait.ge [sflag:s1], $0x1200  }
0xc7: {  	[sflag:s1] =	ssyncset.done $0x0  }
0xc8: {  	[sflag:s1] =	ssyncadd.s32 $0xFFFFEE00  }
0xc9: {  	_ =	swait.ge [sflag:s1], $0x2000  }
0xca: {  	[sflag:s1] =	ssyncset.done $0x0  }
0xcb: {  	[sflag:s1] =	ssyncadd.s32 $0xFFFFE000  }
0xcc: {  	_ =	swait.ge [sflag:s1], $0x1200  }
0xcd: {  	[sflag:s1] =	ssyncset.done $0x0  }
0xce: {  	s5 =	simm.s32 $0xEE40;
	[sflag:s1] =	ssyncadd.s32 $0xFFFFEE00  }
0xcf: {  	s6 =	simm.s32 $0x18440;
	s21 =	simm.s32 $0x3A0;
	_ =	swait.ge [sflag:s1], $0x2000  }
0xd0: {  	s8 =	simm.s32 $0x10040;
	s26 =	sadd.s32 $0x1F4, s26;
	[sflag:s1] =	ssyncset.done $0x0  }
0xd1: {  	s12 =	simm.s32 $0x12040;
	s9 =	simm.s32 $0x530;
	[sflag:s1] =	ssyncadd.s32 $0xFFFFE000  }
0xd2: {  	s10 =	simm.s32 $0x468;
	s13 =	simm.s32 $0x4B0;
	_ =	swait.ge [sflag:s1], $0x1200  }
0xd3: {  	s19 =	simm.s32 $0x13240;
	s11 =	simm.s32 $0x15240;
	[sflag:s1] =	ssyncset.done $0x0  }
0xd4: {  	s14 =	simm.s32 $0x578;
	s18 =	simm.s32 $0x16440;
	[sflag:s1] =	ssyncadd.s32 $0xFFFFEE00  }
0xd5: {  	[tilespmem:s0], [sflag:$0x2] =	stream.linear.gather [hbm4b:s26+s2], $0x320, $0x38;
	[tilespmem:$0x19640] =	vst v63  }
0xd6: {  	s20 =	simm.s32 $0x5F8;
	s28 =	sadd.s32 $0x3200, s29;
	s26 =	simm.s32 $0xC8  }
.LBB2_2:
0xd7: {  	[hbm4b:s29+s2] =	stream.linear.scatter [tilespmem:s4], [sflag:$0x4], $0xC800, $0x38;
	[tilespmem:$0x19640] =	vst v63  }
0xd8: {  	_ =	swait.ge [sflag:s22], $0x320  }
0xd9: {  	[sflag:s22] =	ssyncset.done $0x0  }
0xda: {  	[sflag:s22] =	ssyncadd.s32 $0xFFFFFCE0  }
0xdb: {  	_ =	swait.ge [sflag:s23], $0xC800  }
0xdc: {  	[sflag:s23] =	ssyncset.done $0x0  }
0xdd: {  	[sflag:s23] =	ssyncadd.s32 $0xFFFF3800  }
0xde: {  	[tilespmem:s16], [sflag:$0x5] =	stream.indirect.gather [hbm4b:s3+s15], $0x40, s2, s15, $0xb8;
	[tilespmem:$0x19640] =	vst v63  }
0xdf: {  	s31 =	simm.s32 $0x2640  }
0xe0: {  	[tilespmem:s31], [sflag:$0x5] =	stream.indirect.gather [hbm4b:s3+s17], $0x40, s15, s17, $0xb8;
	[tilespmem:$0x19640] =	vst v63  }
0xe1: {  	s7 =	simm.s32 $0x3840;
	s31 =	simm.s32 $0xC8  }
0xe2: {  	[tilespmem:s7], [sflag:$0x5] =	stream.indirect.gather [hbm4b:s3+s15], $0x40, s31, s15, $0xb8;
	[tilespmem:$0x19640] =	vst v63  }
0xe3: {  	s31 =	simm.s32 $0x148;
	s7 =	simm.s32 $0x5840  }
0xe4: {  	[tilespmem:s7], [sflag:$0x5] =	stream.indirect.gather [hbm4b:s3+s17], $0x40, s31, s17, $0xb8;
	[tilespmem:$0x19640] =	vst v63  }
0xe5: {  	s31 =	simm.s32 $0x190;
	s7 =	simm.s32 $0x6A40  }
0xe6: {  	[tilespmem:s7], [sflag:$0x5] =	stream.indirect.gather [hbm4b:s3+s15], $0x40, s31, s15, $0xb8;
	[tilespmem:$0x19640] =	vst v63  }
0xe7: {  	s31 =	simm.s32 $0x210;
	s7 =	simm.s32 $0x8A40  }
0xe8: {  	[tilespmem:s7], [sflag:$0x5] =	stream.indirect.gather [hbm4b:s3+s17], $0x40, s31, s17, $0xb8;
	[tilespmem:$0x19640] =	vst v63  }
0xe9: {  	s31 =	simm.s32 $0x258;
	s7 =	simm.s32 $0x9C40  }
0xea: {  	[tilespmem:s7], [sflag:$0x5] =	stream.indirect.gather [hbm4b:s3+s15], $0x40, s31, s15, $0xb8;
	[tilespmem:$0x19640] =	vst v63  }
0xeb: {  	s31 =	simm.s32 $0x2D8;
	s7 =	simm.s32 $0xBC40  }
0xec: {  	[tilespmem:s7], [sflag:$0x5] =	stream.indirect.gather [hbm4b:s3+s17], $0x40, s31, s17, $0xb8;
	[tilespmem:$0x19640] =	vst v63  }
0xed: {  	_ =	swait.ge [sflag:s1], $0x2000  }
0xee: {  	[sflag:s1] =	ssyncset.done $0x0  }
0xef: {  	[sflag:s1] =	ssyncadd.s32 $0xFFFFE000  }
0xf0: {  	_ =	swait.ge [sflag:s1], $0x1200  }
0xf1: {  	[sflag:s1] =	ssyncset.done $0x0  }
0xf2: {  	[sflag:s1] =	ssyncadd.s32 $0xFFFFEE00  }
0xf3: {  	_ =	swait.ge [sflag:s1], $0x2000  }
0xf4: {  	[sflag:s1] =	ssyncset.done $0x0  }
0xf5: {  	[sflag:s1] =	ssyncadd.s32 $0xFFFFE000  }
0xf6: {  	_ =	swait.ge [sflag:s1], $0x1200  }
0xf7: {  	[sflag:s1] =	ssyncset.done $0x0  }
0xf8: {  	[sflag:s1] =	ssyncadd.s32 $0xFFFFEE00  }
0xf9: {  	_ =	swait.ge [sflag:s1], $0x2000  }
0xfa: {  	[sflag:s1] =	ssyncset.done $0x0  }
0xfb: {  	[sflag:s1] =	ssyncadd.s32 $0xFFFFE000  }
0xfc: {  	_ =	swait.ge [sflag:s1], $0x1200  }
0xfd: {  	[sflag:s1] =	ssyncset.done $0x0  }
0xfe: {  	[sflag:s1] =	ssyncadd.s32 $0xFFFFEE00  }
0xff: {  	_ =	swait.ge [sflag:s1], $0x2000  }
0x100: {  	[sflag:s1] =	ssyncset.done $0x0  }
0x101: {  	[sflag:s1] =	ssyncadd.s32 $0xFFFFE000  }
0x102: {  	_ =	swait.ge [sflag:s1], $0x1200  }
0x103: {  	s30 =	smov.u32 s26;
	s7 =	rddreg [dreg:$0x3]  }
0x104: {  	[sflag:s1] =	ssyncset.done $0x0;
	s30 =	sadd.s32 s30, s7  }
0x105: {  	[sflag:s1] =	ssyncadd.s32 $0xFFFFEE00;
	s31 =	sadd.s32 $0x190, s30  }
0x106: {  	[tilespmem:s2], [sflag:$0x1] =	stream.linear.gather [hbm4b:s31+s2], $0x320, $0x38;
	[tilespmem:$0x19640] =	vst v63  }
0x107: {  	s7 =	sadd.s32 $0xFFFFE700, s28  }
0x108: {  	[hbm4b:s7+s2] =	stream.linear.scatter [tilespmem:s16], [sflag:$0x3], $0xC800, $0x38;
	[tilespmem:$0x19640] =	vst v63  }
0x109: {  	_ =	swait.ge [sflag:s24], $0x320  }
0x10a: {  	[sflag:s24] =	ssyncset.done $0x0  }
0x10b: {  	[sflag:s24] =	ssyncadd.s32 $0xFFFFFCE0  }
0x10c: {  	_ =	swait.ge [sflag:s25], $0xC800  }
0x10d: {  	[sflag:s25] =	ssyncset.done $0x0  }
0x10e: {  	[sflag:s25] =	ssyncadd.s32 $0xFFFF3800  }
0x10f: {  	[tilespmem:s4], [sflag:$0x5] =	stream.indirect.gather [hbm4b:s3+s15], $0x40, s0, s15, $0xb8;
	[tilespmem:$0x19640] =	vst v63  }
0x110: {  	_ = 	snop  }
0x111: {  	[tilespmem:s5], [sflag:$0x5] =	stream.indirect.gather [hbm4b:s3+s17], $0x40, s21, s17, $0xb8;
	[tilespmem:$0x19640] =	vst v63  }
0x112: {  	s31 =	simm.s32 $0x3E8  }
0x113: {  	[tilespmem:s8], [sflag:$0x5] =	stream.indirect.gather [hbm4b:s3+s15], $0x40, s31, s15, $0xb8;
	[tilespmem:$0x19640] =	vst v63  }
0x114: {  	_ = 	snop  }
0x115: {  	[tilespmem:s12], [sflag:$0x5] =	stream.indirect.gather [hbm4b:s3+s17], $0x40, s10, s17, $0xb8;
	[tilespmem:$0x19640] =	vst v63  }
0x116: {  	_ = 	snop  }
0x117: {  	[tilespmem:s19], [sflag:$0x5] =	stream.indirect.gather [hbm4b:s3+s15], $0x40, s13, s15, $0xb8;
	[tilespmem:$0x19640] =	vst v63  }
0x118: {  	_ = 	snop  }
0x119: {  	[tilespmem:s11], [sflag:$0x5] =	stream.indirect.gather [hbm4b:s3+s17], $0x40, s9, s17, $0xb8;
	[tilespmem:$0x19640] =	vst v63  }
0x11a: {  	_ = 	snop  }
0x11b: {  	[tilespmem:s18], [sflag:$0x5] =	stream.indirect.gather [hbm4b:s3+s15], $0x40, s14, s15, $0xb8;
	[tilespmem:$0x19640] =	vst v63  }
0x11c: {  	_ = 	snop  }
0x11d: {  	[tilespmem:s6], [sflag:$0x5] =	stream.indirect.gather [hbm4b:s3+s17], $0x40, s20, s17, $0xb8;
	[tilespmem:$0x19640] =	vst v63  }
0x11e: {  	_ =	swait.ge [sflag:s1], $0x2000  }
0x11f: {  	[sflag:s1] =	ssyncset.done $0x0  }
0x120: {  	[sflag:s1] =	ssyncadd.s32 $0xFFFFE000  }
0x121: {  	_ =	swait.ge [sflag:s1], $0x1200  }
0x122: {  	[sflag:s1] =	ssyncset.done $0x0  }
0x123: {  	[sflag:s1] =	ssyncadd.s32 $0xFFFFEE00  }
0x124: {  	_ =	swait.ge [sflag:s1], $0x2000  }
0x125: {  	[sflag:s1] =	ssyncset.done $0x0  }
0x126: {  	[sflag:s1] =	ssyncadd.s32 $0xFFFFE000  }
0x127: {  	_ =	swait.ge [sflag:s1], $0x1200  }
0x128: {  	[sflag:s1] =	ssyncset.done $0x0  }
0x129: {  	[sflag:s1] =	ssyncadd.s32 $0xFFFFEE00  }
0x12a: {  	_ =	swait.ge [sflag:s1], $0x2000  }
0x12b: {  	[sflag:s1] =	ssyncset.done $0x0  }
0x12c: {  	[sflag:s1] =	ssyncadd.s32 $0xFFFFE000  }
0x12d: {  	_ =	swait.ge [sflag:s1], $0x1200  }
0x12e: {  	[sflag:s1] =	ssyncset.done $0x0  }
0x12f: {  	[sflag:s1] =	ssyncadd.s32 $0xFFFFEE00  }
0x130: {  	_ =	swait.ge [sflag:s1], $0x2000  }
0x131: {  	p0 =	sne.s32 s26, $0xA28;
	[sflag:s1] =	ssyncset.done $0x0  }
.Ltmp0:
0x132: {  	[sflag:s1] =	ssyncadd.s32 $0xFFFFE000;
	(pc) =	sbr.rel @p0 .LBB2_2-.Ltmp0, $4  }
0x133: {  	_ =	swait.ge [sflag:s1], $0x1200  }
0x134: {  	s29 =	smov.u32 s28;
	s26 =	sadd.s32 $0xC8, s26;
	[sflag:s1] =	ssyncset.done $0x0  }
0x135: {  	s28 =	sadd.s32 $0x3200, s28;
	s30 =	sadd.s32 $0x1F4, s30;
	[sflag:s1] =	ssyncadd.s32 $0xFFFFEE00  }
0x136: {  	[tilespmem:s0], [sflag:$0x2] =	stream.linear.gather [hbm4b:s30+s2], $0x320, $0x38;
	[tilespmem:$0x19640] =	vst v63  }
0x137: {  	[hbm4b:s29+s2] =	stream.linear.scatter [tilespmem:s4], [sflag:$0x4], $0xC800, $0x38;
	[tilespmem:$0x19640] =	vst v63  }
0x138: {  	_ =	swait.ge [sflag:s22], $0x320  }
0x139: {  	[sflag:s22] =	ssyncset.done $0x0  }
0x13a: {  	[sflag:s22] =	ssyncadd.s32 $0xFFFFFCE0  }
0x13b: {  	_ =	swait.ge [sflag:s23], $0xC800  }
0x13c: {  	[sflag:s23] =	ssyncset.done $0x0  }
0x13d: {  	[sflag:s23] =	ssyncadd.s32 $0xFFFF3800  }
0x13e: {  	[tilespmem:s16], [sflag:$0x5] =	stream.indirect.gather [hbm4b:s3+s15], $0x40, s2, s15, $0xb8;
	[tilespmem:$0x19640] =	vst v63  }
0x13f: {  	s26 =	simm.s32 $0x2640  }
0x140: {  	[tilespmem:s26], [sflag:$0x5] =	stream.indirect.gather [hbm4b:s3+s17], $0x40, s15, s17, $0xb8;
	[tilespmem:$0x19640] =	vst v63  }
0x141: {  	s29 =	simm.s32 $0xC8;
	s7 =	simm.s32 $0x3840  }
0x142: {  	[tilespmem:s7], [sflag:$0x5] =	stream.indirect.gather [hbm4b:s3+s15], $0x40, s29, s15, $0xb8;
	[tilespmem:$0x19640] =	vst v63  }
0x143: {  	s30 =	simm.s32 $0x148;
	s31 =	simm.s32 $0x5840  }
0x144: {  	[tilespmem:s31], [sflag:$0x5] =	stream.indirect.gather [hbm4b:s3+s17], $0x40, s30, s17, $0xb8;
	[tilespmem:$0x19640] =	vst v63  }
0x145: {  	s28 =	simm.s32 $0x190;
	s29 =	simm.s32 $0x6A40  }
0x146: {  	[tilespmem:s29], [sflag:$0x5] =	stream.indirect.gather [hbm4b:s3+s15], $0x40, s28, s15, $0xb8;
	[tilespmem:$0x19640] =	vst v63  }
0x147: {  	s30 =	simm.s32 $0x210;
	s31 =	simm.s32 $0x8A40  }
0x148: {  	[tilespmem:s31], [sflag:$0x5] =	stream.indirect.gather [hbm4b:s3+s17], $0x40, s30, s17, $0xb8;
	[tilespmem:$0x19640] =	vst v63  }
0x149: {  	s28 =	simm.s32 $0x258;
	s29 =	simm.s32 $0x9C40  }
0x14a: {  	[tilespmem:s29], [sflag:$0x5] =	stream.indirect.gather [hbm4b:s3+s15], $0x40, s28, s15, $0xb8;
	[tilespmem:$0x19640] =	vst v63  }
0x14b: {  	s30 =	simm.s32 $0x2D8;
	s31 =	simm.s32 $0xBC40  }
0x14c: {  	[tilespmem:s31], [sflag:$0x5] =	stream.indirect.gather [hbm4b:s3+s17], $0x40, s30, s17, $0xb8;
	[tilespmem:$0x19640] =	vst v63  }
0x14d: {  	_ =	swait.ge [sflag:s1], $0x2000  }
0x14e: {  	[sflag:s1] =	ssyncset.done $0x0  }
0x14f: {  	[sflag:s1] =	ssyncadd.s32 $0xFFFFE000  }
0x150: {  	_ =	swait.ge [sflag:s1], $0x1200  }
0x151: {  	[sflag:s1] =	ssyncset.done $0x0  }
0x152: {  	[sflag:s1] =	ssyncadd.s32 $0xFFFFEE00  }
0x153: {  	_ =	swait.ge [sflag:s1], $0x2000  }
0x154: {  	[sflag:s1] =	ssyncset.done $0x0  }
0x155: {  	[sflag:s1] =	ssyncadd.s32 $0xFFFFE000  }
0x156: {  	_ =	swait.ge [sflag:s1], $0x1200  }
0x157: {  	[sflag:s1] =	ssyncset.done $0x0  }
0x158: {  	[sflag:s1] =	ssyncadd.s32 $0xFFFFEE00  }
0x159: {  	_ =	swait.ge [sflag:s1], $0x2000  }
0x15a: {  	[sflag:s1] =	ssyncset.done $0x0  }
0x15b: {  	[sflag:s1] =	ssyncadd.s32 $0xFFFFE000  }
0x15c: {  	_ =	swait.ge [sflag:s1], $0x1200  }
0x15d: {  	[sflag:s1] =	ssyncset.done $0x0  }
0x15e: {  	[sflag:s1] =	ssyncadd.s32 $0xFFFFEE00  }
0x15f: {  	_ =	swait.ge [sflag:s1], $0x2000  }
0x160: {  	[sflag:s1] =	ssyncset.done $0x0  }
0x161: {  	[sflag:s1] =	ssyncadd.s32 $0xFFFFE000  }
0x162: {  	_ =	swait.ge [sflag:s1], $0x1200  }
0x163: {  	[sflag:s1] =	ssyncset.done $0x0  }
0x164: {  	s7 =	rddreg [dreg:$0xa];
	[sflag:s1] =	ssyncadd.s32 $0xFFFFEE00  }
0x165: {  	[hbm4b:s7+s2] =	stream.linear.scatter [tilespmem:s16], [sflag:$0x3], $0xC800, $0x38;
	[tilespmem:$0x19640] =	vst v63  }
0x166: {  	_ =	swait.ge [sflag:s23], $0xC800  }
0x167: {  	[sflag:s23] =	ssyncset.done $0x0  }
0x168: {  	[sflag:s23] =	ssyncadd.s32 $0xFFFF3800  }
0x169: {  	_ =	swait.ge [sflag:s24], $0x320  }
0x16a: {  	[sflag:s24] =	ssyncset.done $0x0  }
0x16b: {  	[sflag:s24] =	ssyncadd.s32 $0xFFFFFCE0  }
0x16c: {  	_ =	swait.ge [sflag:s25], $0xC800  }
0x16d: {  	[sflag:s25] =	ssyncset.done $0x0  }
0x16e: {  	[sflag:s25] =	ssyncadd.s32 $0xFFFF3800  }
0x16f: {  	[tilespmem:s4], [sflag:$0x5] =	stream.indirect.gather [hbm4b:s3+s15], $0x40, s0, s15, $0xb8;
	[tilespmem:$0x19640] =	vst v63  }
0x170: {  	_ = 	snop  }
0x171: {  	[tilespmem:s5], [sflag:$0x5] =	stream.indirect.gather [hbm4b:s3+s17], $0x40, s21, s17, $0xb8;
	[tilespmem:$0x19640] =	vst v63  }
0x172: {  	s28 =	simm.s32 $0x3E8  }
0x173: {  	[tilespmem:s8], [sflag:$0x5] =	stream.indirect.gather [hbm4b:s3+s15], $0x40, s28, s15, $0xb8;
	[tilespmem:$0x19640] =	vst v63  }
0x174: {  	_ = 	snop  }
0x175: {  	[tilespmem:s12], [sflag:$0x5] =	stream.indirect.gather [hbm4b:s3+s17], $0x40, s10, s17, $0xb8;
	[tilespmem:$0x19640] =	vst v63  }
0x176: {  	_ = 	snop  }
0x177: {  	[tilespmem:s19], [sflag:$0x5] =	stream.indirect.gather [hbm4b:s3+s15], $0x40, s13, s15, $0xb8;
	[tilespmem:$0x19640] =	vst v63  }
0x178: {  	_ = 	snop  }
0x179: {  	[tilespmem:s11], [sflag:$0x5] =	stream.indirect.gather [hbm4b:s3+s17], $0x40, s9, s17, $0xb8;
	[tilespmem:$0x19640] =	vst v63  }
0x17a: {  	_ = 	snop  }
0x17b: {  	[tilespmem:s18], [sflag:$0x5] =	stream.indirect.gather [hbm4b:s3+s15], $0x40, s14, s15, $0xb8;
	[tilespmem:$0x19640] =	vst v63  }
0x17c: {  	_ = 	snop  }
0x17d: {  	[tilespmem:s6], [sflag:$0x5] =	stream.indirect.gather [hbm4b:s3+s17], $0x40, s20, s17, $0xb8;
	[tilespmem:$0x19640] =	vst v63  }
0x17e: {  	_ =	swait.ge [sflag:s1], $0x2000  }
0x17f: {  	[sflag:s1] =	ssyncset.done $0x0  }
0x180: {  	[sflag:s1] =	ssyncadd.s32 $0xFFFFE000  }
0x181: {  	_ =	swait.ge [sflag:s1], $0x1200  }
0x182: {  	[sflag:s1] =	ssyncset.done $0x0  }
0x183: {  	[sflag:s1] =	ssyncadd.s32 $0xFFFFEE00  }
0x184: {  	_ =	swait.ge [sflag:s1], $0x2000  }
0x185: {  	[sflag:s1] =	ssyncset.done $0x0  }
0x186: {  	[sflag:s1] =	ssyncadd.s32 $0xFFFFE000  }
0x187: {  	_ =	swait.ge [sflag:s1], $0x1200  }
0x188: {  	[sflag:s1] =	ssyncset.done $0x0  }
0x189: {  	[sflag:s1] =	ssyncadd.s32 $0xFFFFEE00  }
0x18a: {  	_ =	swait.ge [sflag:s1], $0x2000  }
0x18b: {  	[sflag:s1] =	ssyncset.done $0x0  }
0x18c: {  	[sflag:s1] =	ssyncadd.s32 $0xFFFFE000  }
0x18d: {  	_ =	swait.ge [sflag:s1], $0x1200  }
0x18e: {  	[sflag:s1] =	ssyncset.done $0x0  }
0x18f: {  	[sflag:s1] =	ssyncadd.s32 $0xFFFFEE00  }
0x190: {  	_ =	swait.ge [sflag:s1], $0x2000  }
0x191: {  	[sflag:s1] =	ssyncset.done $0x0  }
0x192: {  	[sflag:s1] =	ssyncadd.s32 $0xFFFFE000  }
0x193: {  	_ =	swait.ge [sflag:s1], $0x1200  }
0x194: {  	[sflag:s1] =	ssyncset.done $0x0  }
0x195: {  	s29 =	rddreg [dreg:$0xb];
	[sflag:s1] =	ssyncadd.s32 $0xFFFFEE00  }
0x196: {  	[hbm4b:s29+s2] =	stream.linear.scatter [tilespmem:s4], [sflag:$0x4], $0xC800, $0x38;
	[tilespmem:$0x19640] =	vst v63  }
0x197: {  	_ =	swait.ge [sflag:s25], $0xC800  }
0x198: {  	s30 =	rddreg [dreg:$0xe]  }
0x199: {  	s31 =	rddreg [dreg:$0xc];
	s5 =	sadd.s32 $0x1, s30  }
0x19a: {  	p0 =	sne.s32 s5, s31  }
.Ltmp1:
0x19b: {  	_ = 	snop;
	(pc) =	sbr.rel @p0 .LBB2_1-.Ltmp1, $3  }
0x19c: {  	_ =	sdelay $0x1  }
0x19d: {  	[sflag:s25] =	ssyncset.done $0x0  }
0x19e: {  	[sflag:s25] =	ssyncadd.s32 $0xFFFF3800  }
0x19f: {  	_ =	sfence.sel $0x180000  }
0x1a0: {  	[bflag:$0x0] =	sbarrier.arrive $0xFFFF  }
0x1a1: {  	_ =	strace $0x90000047  }
0x1a2: {  	s0 =	stileid.u32;
	[bflag:$0x2] =	sbarrier.arrive $0xFFFF  }
0x1a3: {  	p0 =	sne.s32 s0, $0x0;
	s0 =	rddreg [dreg:$0x2]  }
0x1a4: {  	s0 =	sadd.s32 @!p0 $0x100000, s0  }
0x1a5: {  	[sflag:s0] =	ssyncadd.tile.s32 @!p0 $0x1;
	_ =	shalt  }
.Lfunc_end2:
_tile_overlayer_lowered:
.L_overlay_start_2:
0x1a6: {  	(tag) =	ssettag $0x2  }
0x1a7: {  	s0 =	rddreg [dreg:$0x0];
	s2 =	stileid.u32  }
0x1a8: {  	s1 =	rddreg [dreg:$0x1];
	p0 =	sne.s32 s2, $0x0  }
0x1a9: {  	s3 =	rddreg [dreg:$0x2];
	[bflag:$0x3] =	sbarrier.arrive $0xFFFF;
	s2 =	simm.s32 @!p0 $0x1C06  }
0x1aa: {  	[timem:s3], [sflag:s2] =	dma.local @!p0 [hbm:s0], s1  }
0x1ab: {  	s0 =	simm.s32 @!p0 $0x6  }
0x1ac: {  	_ =	swait.ge @!p0 [sflag:s0], s1  }
0x1ad: {  	s1 =	ssub.s32 @!p0 $0x0, s1;
	[sflag:s0] =	ssyncset.done @!p0 $0x0  }
0x1ae: {  	[sflag:s0] =	ssyncadd.s32 @!p0 s1  }
0x1af: {  	[bflag:$0x3] =	sbarrier.arrive $0xFFFF  }
0x1b0: {  	_ =	shalt  }

// kernel: sparse-core-data-format-call.cloned.1.call-start
scs
called_computation_lowered:
.L_overlay_start_0:
0x0: {  	s2 =	sld [smem:$0x3FD9]  }
0x1: {  	s3 =	sld [smem:$0x3FFE];
	_ =	sdelay $0x1  }
0x2: {  	s1 =	srdreg.scid  }
0x3: {  	s0 =	sand.u32 $0x1, s1  }
0x4: {  	s18 =	sshll.u32 s0, $0xA;
	s2 =	sadd.s32 s3, s2  }
0x5: {  	s2 =	sadd.s32 s2, s18  }
0x6: {  	[smem:$0x3FC6] =	sst s2  }
0x7: {  	_ = 	snop  }
0x8: {  	s2 =	sld [smem:$0x3FD0];
	(tm) =	ssettm $0x1  }
0x9: {  	s19 =	sld [smem:$0x3FFB];
	_ =	sdelay $0x3  }
0xa: {  	_ =	strace s19  }
0xb: {  	s3 =	sld [smem:$0x3FFC];
	_ =	sdelay $0x3  }
0xc: {  	_ =	strace s3  }
0xd: {  	s3 =	sld [smem:$0x3FFD];
	_ =	sdelay $0x3  }
0xe: {  	_ =	strace s3  }
0xf: {  	_ =	strace $0x8FFFFFFF  }
0x10: {  	s20 =	sld [smem:$0x3FDB];
	_ =	sdelay $0x1  }
0x11: {  	s4 =	simm.s32 $_scs_section_size  }
0x12: {  	s5 =	simm.s32 $_size__tile_overlayer_lowered;
	s6 =	simm.s32 $_tile_overlayer_lowered  }
0x13: {  	s23 =	simm.s32 $0x1BFF;
	s22 =	sshll.u32 s6, $0x1;
	s3 =	sadd.s32 s4, s20  }
0x14: {  	s7 =	simm.s32 $0x0;
	s21 =	sshll.u32 s5, $0x1;
	s5 =	sadd.s32 s22, s3  }
0x15: {  	[timem:s7], [sflag:s23] =	dma.local [hbm:s5], s21  }
0x16: {  	_ =	swait.ge [sflag:s23], s21  }
0x17: {  	s4 =	ssub.s32 $0x0, s21;
	[sflag:s23] =	ssyncset.done $0x0  }
0x18: {  	[sflag:s23] =	ssyncadd.s32 s4;
	_ =	sdelay $0x1  }
0x19: {  	s24 =	simm.s32 $0x1B8B  }
0x1a: {  	_ =	swait.ge [sflag:s24], $0x1  }
0x1b: {  	[sflag:s24] =	ssyncset.done $0x0  }
0x1c: {  	s26 =	simm.s32 $0x1B8E;
	s25 =	sld [smem:$0x3FFE];
	[sflag:s24] =	ssyncadd.s32 $0xFFFFFFFF  }
0x1d: {  	s27 =	simm.s32 $execute0_lowered;
	[smem:$0x3FD2] =	sst s26  }
0x1e: {  	s5 =	sshll.u32 s27, $0x1;
	_ =	strace $0x80000049;
	[dreg:$0x1] =	wrdreg $0xFFFFFFFF  }
0x1f: {  	s28 =	simm.s32 $_size_execute0_lowered;
	s3 =	sadd.s32 s3, s5;
	[dreg:$0x0] =	wrdreg $0x0  }
0x20: {  	s5 =	sshll.u32 s28, $0x1;
	[dreg:$0x2] =	wrdreg s3  }
0x21: {  	[dreg:$0x3] =	wrdreg s5  }
0x22: {  	[dreg:$0x4] =	wrdreg $0xC0  }
0x23: {  	_ =	task [dreg:s7], $0x5FFFF  }
0x24: {  	[dreg:$0x1] =	wrdreg $0xFFFFFFFF  }
0x25: {  	[dreg:$0x0] =	wrdreg $0x60  }
0x26: {  	[dreg:$0x2] =	wrdreg s25  }
0x27: {  	[dreg:$0x3] =	wrdreg s2  }
0x28: {  	[dreg:$0x4] =	wrdreg $0x9  }
0x29: {  	_ =	task.clear_ibuf [dreg:s7], $0x5FFFF;
	_ =	strace $0x90000049  }
0x2a: {  	s29 =	simm.s32 $0x9;
	_ =	strace $0x8000004B  }
0x2b: {  	_ =	swait.ge [sflag:s29], $0x1  }
0x2c: {  	[sflag:s29] =	ssyncadd.s32 $0xFFFFFFFF  }
0x2d: {  	_ =	strace $0x9000004B  }
0x2e: {  	_ =	sfence  }
0x2f: {  	s30 =	sld [smem:$0x0];
	_ =	sdelay $0x2  }
0x30: {  	s31 =	sshll.u32 s1, $0xD;
	s1 =	sshrl.u32 s1, $0x2  }
0x31: {  	s3 =	sand.u32 $0x4000, s31;
	s1 =	sadd.s32 s1, s30  }
0x32: {  	s0 =	sor.u32 s3, s0;
	s1 =	sshll.u32 s1, $0x11  }
0x33: {  	s0 =	sor.u32 s1, s0  }
0x34: {  	s0 =	sadd.s32 $0x8F2B, s0  }
0x35: {  	[sflag:s0] =	ssyncadd.remote.s32 $0x1  }
0x36: {  	_ =	sfence.sel $0xFFFF  }
0x37: {  	[dreg:$0x0] =	wrdreg $0xFFFFFFFF;
	(pc) =	sbr.abs _section_cstart, $3  }
0x38: {  	[dreg:$0x1] =	wrdreg $0xFFFFFFFF  }
0x39: {  	_ =	task.clear_ibuf [dreg:s7], $0x2FFFF;
	_ =	strace $0x9FFFFFFF  }
0x3a: {  	(tm) =	ssettm $0x7FFFFFFF  }
0x3b: {  	_ =	shalt  }
tec
execute0_lowered:
.L_overlay_start_1:
0x0: {  	(tag) =	ssettag $0x1  }
0x1: {  	s0 =	srdreg.scid  }
0x2: {  	s1 =	sshll.u32 s0, $0x4  }
0x3: {  	s0 =	stileid.u32;
	s1 =	sand.u32 $0x10, s1  }
0x4: {  	s1 =	sor.u32 s0, s1  }
0x5: {  	s6 =	rddreg [dreg:$0x0];
	s4 =	simm.s32 $0x1;
	s2 =	sshll.u32 s1, $0x7  }
0x6: {  	s7 =	simm.s32 $0x2;
	s12 =	simm.s32 $0x0;
	s1 =	ssub.s32 $0x1000, s2  }
0x7: {  	s8 =	simm.s32 $0x8000;
	s13 =	simm.s32 $0x0;
	s3 =	sand.u32 $0xF80, s1  }
0x8: {  	s9 =	simm.s32 $0x0;
	s5 =	sshrl.u32 s1, $0xC;
	p0 =	sne.s32 s3, $0x0  }
.Ltmp0:
0x9: {  	s1 =	rddreg [dreg:$0x2];
	s4 =	simm.s32 @!p0 $0x0;
	(pc) =	sbr.rel .LBB1_1-.Ltmp0, $4  }
0xa: {  	s11 =	simm.s32 $0x0;
	s3 =	rddreg [dreg:$0x1];
	s5 =	sadd.s32 s4, s5  }
0xb: {  	_ =	strace $0x8000004A;
	s4 =	simm.s32 $0x1;
	s5 =	smul.u32 $0xC8, s5  }
0xc: {  	s6 =	sadd.s32 $0xA00, s6;
	s10 =	smov.u32 s2;
	[sflag:s4] =	ssyncpa.u1 $0x0  }
0xd: {  	p0 =	por $0x0, $0x0;
	[sflag:s7] =	ssyncpa.u1 $0x0;
	s7 =	sor.u32 $0x1, s5  }
.LBB1_4:
0xe: {  	s16 =	sshll.u32 s13, $0x3;
	s17 =	sand.u32 $0x78, s13  }
0xf: {  	s30 =	sand.u32 $0x7E00, s13;
	s12 =	sshll.u32 s12, $0xF;
	s16 =	sand.u32 $0xC00, s16  }
0x10: {  	[tilespmem:s15+$0x810 ss:$0x81] =	vst.msk $0xffff, v2;
	s31 =	sand.u32 $0x7, s13;
	s16 =	sor.u32 s17, s16;
	s17 =	sadd.s32 s3, s30  }
0x11: {  	[tilespmem:s15+$0x1020 ss:$0x81] =	vst.msk $0xffff, v0;
	s13 =	sshll.u32 s31, $0x12;
	s12 =	sadd.s32 s12, s17;
	s16 =	sshrl.u32 s16, $0x3  }
0x12: {  	[tilespmem:s15+$0x0 ss:$0x81] =	vst.msk $0xffff, v1;
	s13 =	sor.u32 $0x400, s13;
	s12 =	sadd.s32 s16, s12  }
0x13: {  	[hbm4b:s12+s13] =	stream.strided.scatter [tilespmem:s14], [sflag:$0x2], $0x2000, s8, s13, $0x20;
	[tilespmem:$0x8080] =	vst v63  }
.LBB1_5:
0x14: {  	s14 =	sadd.s32 $0x1, s9  }
0x15: {  	s12 =	sadd.s32 $0x1000, s10;
	s16 =	smov.u32 s10;
	p2 =	sgt.s32 s14, $0xC7  }
0x16: {  	s16 =	smov.u32 @p2 s12  }
0x17: {  	s14 =	simm.s32 @p2 $0x0;
	p2 =	sgt.s32 s16, $0xFFF  }
0x18: {  	s16 =	smov.u32 @p2 s2;
	p2 =	sne.s32 s11, s7  }
.Ltmp1:
0x19: {  	p1 =	slt.u32 s11, $0x2;
	(pc) =	sbr.rel @!p2 .LBB1_6-.Ltmp1, $4  }
0x1a: {  	s15 =	simm.s32 @!p1 $0x2  }
0x1b: {  	s13 =	smov.u32 s10;
	p0 =	por !p0, !p0;
	_ =	swait.ge @!p1 [sflag:s15], $0x2000  }
0x1c: {  	s12 =	smov.u32 s9;
	[sflag:s15] =	ssyncset.done @!p1 $0x0;
	s9 =	smov.u32 s14  }
0x1d: {  	s11 =	sadd.s32 $0x1, s11;
	[sflag:s15] =	ssyncadd.s32 @!p1 $0xFFFFE000;
	s10 =	smov.u32 s16  }
.LBB1_1:
0x1e: {  	p1 =	sge.u32 s11, s5  }
0x1f: {  	s14 =	sand.u32 @!p1 $0x1FFFFFF, s9  }
0x20: {  	s15 =	smulhi.u32 @!p1 $0x147AE15, s14;
	_ =	sdelay $0x1  }
0x21: {  	s15 =	smul.u32 @!p1 $0xC8, s15  }
0x22: {  	s16 =	sxor.u32 @!p1 $0xFFFFFFFF, s11;
	s17 =	smul.u32 @!p1 $0xC80, s10  }
0x23: {  	s31 =	sadd.s32 $0xFFFFFFFF, s11;
	s16 =	sshll.u32 @!p1 s16, $0xD;
	s14 =	ssub.s32 @!p1 s14, s15  }
0x24: {  	s15 =	sand.u32 @!p1 $0x2000, s16;
	s16 =	sadd.s32 @!p1 s6, s17;
	s14 =	sshll.u32 @!p1 s14, $0x4  }
0x25: {  	s17 =	simm.s32 @!p1 $0x6400;
	s14 =	sadd.s32 @!p1 s14, s16;
	s16 =	simm.s32 @!p1 $0x40  }
0x26: {  	[tilespmem:s15], [sflag:$0x1] =	stream.strided.gather @!p1 [hbm4b:s14+s16], $0x2000, s17, s16, $0x38;
	[tilespmem:$0x8080] =	vst v63  }
0x27: {  	p1 =	sge.u32 s31, s5  }
.Ltmp2:
0x28: {  	_ = 	snop;
	(pc) =	sbr.rel @p1 .LBB1_5-.Ltmp2, $1  }
0x29: {  	_ =	sdelay $0x3  }
0x2a: {  	s14 =	simm.s32 $0x1  }
0x2b: {  	_ =	swait.ge [sflag:s4], $0x2000;
	s14 =	simm.s32 @!p0 $0x0  }
0x2c: {  	[sflag:s4] =	ssyncset.done $0x0;
	s15 =	sshll.u32 s14, $0xD  }
0x2d: {  	[sflag:s4] =	ssyncadd.s32 $0xFFFFE000;
	s18 =	sor.u32 $0x20, s15  }
0x2e: {  	s14 =	smul.u32 $0x8100, s14;
	v3 =	vld [tilespmem:s18+$0x10]  }
0x2f: {  	s30 =	sand.u32 $0x1, s11;
	v2 =	vld [tilespmem:s18+$0xFFFFFFF0]  }
0x30: {  	s15 =	smul.u32 $0x8100, s30;
	s14 =	sshrl.u32 s14, $0x2;
	v0 =	vld [tilespmem:s18+$0x0]  }
0x31: {  	v1 =	vld [tilespmem:s18+$0xFFFFFFE0];
	s16 =	sor.u32 $0x4000, s14  }
0x32: {  	s31 =	sshrl.u32 s15, $0x2;
	s15 =	sadd.s32 $0x0, s16  }
0x33: {  	s17 =	simm.s32 $0x4;
	s18 =	sadd.s32 $0x40, s18;
	s14 =	sor.u32 $0x4000, s31;
	[tilespmem:s15+$0x1830 ss:$0x81] =	vst.msk $0xffff, v3  }
.LBB1_3:
0x34: {  	v3 =	vld [tilespmem:s18+$0x10];
	p1 =	sne.s32 s17, $0x1FC;
	[tilespmem:s15+$0x810 ss:$0x81] =	vst.msk $0xffff, v2;
	s19 =	smov.u32 s17;
	s17 =	sadd.s32 $0x4, s17  }
.Ltmp3:
0x35: {  	v2 =	vld [tilespmem:s18+$0xFFFFFFF0];
	[tilespmem:s15+$0x1020 ss:$0x81] =	vst.msk $0xffff, v0;
	(pc) =	sbr.rel @p1 .LBB1_3-.Ltmp3, $4  }
0x36: {  	v0 =	vld [tilespmem:s18+$0x0];
	[tilespmem:s15+$0x0 ss:$0x81] =	vst.msk $0xffff, v1  }
0x37: {  	s15 =	sshra.s32 s19, $0x2;
	v1 =	vld [tilespmem:s18+$0xFFFFFFE0]  }
0x38: {  	s15 =	sadd.s32 s15, s16  }
0x39: {  	s18 =	sadd.s32 $0x40, s18;
	[tilespmem:s15+$0x1830 ss:$0x81] =	vst.msk $0xffff, v3  }
.Ltmp4:
0x3a: {  	_ = 	snop;
	(pc) =	sbr.rel .LBB1_4-.Ltmp4, $1  }
0x3b: {  	_ =	sdelay $0x3  }
.LBB1_6:
0x3c: {  	_ =	sfence.sel $0x180000  }
0x3d: {  	s2 =	simm.s32 $0x1;
	[bflag:$0x0] =	sbarrier.arrive $0xFFFF  }
0x3e: {  	s31 =	simm.s32 $0x2;
	[sflag:s2] =	ssyncpa.u1 $0x1  }
0x3f: {  	[sflag:s31] =	ssyncpa.u1 $0x1  }
0x40: {  	p0 =	sne.s32 s0, $0x0;
	_ =	strace $0x9000004A  }
0x41: {  	s0 =	sadd.s32 @!p0 $0x100000, s1;
	[bflag:$0x2] =	sbarrier.arrive $0xFFFF  }
0x42: {  	[sflag:s0] =	ssyncadd.tile.s32 @!p0 $0x1;
	_ =	shalt  }
.Lfunc_end1:
_tile_overlayer_lowered:
.L_overlay_start_2:
0x43: {  	(tag) =	ssettag $0x2  }
0x44: {  	s0 =	rddreg [dreg:$0x0];
	s2 =	stileid.u32  }
0x45: {  	s1 =	rddreg [dreg:$0x1];
	p0 =	sne.s32 s2, $0x0  }
0x46: {  	s3 =	rddreg [dreg:$0x2];
	[bflag:$0x3] =	sbarrier.arrive $0xFFFF;
	s2 =	simm.s32 @!p0 $0x1C01  }
0x47: {  	[timem:s3], [sflag:s2] =	dma.local @!p0 [hbm:s0], s1  }
0x48: {  	s0 =	simm.s32 @!p0 $0x1  }
0x49: {  	_ =	swait.ge @!p0 [sflag:s0], s1  }
0x4a: {  	s1 =	ssub.s32 @!p0 $0x0, s1;
	[sflag:s0] =	ssyncset.done @!p0 $0x0  }
0x4b: {  	[sflag:s0] =	ssyncadd.s32 @!p0 s1  }
0x4c: {  	[bflag:$0x3] =	sbarrier.arrive $0xFFFF  }
0x4d: {  	_ =	shalt  }

</sc_bundles>
